<compile_context>
chip_gen: v7x
topology: tpu7x:2x2x1
jax: 0.10.2.dev20260603
libtpu: 0.0.44.dev20260713+nightly
codegen_flags: <defaults>
</compile_context>

<pallas_src>
import functools

import jax
import jax.numpy as jnp
from jax import lax
from jax.experimental import pallas as pl
from jax.experimental.pallas import tpu as pltpu
from jax.experimental.pallas import tpu_sc as plsc

N = 10000
D = 128
H = 128
C = 40
E = 320000

NC = 2
NS = 16
NW = NC * NS

CHUNK = 128
CH = 80
CHH = CH
VPR = CHUNK // 16
NBUF = 2
E_PAD = CH * NW * CHUNK
N_PAD = 10240
DUMP = N
ROWS_PER_TILE = N_PAD // NS

_mesh = plsc.VectorSubcoreMesh(core_axis_name="c", subcore_axis_name="s",
                               num_cores=NC, num_subcores=NS)


@functools.partial(
    pl.kernel,
    out_type=jax.ShapeDtypeStruct((NC, N_PAD), jnp.float32),
    mesh=_mesh,
    compiler_params=pltpu.CompilerParams(needs_layout_passes=False),
    scratch_types=[
        pltpu.VMEM((CH, CHUNK), jnp.int32),
        pltpu.VMEM((N_PAD,), jnp.float32),
        pltpu.VMEM((NS, ROWS_PER_TILE), jnp.float32),
        pltpu.VMEM((ROWS_PER_TILE,), jnp.float32),
        pltpu.VMEM_SHARED((NS, N_PAD), jnp.float32),
    ],
)
def _deg_kernel(dst_hbm, out_hbm, dstv, degl, stage, outbuf, shared_stage):
    cid = lax.axis_index("c")
    sid = lax.axis_index("s")
    w = cid * NS + sid
    pltpu.sync_copy(dst_hbm.at[pl.ds(w * CH, CH)], dstv)

    def zero(i, _):
        degl[pl.ds(i * 16, 16)] = jnp.zeros((16,), jnp.float32)
        return _

    lax.fori_loop(0, N_PAD // 16, zero, None)

    ones = jnp.ones((16,), jnp.float32)

    def count(i, _):
        idx = dstv[i // VPR, pl.ds((i % VPR) * 16, 16)]
        plsc.addupdate_scatter(degl, [idx], ones)
        return _

    lax.fori_loop(0, CH * CHUNK // 16, count, None)

    pltpu.sync_copy(degl, shared_stage.at[sid])
    plsc.subcore_barrier()
    pltpu.sync_copy(
        shared_stage.at[:, pl.ds(sid * ROWS_PER_TILE, ROWS_PER_TILE)], stage)

    def combine(c, _):
        acc = jnp.zeros((16,), jnp.float32)
        for r in range(NS):
            acc = acc + stage[r, pl.ds(c * 16, 16)]
        outbuf[pl.ds(c * 16, 16)] = acc
        return _

    lax.fori_loop(0, ROWS_PER_TILE // 16, combine, None)
    pltpu.sync_copy(outbuf, out_hbm.at[cid].at[pl.ds(sid * ROWS_PER_TILE,
                                                     ROWS_PER_TILE)])


@functools.partial(
    pl.kernel,
    out_type=jax.ShapeDtypeStruct((NC, N_PAD, H), jnp.float32),
    mesh=_mesh,
    compiler_params=pltpu.CompilerParams(needs_layout_passes=False),
    scratch_types=[
        pltpu.VMEM((CHH, CHUNK), jnp.int32),
        pltpu.VMEM((NBUF, CHUNK), jnp.int32),
        pltpu.VMEM((NBUF, CHUNK), jnp.int32),
        [pltpu.VMEM((CHUNK, H), jnp.float32)] * NBUF,
        pltpu.VMEM_SHARED((N_PAD, H), jnp.float32),
        [pltpu.SemaphoreType.DMA] * NBUF,
        [pltpu.SemaphoreType.DMA] * NBUF,
    ],
)
def _agg_kernel(hs_hbm, edges_hbm, zeros_hbm, out_hbm,
                ev, srcr, dstr, rows, acc, semg, sems):
    cid = lax.axis_index("c")
    sid = lax.axis_index("s")
    w = cid * NS + sid
    pltpu.sync_copy(zeros_hbm, acc.at[pl.ds(sid * ROWS_PER_TILE, ROWS_PER_TILE)])
    plsc.subcore_barrier()

    def unpack(j, b):
        for q in range(VPR):
            v = ev[j, pl.ds(q * 16, 16)]
            srcr[b, pl.ds(q * 16, 16)] = v & 0xFFFF
            dstr[b, pl.ds(q * 16, 16)] = lax.shift_right_logical(v, 16)

    def run_half(half):
        pltpu.sync_copy(edges_hbm.at[pl.ds(w * CH + half * CHH, CHH)], ev)
        unpack(0, 0)
        pltpu.async_copy(hs_hbm.at[srcr.at[0]], rows[0], semg[0])
        unpack(1, 1)
        pltpu.async_copy(hs_hbm.at[srcr.at[1]], rows[1], semg[1])

        def body(i, _):
            j = 2 * i
            for b in range(2):
                pltpu.make_async_copy(hs_hbm.at[srcr.at[b]], rows[b],
                                      semg[b]).wait()
                pltpu.sync_copy(rows[b], acc.at[dstr.at[b]], add=True)

                @pl.when(j + b + 2 < CHH)
                def _():
                    unpack(j + b + 2, b)
                    pltpu.async_copy(hs_hbm.at[srcr.at[b]], rows[b], semg[b])

            return _

        lax.fori_loop(0, CHH // 2, body, None)

    run_half(0)
    plsc.subcore_barrier()
    sl = pl.ds(sid * ROWS_PER_TILE, ROWS_PER_TILE)
    pltpu.sync_copy(acc.at[sl], out_hbm.at[cid].at[sl])


BR = 1000


def _first_body(x_ref, w_ref, da_ref, db_ref, hs_ref, dis_ref):
    deg = da_ref[...] + db_ref[...] + 1.0
    dis = lax.rsqrt(deg)
    h = jnp.dot(x_ref[...], w_ref[...], preferred_element_type=jnp.float32)
    hs_ref[...] = h * dis
    dis_ref[...] = dis


def _mid_body(p0_ref, p1_ref, hs_ref, dis_ref, b_ref, w_ref, out_ref):
    dis = dis_ref[...]
    agg = p0_ref[...] + p1_ref[...] + hs_ref[...]
    h = dis * agg + b_ref[...]
    h = jnp.where(h > 0, h, jnp.exp(h) - 1.0)
    out_ref[...] = jnp.dot(h, w_ref[...], preferred_element_type=jnp.float32) * dis


def _final_body(p0_ref, p1_ref, hs_ref, dis_ref, b_ref, w_ref, b3_ref, out_ref):
    dis = dis_ref[...]
    agg = p0_ref[...] + p1_ref[...] + hs_ref[...]
    h = dis * agg + b_ref[...]
    h = jnp.where(h > 0, h, jnp.exp(h) - 1.0)
    logits = jnp.dot(h, w_ref[...], preferred_element_type=jnp.float32) + b3_ref[...]
    m = jnp.max(logits, axis=1, keepdims=True)
    lse = jnp.log(jnp.sum(jnp.exp(logits - m), axis=1, keepdims=True)) + m
    out_ref[...] = logits - lse


def _row_spec(width):
    return pl.BlockSpec((BR, width), lambda i: (i, 0))


def _full_spec(r, c):
    return pl.BlockSpec((r, c), lambda i: (0, 0))


_first_mm = pl.pallas_call(
    _first_body,
    grid=(N // BR,),
    in_specs=[_row_spec(D), _full_spec(D, H), _row_spec(1), _row_spec(1)],
    out_specs=[_row_spec(H), _row_spec(1)],
    out_shape=[
        jax.ShapeDtypeStruct((N, H), jnp.float32),
        jax.ShapeDtypeStruct((N, 1), jnp.float32),
    ],
)

_mid_mm = pl.pallas_call(
    _mid_body,
    grid=(N // BR,),
    in_specs=[_row_spec(H), _row_spec(H), _row_spec(H), _row_spec(1),
              _full_spec(1, H), _full_spec(H, H)],
    out_specs=_row_spec(H),
    out_shape=jax.ShapeDtypeStruct((N, H), jnp.float32),
)

_final_mm = pl.pallas_call(
    _final_body,
    grid=(N // BR,),
    in_specs=[_row_spec(H), _row_spec(H), _row_spec(H), _row_spec(1),
              _full_spec(1, H), _full_spec(H, C), _full_spec(1, C)],
    out_specs=_row_spec(C),
    out_shape=jax.ShapeDtypeStruct((N, C), jnp.float32),
)


def kernel(x, edge_index, W1, b1, W2, b2, W3, b3):
    src = edge_index[0].astype(jnp.int32)
    dst = edge_index[1].astype(jnp.int32)
    pad = E_PAD - E
    dst_p = jnp.concatenate([dst, jnp.full((pad,), DUMP, jnp.int32)]).reshape(NW * CH, CHUNK)
    packed = jnp.concatenate(
        [src | (dst << 16), jnp.full((pad,), DUMP << 16, jnp.int32)]
    ).reshape(NW * CH, CHUNK)

    zerosH = jnp.zeros((ROWS_PER_TILE, H), jnp.float32)

    degp = _deg_kernel(dst_p)
    degA = degp[0, :N, None]
    degB = degp[1, :N, None]

    hs1, dis = _first_mm(x, W1, degA, degB)

    agg1 = _agg_kernel(hs1, packed, zerosH)
    hs2 = _mid_mm(agg1[0, :N], agg1[1, :N], hs1, dis, b1.reshape(1, H), W2)

    agg2 = _agg_kernel(hs2, packed, zerosH)
    out = _final_mm(agg2[0, :N], agg2[1, :N], hs2, dis, b2.reshape(1, H),
                    W3, b3.reshape(1, C))
    return out

# --- scband reference (transcript-rebuilt; emitter-appended) ---
"""Pipeline reference for scband-net1-128849019557 (READ-ONLY COPY).

The authoritative reference and input builder live on the scoring server;
editing this copy changes nothing except your own understanding.
"""

import jax, jax.numpy as jnp
import numpy as np

N_NODES = 10000
N_EDGES = 320000
D_FEAT = 128
HIDDEN = 128
N_CLASSES = 40


def setup_inputs(seed: int = 0) -> dict:
    key = jax.random.key(seed)
    ks = jax.random.split(key, 10)
    x = jax.random.normal(ks[0], (N_NODES, D_FEAT), dtype=jnp.float32)
    edge_index = jax.random.randint(ks[1], (2, N_EDGES), 0, N_NODES, dtype=jnp.int32)
    # GCNConv layer 1: num_features -> hidden
    W1 = jax.random.normal(ks[2], (D_FEAT, HIDDEN), dtype=jnp.float32) * (2.0 / (D_FEAT + HIDDEN)) ** 0.5
    b1 = jnp.zeros((HIDDEN,), dtype=jnp.float32)
    # GCNConv layer 2: hidden -> hidden
    W2 = jax.random.normal(ks[3], (HIDDEN, HIDDEN), dtype=jnp.float32) * (2.0 / (HIDDEN + HIDDEN)) ** 0.5
    b2 = jnp.zeros((HIDDEN,), dtype=jnp.float32)
    # final linear lt1: hidden -> num_classes
    W3 = jax.random.normal(ks[4], (HIDDEN, N_CLASSES), dtype=jnp.float32) * (2.0 / (HIDDEN + N_CLASSES)) ** 0.5
    b3 = jnp.zeros((N_CLASSES,), dtype=jnp.float32)
    return {"x": x, "edge_index": edge_index, "W1": W1, "b1": b1, "W2": W2, "b2": b2, "W3": W3, "b3": b3}


def _gcn_conv(x, src, dst, W, b, n_nodes):
    # PyG GCNConv: x' = D^{-1/2} (A + I) D^{-1/2} X W + b
    h = x @ W
    deg = jnp.zeros((n_nodes,), dtype=h.dtype).at[dst].add(1.0)
    deg_inv_sqrt = jnp.where(deg > 0, jax.lax.rsqrt(jnp.maximum(deg, 1.0)), 0.0)
    norm = deg_inv_sqrt[src] * deg_inv_sqrt[dst]
    msg = h[src] * norm[:, None]
    out = jax.ops.segment_sum(msg, dst, num_segments=n_nodes)
    return out + b


def reference(x, edge_index, W1, b1, W2, b2, W3, b3):
    n_nodes = x.shape[0]
    # add self loops (done inside GCNConv in PyG)
    loop = jnp.arange(n_nodes, dtype=edge_index.dtype)
    src = jnp.concatenate([edge_index[0], loop])
    dst = jnp.concatenate([edge_index[1], loop])
    # layer 1
    h = _gcn_conv(x, src, dst, W1, b1, n_nodes)
    h = jax.nn.elu(h)
    # dropout is identity in eval mode
    # layer 2
    h = _gcn_conv(h, src, dst, W2, b2, n_nodes)
    h = jax.nn.elu(h)
    # final linear + log_softmax
    out = h @ W3 + b3
    return jax.nn.log_softmax(out, axis=1)

if __name__ == "__main__":
    import jax
    _d = setup_inputs()
    print(jax.jit(kernel)(*tuple(_d.values())))

</pallas_src>

<mosaic_0001>
#map = affine_map<(d0, d1) -> (0, 0)>
#map1 = affine_map<(d0, d1) -> (0, 0, 0)>
module attributes {stable_mosaic.version = 14 : i64} {
  func.func @_agg_kernel(%arg0: i32, %arg1: i32, %arg2: memref<10000x128xf32, #tpu.memory_space<hbm>>, %arg3: memref<2560x128xi32, #tpu.memory_space<hbm>>, %arg4: memref<640x128xf32, #tpu.memory_space<hbm>>, %arg5: memref<2x10240x128xf32, #tpu.memory_space<hbm>>, %arg6: memref<80x128xi32, #tpu.memory_space<vmem>>, %arg7: memref<2x128xi32, #tpu.memory_space<vmem>>, %arg8: memref<2x128xi32, #tpu.memory_space<vmem>>, %arg9: memref<128x128xf32, #tpu.memory_space<vmem>>, %arg10: memref<128x128xf32, #tpu.memory_space<vmem>>, %arg11: memref<10240x128xf32, #tpu.memory_space<vmem_shared>>, %arg12: memref<!tpu.dma_semaphore, #tpu.memory_space<semaphore_mem>>, %arg13: memref<!tpu.dma_semaphore, #tpu.memory_space<semaphore_mem>>, %arg14: memref<!tpu.dma_semaphore, #tpu.memory_space<semaphore_mem>>, %arg15: memref<!tpu.dma_semaphore, #tpu.memory_space<semaphore_mem>>) attributes {dimension_semantics = [#tpu.dimension_semantics<core_parallel>, #tpu.dimension_semantics<subcore_parallel>], iteration_bounds = array<i64: 2, 16>, scalar_prefetch = 0 : i64, scratch_operands = 10 : i64, tpu.core_type = #tpu.core_type<sc_vector_subcore>, window_params = [{transform_indices = #map}, {transform_indices = #map}, {transform_indices = #map}, {transform_indices = #map1}]} {
    %mul3A = arith.constant 16 : i32
    %mul3A_0 = arith.muli %arg0, %mul3A : i32
    %add3A = arith.addi %mul3A_0, %arg1 : i32
    %mul3A_1 = arith.constant 640 : i32
    %mul3A_2 = arith.muli %arg1, %mul3A_1 : i32
    "tpu.region"() ({
      %run_scoped3A = tpu.sem_alloc : memref<!tpu.dma_semaphore, #tpu.memory_space<semaphore_mem>>
      %dma_start3A_311 = arith.constant 0 : i32
      %dma_start3A_312 = tpu.memref_slice %arg11[%mul3A_2, %dma_start3A_311] : memref<10240x128xf32, #tpu.memory_space<vmem_shared>> -> memref<640x128xf32, #tpu.memory_space<vmem_shared>>
      tpu.enqueue_dma source(%arg4 : memref<640x128xf32, #tpu.memory_space<hbm>>) target(%dma_start3A_312 : memref<640x128xf32, #tpu.memory_space<vmem_shared>>) target_semaphore(%run_scoped3A : memref<!tpu.dma_semaphore, #tpu.memory_space<semaphore_mem>>)
      %dma_wait3A = arith.constant 0 : i32
      %dma_wait3A_313 = tpu.memref_slice %arg11[%mul3A_2, %dma_wait3A] : memref<10240x128xf32, #tpu.memory_space<vmem_shared>> -> memref<640x128xf32, #tpu.memory_space<vmem_shared>>
      tpu.wait_dma2 semaphore(%run_scoped3A : memref<!tpu.dma_semaphore, #tpu.memory_space<semaphore_mem>>) src(%arg4 : memref<640x128xf32, #tpu.memory_space<hbm>>) dst(%dma_wait3A_313 : memref<640x128xf32, #tpu.memory_space<vmem_shared>>)
      tpu.yield
    }) : () -> ()
    %barrier3A = arith.constant 0 : index
    tpu.barrier barrier_id(%barrier3A)
    %mul3A_3 = arith.constant 80 : i32
    %mul3A_4 = arith.muli %add3A, %mul3A_3 : i32
    %add3A_5 = arith.constant 0 : i32
    %add3A_6 = arith.addi %mul3A_4, %add3A_5 : i32
    "tpu.region"() ({
      %run_scoped3A = tpu.sem_alloc : memref<!tpu.dma_semaphore, #tpu.memory_space<semaphore_mem>>
      %dma_start3A_311 = arith.constant 0 : i32
      %dma_start3A_312 = tpu.memref_slice %arg3[%add3A_6, %dma_start3A_311] : memref<2560x128xi32, #tpu.memory_space<hbm>> -> memref<80x128xi32, #tpu.memory_space<hbm>>
      %dma_start3A_313 = arith.constant 0 : i32
      %dma_start3A_314 = tpu.memref_slice %arg3[%add3A_6, %dma_start3A_313] : memref<2560x128xi32, #tpu.memory_space<hbm>> -> memref<80x128xi32, #tpu.memory_space<hbm>>
      tpu.enqueue_dma source(%dma_start3A_314 : memref<80x128xi32, #tpu.memory_space<hbm>>) target(%arg6 : memref<80x128xi32, #tpu.memory_space<vmem>>) target_semaphore(%run_scoped3A : memref<!tpu.dma_semaphore, #tpu.memory_space<semaphore_mem>>)
      %dma_wait3A = arith.constant 0 : i32
      %dma_wait3A_315 = tpu.memref_slice %arg3[%add3A_6, %dma_wait3A] : memref<2560x128xi32, #tpu.memory_space<hbm>> -> memref<80x128xi32, #tpu.memory_space<hbm>>
      %dma_wait3A_316 = arith.constant 0 : i32
      %dma_wait3A_317 = tpu.memref_slice %arg3[%add3A_6, %dma_wait3A_316] : memref<2560x128xi32, #tpu.memory_space<hbm>> -> memref<80x128xi32, #tpu.memory_space<hbm>>
      tpu.wait_dma2 semaphore(%run_scoped3A : memref<!tpu.dma_semaphore, #tpu.memory_space<semaphore_mem>>) src(%dma_wait3A_317 : memref<80x128xi32, #tpu.memory_space<hbm>>) dst(%arg6 : memref<80x128xi32, #tpu.memory_space<vmem>>)
      tpu.yield
    }) : () -> ()
    %get3A = arith.constant 0 : i32
    %get3A_7 = arith.index_cast %get3A : i32 to index
    %get3A_8 = arith.constant 0 : index
    %get3A_9 = tpu.vector_load %arg6[%get3A_7, %get3A_8] {strides = array<i32>} : memref<80x128xi32, #tpu.memory_space<vmem>>, vector<16xi32>,
    %and3A = arith.constant 65535 : i32
    %and3A_10 = vector.broadcast %and3A : i32 to vector<16xi32>
    %and3A_11 = arith.andi %get3A_9, %and3A_10 : vector<16xi32>
    %swap3A = arith.constant 0 : i32
    %swap3A_12 = arith.index_cast %swap3A : i32 to index
    %swap3A_13 = arith.constant 0 : index
    %swap3A_14 = tpu.vector_load %arg7[%swap3A_12, %swap3A_13] {strides = array<i32>} : memref<2x128xi32, #tpu.memory_space<vmem>>, vector<16xi32>,
    tpu.vector_store %arg7[%swap3A_12, %swap3A_13], %and3A_11 {strides = array<i32>} : memref<2x128xi32, #tpu.memory_space<vmem>>, vector<16xi32>,
    %shift_right_logical3A = arith.constant 16 : i32
    %shift_right_logical3A_15 = vector.broadcast %shift_right_logical3A : i32 to vector<16xi32>
    %shift_right_logical3A_16 = arith.shrui %get3A_9, %shift_right_logical3A_15 : vector<16xi32>
    %swap3A_17 = arith.constant 0 : i32
    %swap3A_18 = arith.index_cast %swap3A_17 : i32 to index
    %swap3A_19 = arith.constant 0 : index
    %swap3A_20 = tpu.vector_load %arg8[%swap3A_18, %swap3A_19] {strides = array<i32>} : memref<2x128xi32, #tpu.memory_space<vmem>>, vector<16xi32>,
    tpu.vector_store %arg8[%swap3A_18, %swap3A_19], %shift_right_logical3A_16 {strides = array<i32>} : memref<2x128xi32, #tpu.memory_space<vmem>>, vector<16xi32>,
    %get3A_21 = arith.constant 0 : i32
    %get3A_22 = arith.index_cast %get3A_21 : i32 to index
    %get3A_23 = arith.constant 16 : index
    %get3A_24 = tpu.vector_load %arg6[%get3A_22, %get3A_23] {strides = array<i32>} : memref<80x128xi32, #tpu.memory_space<vmem>>, vector<16xi32>,
    %and3A_25 = arith.constant 65535 : i32
    %and3A_26 = vector.broadcast %and3A_25 : i32 to vector<16xi32>
    %and3A_27 = arith.andi %get3A_24, %and3A_26 : vector<16xi32>
    %swap3A_28 = arith.constant 0 : i32
    %swap3A_29 = arith.index_cast %swap3A_28 : i32 to index
    %swap3A_30 = arith.constant 16 : index
    %swap3A_31 = tpu.vector_load %arg7[%swap3A_29, %swap3A_30] {strides = array<i32>} : memref<2x128xi32, #tpu.memory_space<vmem>>, vector<16xi32>,
    tpu.vector_store %arg7[%swap3A_29, %swap3A_30], %and3A_27 {strides = array<i32>} : memref<2x128xi32, #tpu.memory_space<vmem>>, vector<16xi32>,
    %shift_right_logical3A_32 = arith.constant 16 : i32
    %shift_right_logical3A_33 = vector.broadcast %shift_right_logical3A_32 : i32 to vector<16xi32>
    %shift_right_logical3A_34 = arith.shrui %get3A_24, %shift_right_logical3A_33 : vector<16xi32>
    %swap3A_35 = arith.constant 0 : i32
    %swap3A_36 = arith.index_cast %swap3A_35 : i32 to index
    %swap3A_37 = arith.constant 16 : index
    %swap3A_38 = tpu.vector_load %arg8[%swap3A_36, %swap3A_37] {strides = array<i32>} : memref<2x128xi32, #tpu.memory_space<vmem>>, vector<16xi32>,
    tpu.vector_store %arg8[%swap3A_36, %swap3A_37], %shift_right_logical3A_34 {strides = array<i32>} : memref<2x128xi32, #tpu.memory_space<vmem>>, vector<16xi32>,
    %get3A_39 = arith.constant 0 : i32
    %get3A_40 = arith.index_cast %get3A_39 : i32 to index
    %get3A_41 = arith.constant 32 : index
    %get3A_42 = tpu.vector_load %arg6[%get3A_40, %get3A_41] {strides = array<i32>} : memref<80x128xi32, #tpu.memory_space<vmem>>, vector<16xi32>,
    %and3A_43 = arith.constant 65535 : i32
    %and3A_44 = vector.broadcast %and3A_43 : i32 to vector<16xi32>
    %and3A_45 = arith.andi %get3A_42, %and3A_44 : vector<16xi32>
    %swap3A_46 = arith.constant 0 : i32
    %swap3A_47 = arith.index_cast %swap3A_46 : i32 to index
    %swap3A_48 = arith.constant 32 : index
    %swap3A_49 = tpu.vector_load %arg7[%swap3A_47, %swap3A_48] {strides = array<i32>} : memref<2x128xi32, #tpu.memory_space<vmem>>, vector<16xi32>,
    tpu.vector_store %arg7[%swap3A_47, %swap3A_48], %and3A_45 {strides = array<i32>} : memref<2x128xi32, #tpu.memory_space<vmem>>, vector<16xi32>,
    %shift_right_logical3A_50 = arith.constant 16 : i32
    %shift_right_logical3A_51 = vector.broadcast %shift_right_logical3A_50 : i32 to vector<16xi32>
    %shift_right_logical3A_52 = arith.shrui %get3A_42, %shift_right_logical3A_51 : vector<16xi32>
    %swap3A_53 = arith.constant 0 : i32
    %swap3A_54 = arith.index_cast %swap3A_53 : i32 to index
    %swap3A_55 = arith.constant 32 : index
    %swap3A_56 = tpu.vector_load %arg8[%swap3A_54, %swap3A_55] {strides = array<i32>} : memref<2x128xi32, #tpu.memory_space<vmem>>, vector<16xi32>,
    tpu.vector_store %arg8[%swap3A_54, %swap3A_55], %shift_right_logical3A_52 {strides = array<i32>} : memref<2x128xi32, #tpu.memory_space<vmem>>, vector<16xi32>,
    %get3A_57 = arith.constant 0 : i32
    %get3A_58 = arith.index_cast %get3A_57 : i32 to index
    %get3A_59 = arith.constant 48 : index
    %get3A_60 = tpu.vector_load %arg6[%get3A_58, %get3A_59] {strides = array<i32>} : memref<80x128xi32, #tpu.memory_space<vmem>>, vector<16xi32>,
    %and3A_61 = arith.constant 65535 : i32
    %and3A_62 = vector.broadcast %and3A_61 : i32 to vector<16xi32>
    %and3A_63 = arith.andi %get3A_60, %and3A_62 : vector<16xi32>
    %swap3A_64 = arith.constant 0 : i32
    %swap3A_65 = arith.index_cast %swap3A_64 : i32 to index
    %swap3A_66 = arith.constant 48 : index
    %swap3A_67 = tpu.vector_load %arg7[%swap3A_65, %swap3A_66] {strides = array<i32>} : memref<2x128xi32, #tpu.memory_space<vmem>>, vector<16xi32>,
    tpu.vector_store %arg7[%swap3A_65, %swap3A_66], %and3A_63 {strides = array<i32>} : memref<2x128xi32, #tpu.memory_space<vmem>>, vector<16xi32>,
    %shift_right_logical3A_68 = arith.constant 16 : i32
    %shift_right_logical3A_69 = vector.broadcast %shift_right_logical3A_68 : i32 to vector<16xi32>
    %shift_right_logical3A_70 = arith.shrui %get3A_60, %shift_right_logical3A_69 : vector<16xi32>
    %swap3A_71 = arith.constant 0 : i32
    %swap3A_72 = arith.index_cast %swap3A_71 : i32 to index
    %swap3A_73 = arith.constant 48 : index
    %swap3A_74 = tpu.vector_load %arg8[%swap3A_72, %swap3A_73] {strides = array<i32>} : memref<2x128xi32, #tpu.memory_space<vmem>>, vector<16xi32>,
    tpu.vector_store %arg8[%swap3A_72, %swap3A_73], %shift_right_logical3A_70 {strides = array<i32>} : memref<2x128xi32, #tpu.memory_space<vmem>>, vector<16xi32>,
    %get3A_75 = arith.constant 0 : i32
    %get3A_76 = arith.index_cast %get3A_75 : i32 to index
    %get3A_77 = arith.constant 64 : index
    %get3A_78 = tpu.vector_load %arg6[%get3A_76, %get3A_77] {strides = array<i32>} : memref<80x128xi32, #tpu.memory_space<vmem>>, vector<16xi32>,
    %and3A_79 = arith.constant 65535 : i32
    %and3A_80 = vector.broadcast %and3A_79 : i32 to vector<16xi32>
    %and3A_81 = arith.andi %get3A_78, %and3A_80 : vector<16xi32>
    %swap3A_82 = arith.constant 0 : i32
    %swap3A_83 = arith.index_cast %swap3A_82 : i32 to index
    %swap3A_84 = arith.constant 64 : index
    %swap3A_85 = tpu.vector_load %arg7[%swap3A_83, %swap3A_84] {strides = array<i32>} : memref<2x128xi32, #tpu.memory_space<vmem>>, vector<16xi32>,
    tpu.vector_store %arg7[%swap3A_83, %swap3A_84], %and3A_81 {strides = array<i32>} : memref<2x128xi32, #tpu.memory_space<vmem>>, vector<16xi32>,
    %shift_right_logical3A_86 = arith.constant 16 : i32
    %shift_right_logical3A_87 = vector.broadcast %shift_right_logical3A_86 : i32 to vector<16xi32>
    %shift_right_logical3A_88 = arith.shrui %get3A_78, %shift_right_logical3A_87 : vector<16xi32>
    %swap3A_89 = arith.constant 0 : i32
    %swap3A_90 = arith.index_cast %swap3A_89 : i32 to index
    %swap3A_91 = arith.constant 64 : index
    %swap3A_92 = tpu.vector_load %arg8[%swap3A_90, %swap3A_91] {strides = array<i32>} : memref<2x128xi32, #tpu.memory_space<vmem>>, vector<16xi32>,
    tpu.vector_store %arg8[%swap3A_90, %swap3A_91], %shift_right_logical3A_88 {strides = array<i32>} : memref<2x128xi32, #tpu.memory_space<vmem>>, vector<16xi32>,
    %get3A_93 = arith.constant 0 : i32
    %get3A_94 = arith.index_cast %get3A_93 : i32 to index
    %get3A_95 = arith.constant 80 : index
    %get3A_96 = tpu.vector_load %arg6[%get3A_94, %get3A_95] {strides = array<i32>} : memref<80x128xi32, #tpu.memory_space<vmem>>, vector<16xi32>,
    %and3A_97 = arith.constant 65535 : i32
    %and3A_98 = vector.broadcast %and3A_97 : i32 to vector<16xi32>
    %and3A_99 = arith.andi %get3A_96, %and3A_98 : vector<16xi32>
    %swap3A_100 = arith.constant 0 : i32
    %swap3A_101 = arith.index_cast %swap3A_100 : i32 to index
    %swap3A_102 = arith.constant 80 : index
    %swap3A_103 = tpu.vector_load %arg7[%swap3A_101, %swap3A_102] {strides = array<i32>} : memref<2x128xi32, #tpu.memory_space<vmem>>, vector<16xi32>,
    tpu.vector_store %arg7[%swap3A_101, %swap3A_102], %and3A_99 {strides = array<i32>} : memref<2x128xi32, #tpu.memory_space<vmem>>, vector<16xi32>,
    %shift_right_logical3A_104 = arith.constant 16 : i32
    %shift_right_logical3A_105 = vector.broadcast %shift_right_logical3A_104 : i32 to vector<16xi32>
    %shift_right_logical3A_106 = arith.shrui %get3A_96, %shift_right_logical3A_105 : vector<16xi32>
    %swap3A_107 = arith.constant 0 : i32
    %swap3A_108 = arith.index_cast %swap3A_107 : i32 to index
    %swap3A_109 = arith.constant 80 : index
    %swap3A_110 = tpu.vector_load %arg8[%swap3A_108, %swap3A_109] {strides = array<i32>} : memref<2x128xi32, #tpu.memory_space<vmem>>, vector<16xi32>,
    tpu.vector_store %arg8[%swap3A_108, %swap3A_109], %shift_right_logical3A_106 {strides = array<i32>} : memref<2x128xi32, #tpu.memory_space<vmem>>, vector<16xi32>,
    %get3A_111 = arith.constant 0 : i32
    %get3A_112 = arith.index_cast %get3A_111 : i32 to index
    %get3A_113 = arith.constant 96 : index
    %get3A_114 = tpu.vector_load %arg6[%get3A_112, %get3A_113] {strides = array<i32>} : memref<80x128xi32, #tpu.memory_space<vmem>>, vector<16xi32>,
    %and3A_115 = arith.constant 65535 : i32
    %and3A_116 = vector.broadcast %and3A_115 : i32 to vector<16xi32>
    %and3A_117 = arith.andi %get3A_114, %and3A_116 : vector<16xi32>
    %swap3A_118 = arith.constant 0 : i32
    %swap3A_119 = arith.index_cast %swap3A_118 : i32 to index
    %swap3A_120 = arith.constant 96 : index
    %swap3A_121 = tpu.vector_load %arg7[%swap3A_119, %swap3A_120] {strides = array<i32>} : memref<2x128xi32, #tpu.memory_space<vmem>>, vector<16xi32>,
    tpu.vector_store %arg7[%swap3A_119, %swap3A_120], %and3A_117 {strides = array<i32>} : memref<2x128xi32, #tpu.memory_space<vmem>>, vector<16xi32>,
    %shift_right_logical3A_122 = arith.constant 16 : i32
    %shift_right_logical3A_123 = vector.broadcast %shift_right_logical3A_122 : i32 to vector<16xi32>
    %shift_right_logical3A_124 = arith.shrui %get3A_114, %shift_right_logical3A_123 : vector<16xi32>
    %swap3A_125 = arith.constant 0 : i32
    %swap3A_126 = arith.index_cast %swap3A_125 : i32 to index
    %swap3A_127 = arith.constant 96 : index
    %swap3A_128 = tpu.vector_load %arg8[%swap3A_126, %swap3A_127] {strides = array<i32>} : memref<2x128xi32, #tpu.memory_space<vmem>>, vector<16xi32>,
    tpu.vector_store %arg8[%swap3A_126, %swap3A_127], %shift_right_logical3A_124 {strides = array<i32>} : memref<2x128xi32, #tpu.memory_space<vmem>>, vector<16xi32>,
    %get3A_129 = arith.constant 0 : i32
    %get3A_130 = arith.index_cast %get3A_129 : i32 to index
    %get3A_131 = arith.constant 112 : index
    %get3A_132 = tpu.vector_load %arg6[%get3A_130, %get3A_131] {strides = array<i32>} : memref<80x128xi32, #tpu.memory_space<vmem>>, vector<16xi32>,
    %and3A_133 = arith.constant 65535 : i32
    %and3A_134 = vector.broadcast %and3A_133 : i32 to vector<16xi32>
    %and3A_135 = arith.andi %get3A_132, %and3A_134 : vector<16xi32>
    %swap3A_136 = arith.constant 0 : i32
    %swap3A_137 = arith.index_cast %swap3A_136 : i32 to index
    %swap3A_138 = arith.constant 112 : index
    %swap3A_139 = tpu.vector_load %arg7[%swap3A_137, %swap3A_138] {strides = array<i32>} : memref<2x128xi32, #tpu.memory_space<vmem>>, vector<16xi32>,
    tpu.vector_store %arg7[%swap3A_137, %swap3A_138], %and3A_135 {strides = array<i32>} : memref<2x128xi32, #tpu.memory_space<vmem>>, vector<16xi32>,
    %shift_right_logical3A_140 = arith.constant 16 : i32
    %shift_right_logical3A_141 = vector.broadcast %shift_right_logical3A_140 : i32 to vector<16xi32>
    %shift_right_logical3A_142 = arith.shrui %get3A_132, %shift_right_logical3A_141 : vector<16xi32>
    %swap3A_143 = arith.constant 0 : i32
    %swap3A_144 = arith.index_cast %swap3A_143 : i32 to index
    %swap3A_145 = arith.constant 112 : index
    %swap3A_146 = tpu.vector_load %arg8[%swap3A_144, %swap3A_145] {strides = array<i32>} : memref<2x128xi32, #tpu.memory_space<vmem>>, vector<16xi32>,
    tpu.vector_store %arg8[%swap3A_144, %swap3A_145], %shift_right_logical3A_142 {strides = array<i32>} : memref<2x128xi32, #tpu.memory_space<vmem>>, vector<16xi32>,
    %dma_start3A = arith.constant 0 : i32
    %dma_start3A_147 = arith.constant 0 : i32
    %dma_start3A_148 = tpu.memref_slice %arg7[%dma_start3A, %dma_start3A_147] : memref<2x128xi32, #tpu.memory_space<vmem>> -> memref<1x128xi32, #tpu.memory_space<vmem>>
    %dma_start3A_149 = tpu.memref_squeeze %dma_start3A_148 : memref<1x128xi32, #tpu.memory_space<vmem>> -> memref<128xi32, #tpu.memory_space<vmem>>
    %dma_start3A_150 = arith.constant 0 : i32
    %dma_start3A_151 = arith.constant 0 : i32
    %dma_start3A_152 = tpu.memref_slice %arg2[%dma_start3A_150, %dma_start3A_151] : memref<10000x128xf32, #tpu.memory_space<hbm>> -> memref<10000x128xf32, #tpu.memory_space<hbm>>
    tpu.enqueue_indirect_dma source(%dma_start3A_152 : memref<10000x128xf32, #tpu.memory_space<hbm>>) target(%arg9 : memref<128x128xf32, #tpu.memory_space<vmem>>) offsets(%dma_start3A_149 : memref<128xi32, #tpu.memory_space<vmem>>) semaphore(%arg12 : memref<!tpu.dma_semaphore, #tpu.memory_space<semaphore_mem>>)
    %get3A_153 = arith.constant 1 : i32
    %get3A_154 = arith.index_cast %get3A_153 : i32 to index
    %get3A_155 = arith.constant 0 : index
    %get3A_156 = tpu.vector_load %arg6[%get3A_154, %get3A_155] {strides = array<i32>} : memref<80x128xi32, #tpu.memory_space<vmem>>, vector<16xi32>,
    %and3A_157 = arith.constant 65535 : i32
    %and3A_158 = vector.broadcast %and3A_157 : i32 to vector<16xi32>
    %and3A_159 = arith.andi %get3A_156, %and3A_158 : vector<16xi32>
    %swap3A_160 = arith.constant 1 : i32
    %swap3A_161 = arith.index_cast %swap3A_160 : i32 to index
    %swap3A_162 = arith.constant 0 : index
    %swap3A_163 = tpu.vector_load %arg7[%swap3A_161, %swap3A_162] {strides = array<i32>} : memref<2x128xi32, #tpu.memory_space<vmem>>, vector<16xi32>,
    tpu.vector_store %arg7[%swap3A_161, %swap3A_162], %and3A_159 {strides = array<i32>} : memref<2x128xi32, #tpu.memory_space<vmem>>, vector<16xi32>,
    %shift_right_logical3A_164 = arith.constant 16 : i32
    %shift_right_logical3A_165 = vector.broadcast %shift_right_logical3A_164 : i32 to vector<16xi32>
    %shift_right_logical3A_166 = arith.shrui %get3A_156, %shift_right_logical3A_165 : vector<16xi32>
    %swap3A_167 = arith.constant 1 : i32
    %swap3A_168 = arith.index_cast %swap3A_167 : i32 to index
    %swap3A_169 = arith.constant 0 : index
    %swap3A_170 = tpu.vector_load %arg8[%swap3A_168, %swap3A_169] {strides = array<i32>} : memref<2x128xi32, #tpu.memory_space<vmem>>, vector<16xi32>,
    tpu.vector_store %arg8[%swap3A_168, %swap3A_169], %shift_right_logical3A_166 {strides = array<i32>} : memref<2x128xi32, #tpu.memory_space<vmem>>, vector<16xi32>,
    %get3A_171 = arith.constant 1 : i32
    %get3A_172 = arith.index_cast %get3A_171 : i32 to index
    %get3A_173 = arith.constant 16 : index
    %get3A_174 = tpu.vector_load %arg6[%get3A_172, %get3A_173] {strides = array<i32>} : memref<80x128xi32, #tpu.memory_space<vmem>>, vector<16xi32>,
    %and3A_175 = arith.constant 65535 : i32
    %and3A_176 = vector.broadcast %and3A_175 : i32 to vector<16xi32>
    %and3A_177 = arith.andi %get3A_174, %and3A_176 : vector<16xi32>
    %swap3A_178 = arith.constant 1 : i32
    %swap3A_179 = arith.index_cast %swap3A_178 : i32 to index
    %swap3A_180 = arith.constant 16 : index
    %swap3A_181 = tpu.vector_load %arg7[%swap3A_179, %swap3A_180] {strides = array<i32>} : memref<2x128xi32, #tpu.memory_space<vmem>>, vector<16xi32>,
    tpu.vector_store %arg7[%swap3A_179, %swap3A_180], %and3A_177 {strides = array<i32>} : memref<2x128xi32, #tpu.memory_space<vmem>>, vector<16xi32>,
    %shift_right_logical3A_182 = arith.constant 16 : i32
    %shift_right_logical3A_183 = vector.broadcast %shift_right_logical3A_182 : i32 to vector<16xi32>
    %shift_right_logical3A_184 = arith.shrui %get3A_174, %shift_right_logical3A_183 : vector<16xi32>
    %swap3A_185 = arith.constant 1 : i32
    %swap3A_186 = arith.index_cast %swap3A_185 : i32 to index
    %swap3A_187 = arith.constant 16 : index
    %swap3A_188 = tpu.vector_load %arg8[%swap3A_186, %swap3A_187] {strides = array<i32>} : memref<2x128xi32, #tpu.memory_space<vmem>>, vector<16xi32>,
    tpu.vector_store %arg8[%swap3A_186, %swap3A_187], %shift_right_logical3A_184 {strides = array<i32>} : memref<2x128xi32, #tpu.memory_space<vmem>>, vector<16xi32>,
    %get3A_189 = arith.constant 1 : i32
    %get3A_190 = arith.index_cast %get3A_189 : i32 to index
    %get3A_191 = arith.constant 32 : index
    %get3A_192 = tpu.vector_load %arg6[%get3A_190, %get3A_191] {strides = array<i32>} : memref<80x128xi32, #tpu.memory_space<vmem>>, vector<16xi32>,
    %and3A_193 = arith.constant 65535 : i32
    %and3A_194 = vector.broadcast %and3A_193 : i32 to vector<16xi32>
    %and3A_195 = arith.andi %get3A_192, %and3A_194 : vector<16xi32>
    %swap3A_196 = arith.constant 1 : i32
    %swap3A_197 = arith.index_cast %swap3A_196 : i32 to index
    %swap3A_198 = arith.constant 32 : index
    %swap3A_199 = tpu.vector_load %arg7[%swap3A_197, %swap3A_198] {strides = array<i32>} : memref<2x128xi32, #tpu.memory_space<vmem>>, vector<16xi32>,
    tpu.vector_store %arg7[%swap3A_197, %swap3A_198], %and3A_195 {strides = array<i32>} : memref<2x128xi32, #tpu.memory_space<vmem>>, vector<16xi32>,
    %shift_right_logical3A_200 = arith.constant 16 : i32
    %shift_right_logical3A_201 = vector.broadcast %shift_right_logical3A_200 : i32 to vector<16xi32>
    %shift_right_logical3A_202 = arith.shrui %get3A_192, %shift_right_logical3A_201 : vector<16xi32>
    %swap3A_203 = arith.constant 1 : i32
    %swap3A_204 = arith.index_cast %swap3A_203 : i32 to index
    %swap3A_205 = arith.constant 32 : index
    %swap3A_206 = tpu.vector_load %arg8[%swap3A_204, %swap3A_205] {strides = array<i32>} : memref<2x128xi32, #tpu.memory_space<vmem>>, vector<16xi32>,
    tpu.vector_store %arg8[%swap3A_204, %swap3A_205], %shift_right_logical3A_202 {strides = array<i32>} : memref<2x128xi32, #tpu.memory_space<vmem>>, vector<16xi32>,
    %get3A_207 = arith.constant 1 : i32
    %get3A_208 = arith.index_cast %get3A_207 : i32 to index
    %get3A_209 = arith.constant 48 : index
    %get3A_210 = tpu.vector_load %arg6[%get3A_208, %get3A_209] {strides = array<i32>} : memref<80x128xi32, #tpu.memory_space<vmem>>, vector<16xi32>,
    %and3A_211 = arith.constant 65535 : i32
    %and3A_212 = vector.broadcast %and3A_211 : i32 to vector<16xi32>
    %and3A_213 = arith.andi %get3A_210, %and3A_212 : vector<16xi32>
    %swap3A_214 = arith.constant 1 : i32
    %swap3A_215 = arith.index_cast %swap3A_214 : i32 to index
    %swap3A_216 = arith.constant 48 : index
    %swap3A_217 = tpu.vector_load %arg7[%swap3A_215, %swap3A_216] {strides = array<i32>} : memref<2x128xi32, #tpu.memory_space<vmem>>, vector<16xi32>,
    tpu.vector_store %arg7[%swap3A_215, %swap3A_216], %and3A_213 {strides = array<i32>} : memref<2x128xi32, #tpu.memory_space<vmem>>, vector<16xi32>,
    %shift_right_logical3A_218 = arith.constant 16 : i32
    %shift_right_logical3A_219 = vector.broadcast %shift_right_logical3A_218 : i32 to vector<16xi32>
    %shift_right_logical3A_220 = arith.shrui %get3A_210, %shift_right_logical3A_219 : vector<16xi32>
    %swap3A_221 = arith.constant 1 : i32
    %swap3A_222 = arith.index_cast %swap3A_221 : i32 to index
    %swap3A_223 = arith.constant 48 : index
    %swap3A_224 = tpu.vector_load %arg8[%swap3A_222, %swap3A_223] {strides = array<i32>} : memref<2x128xi32, #tpu.memory_space<vmem>>, vector<16xi32>,
    tpu.vector_store %arg8[%swap3A_222, %swap3A_223], %shift_right_logical3A_220 {strides = array<i32>} : memref<2x128xi32, #tpu.memory_space<vmem>>, vector<16xi32>,
    %get3A_225 = arith.constant 1 : i32
    %get3A_226 = arith.index_cast %get3A_225 : i32 to index
    %get3A_227 = arith.constant 64 : index
    %get3A_228 = tpu.vector_load %arg6[%get3A_226, %get3A_227] {strides = array<i32>} : memref<80x128xi32, #tpu.memory_space<vmem>>, vector<16xi32>,
    %and3A_229 = arith.constant 65535 : i32
    %and3A_230 = vector.broadcast %and3A_229 : i32 to vector<16xi32>
    %and3A_231 = arith.andi %get3A_228, %and3A_230 : vector<16xi32>
    %swap3A_232 = arith.constant 1 : i32
    %swap3A_233 = arith.index_cast %swap3A_232 : i32 to index
    %swap3A_234 = arith.constant 64 : index
    %swap3A_235 = tpu.vector_load %arg7[%swap3A_233, %swap3A_234] {strides = array<i32>} : memref<2x128xi32, #tpu.memory_space<vmem>>, vector<16xi32>,
    tpu.vector_store %arg7[%swap3A_233, %swap3A_234], %and3A_231 {strides = array<i32>} : memref<2x128xi32, #tpu.memory_space<vmem>>, vector<16xi32>,
    %shift_right_logical3A_236 = arith.constant 16 : i32
    %shift_right_logical3A_237 = vector.broadcast %shift_right_logical3A_236 : i32 to vector<16xi32>
    %shift_right_logical3A_238 = arith.shrui %get3A_228, %shift_right_logical3A_237 : vector<16xi32>
    %swap3A_239 = arith.constant 1 : i32
    %swap3A_240 = arith.index_cast %swap3A_239 : i32 to index
    %swap3A_241 = arith.constant 64 : index
    %swap3A_242 = tpu.vector_load %arg8[%swap3A_240, %swap3A_241] {strides = array<i32>} : memref<2x128xi32, #tpu.memory_space<vmem>>, vector<16xi32>,
    tpu.vector_store %arg8[%swap3A_240, %swap3A_241], %shift_right_logical3A_238 {strides = array<i32>} : memref<2x128xi32, #tpu.memory_space<vmem>>, vector<16xi32>,
    %get3A_243 = arith.constant 1 : i32
    %get3A_244 = arith.index_cast %get3A_243 : i32 to index
    %get3A_245 = arith.constant 80 : index
    %get3A_246 = tpu.vector_load %arg6[%get3A_244, %get3A_245] {strides = array<i32>} : memref<80x128xi32, #tpu.memory_space<vmem>>, vector<16xi32>,
    %and3A_247 = arith.constant 65535 : i32
    %and3A_248 = vector.broadcast %and3A_247 : i32 to vector<16xi32>
    %and3A_249 = arith.andi %get3A_246, %and3A_248 : vector<16xi32>
    %swap3A_250 = arith.constant 1 : i32
    %swap3A_251 = arith.index_cast %swap3A_250 : i32 to index
    %swap3A_252 = arith.constant 80 : index
    %swap3A_253 = tpu.vector_load %arg7[%swap3A_251, %swap3A_252] {strides = array<i32>} : memref<2x128xi32, #tpu.memory_space<vmem>>, vector<16xi32>,
    tpu.vector_store %arg7[%swap3A_251, %swap3A_252], %and3A_249 {strides = array<i32>} : memref<2x128xi32, #tpu.memory_space<vmem>>, vector<16xi32>,
    %shift_right_logical3A_254 = arith.constant 16 : i32
    %shift_right_logical3A_255 = vector.broadcast %shift_right_logical3A_254 : i32 to vector<16xi32>
    %shift_right_logical3A_256 = arith.shrui %get3A_246, %shift_right_logical3A_255 : vector<16xi32>
    %swap3A_257 = arith.constant 1 : i32
    %swap3A_258 = arith.index_cast %swap3A_257 : i32 to index
    %swap3A_259 = arith.constant 80 : index
    %swap3A_260 = tpu.vector_load %arg8[%swap3A_258, %swap3A_259] {strides = array<i32>} : memref<2x128xi32, #tpu.memory_space<vmem>>, vector<16xi32>,
    tpu.vector_store %arg8[%swap3A_258, %swap3A_259], %shift_right_logical3A_256 {strides = array<i32>} : memref<2x128xi32, #tpu.memory_space<vmem>>, vector<16xi32>,
    %get3A_261 = arith.constant 1 : i32
    %get3A_262 = arith.index_cast %get3A_261 : i32 to index
    %get3A_263 = arith.constant 96 : index
    %get3A_264 = tpu.vector_load %arg6[%get3A_262, %get3A_263] {strides = array<i32>} : memref<80x128xi32, #tpu.memory_space<vmem>>, vector<16xi32>,
    %and3A_265 = arith.constant 65535 : i32
    %and3A_266 = vector.broadcast %and3A_265 : i32 to vector<16xi32>
    %and3A_267 = arith.andi %get3A_264, %and3A_266 : vector<16xi32>
    %swap3A_268 = arith.constant 1 : i32
    %swap3A_269 = arith.index_cast %swap3A_268 : i32 to index
    %swap3A_270 = arith.constant 96 : index
    %swap3A_271 = tpu.vector_load %arg7[%swap3A_269, %swap3A_270] {strides = array<i32>} : memref<2x128xi32, #tpu.memory_space<vmem>>, vector<16xi32>,
    tpu.vector_store %arg7[%swap3A_269, %swap3A_270], %and3A_267 {strides = array<i32>} : memref<2x128xi32, #tpu.memory_space<vmem>>, vector<16xi32>,
    %shift_right_logical3A_272 = arith.constant 16 : i32
    %shift_right_logical3A_273 = vector.broadcast %shift_right_logical3A_272 : i32 to vector<16xi32>
    %shift_right_logical3A_274 = arith.shrui %get3A_264, %shift_right_logical3A_273 : vector<16xi32>
    %swap3A_275 = arith.constant 1 : i32
    %swap3A_276 = arith.index_cast %swap3A_275 : i32 to index
    %swap3A_277 = arith.constant 96 : index
    %swap3A_278 = tpu.vector_load %arg8[%swap3A_276, %swap3A_277] {strides = array<i32>} : memref<2x128xi32, #tpu.memory_space<vmem>>, vector<16xi32>,
    tpu.vector_store %arg8[%swap3A_276, %swap3A_277], %shift_right_logical3A_274 {strides = array<i32>} : memref<2x128xi32, #tpu.memory_space<vmem>>, vector<16xi32>,
    %get3A_279 = arith.constant 1 : i32
    %get3A_280 = arith.index_cast %get3A_279 : i32 to index
    %get3A_281 = arith.constant 112 : index
    %get3A_282 = tpu.vector_load %arg6[%get3A_280, %get3A_281] {strides = array<i32>} : memref<80x128xi32, #tpu.memory_space<vmem>>, vector<16xi32>,
    %and3A_283 = arith.constant 65535 : i32
    %and3A_284 = vector.broadcast %and3A_283 : i32 to vector<16xi32>
    %and3A_285 = arith.andi %get3A_282, %and3A_284 : vector<16xi32>
    %swap3A_286 = arith.constant 1 : i32
    %swap3A_287 = arith.index_cast %swap3A_286 : i32 to index
    %swap3A_288 = arith.constant 112 : index
    %swap3A_289 = tpu.vector_load %arg7[%swap3A_287, %swap3A_288] {strides = array<i32>} : memref<2x128xi32, #tpu.memory_space<vmem>>, vector<16xi32>,
    tpu.vector_store %arg7[%swap3A_287, %swap3A_288], %and3A_285 {strides = array<i32>} : memref<2x128xi32, #tpu.memory_space<vmem>>, vector<16xi32>,
    %shift_right_logical3A_290 = arith.constant 16 : i32
    %shift_right_logical3A_291 = vector.broadcast %shift_right_logical3A_290 : i32 to vector<16xi32>
    %shift_right_logical3A_292 = arith.shrui %get3A_282, %shift_right_logical3A_291 : vector<16xi32>
    %swap3A_293 = arith.constant 1 : i32
    %swap3A_294 = arith.index_cast %swap3A_293 : i32 to index
    %swap3A_295 = arith.constant 112 : index
    %swap3A_296 = tpu.vector_load %arg8[%swap3A_294, %swap3A_295] {strides = array<i32>} : memref<2x128xi32, #tpu.memory_space<vmem>>, vector<16xi32>,
    tpu.vector_store %arg8[%swap3A_294, %swap3A_295], %shift_right_logical3A_292 {strides = array<i32>} : memref<2x128xi32, #tpu.memory_space<vmem>>, vector<16xi32>,
    %dma_start3A_297 = arith.constant 1 : i32
    %dma_start3A_298 = arith.constant 0 : i32
    %dma_start3A_299 = tpu.memref_slice %arg7[%dma_start3A_297, %dma_start3A_298] : memref<2x128xi32, #tpu.memory_space<vmem>> -> memref<1x128xi32, #tpu.memory_space<vmem>>
    %dma_start3A_300 = tpu.memref_squeeze %dma_start3A_299 : memref<1x128xi32, #tpu.memory_space<vmem>> -> memref<128xi32, #tpu.memory_space<vmem>>
    %dma_start3A_301 = arith.constant 0 : i32
    %dma_start3A_302 = arith.constant 0 : i32
    %dma_start3A_303 = tpu.memref_slice %arg2[%dma_start3A_301, %dma_start3A_302] : memref<10000x128xf32, #tpu.memory_space<hbm>> -> memref<10000x128xf32, #tpu.memory_space<hbm>>
    tpu.enqueue_indirect_dma source(%dma_start3A_303 : memref<10000x128xf32, #tpu.memory_space<hbm>>) target(%arg10 : memref<128x128xf32, #tpu.memory_space<vmem>>) offsets(%dma_start3A_300 : memref<128xi32, #tpu.memory_space<vmem>>) semaphore(%arg13 : memref<!tpu.dma_semaphore, #tpu.memory_space<semaphore_mem>>)
    %scan3A = arith.constant 0 : i32
    %scan3A_304 = arith.constant 40 : i32
    %scan3A_305 = arith.addi %scan3A, %scan3A_304 : i32
    %scan3A_306 = arith.constant 1 : i32
    scf.for %scan3A_311 = %scan3A to %scan3A_305 step %scan3A_306  : i32 {
      %mul3A_312 = arith.constant 2 : i32
      %mul3A_313 = arith.muli %mul3A_312, %scan3A_311 : i32
      %dma_wait3A = arith.constant 0 : i32
      %dma_wait3A_314 = arith.constant 0 : i32
      %dma_wait3A_315 = tpu.memref_slice %arg7[%dma_wait3A, %dma_wait3A_314] : memref<2x128xi32, #tpu.memory_space<vmem>> -> memref<1x128xi32, #tpu.memory_space<vmem>>
      %dma_wait3A_316 = tpu.memref_squeeze %dma_wait3A_315 : memref<1x128xi32, #tpu.memory_space<vmem>> -> memref<128xi32, #tpu.memory_space<vmem>>
      %dma_wait3A_317 = arith.constant 0 : i32
      %dma_wait3A_318 = arith.constant 0 : i32
      %dma_wait3A_319 = tpu.memref_slice %arg2[%dma_wait3A_317, %dma_wait3A_318] : memref<10000x128xf32, #tpu.memory_space<hbm>> -> memref<10000x128xf32, #tpu.memory_space<hbm>>
      tpu.wait_indirect_dma semaphore(%arg12 : memref<!tpu.dma_semaphore, #tpu.memory_space<semaphore_mem>>) src(%dma_wait3A_319 : memref<10000x128xf32, #tpu.memory_space<hbm>>) dst(%arg9 : memref<128x128xf32, #tpu.memory_space<vmem>>)
      %run_scoped3A = arith.constant 0 : i32
      "tpu.region"() ({
        %run_scoped3A_343 = tpu.sem_alloc : memref<!tpu.dma_semaphore, #tpu.memory_space<semaphore_mem>>
        %dma_start3A_344 = arith.constant 0 : i32
        %dma_start3A_345 = tpu.memref_slice %arg8[%run_scoped3A, %dma_start3A_344] : memref<2x128xi32, #tpu.memory_space<vmem>> -> memref<1x128xi32, #tpu.memory_space<vmem>>
        %dma_start3A_346 = tpu.memref_squeeze %dma_start3A_345 : memref<1x128xi32, #tpu.memory_space<vmem>> -> memref<128xi32, #tpu.memory_space<vmem>>
        %dma_start3A_347 = arith.constant 0 : i32
        %dma_start3A_348 = arith.constant 0 : i32
        %dma_start3A_349 = tpu.memref_slice %arg11[%dma_start3A_347, %dma_start3A_348] : memref<10240x128xf32, #tpu.memory_space<vmem_shared>> -> memref<10240x128xf32, #tpu.memory_space<vmem_shared>>
        tpu.enqueue_indirect_dma source(%arg9 : memref<128x128xf32, #tpu.memory_space<vmem>>) target(%dma_start3A_349 : memref<10240x128xf32, #tpu.memory_space<vmem_shared>>) offsets(%dma_start3A_346 : memref<128xi32, #tpu.memory_space<vmem>>) semaphore(%run_scoped3A_343 : memref<!tpu.dma_semaphore, #tpu.memory_space<semaphore_mem>>) {add = true}
        %dma_wait3A_350 = arith.constant 0 : i32
        %dma_wait3A_351 = tpu.memref_slice %arg8[%run_scoped3A, %dma_wait3A_350] : memref<2x128xi32, #tpu.memory_space<vmem>> -> memref<1x128xi32, #tpu.memory_space<vmem>>
        %dma_wait3A_352 = tpu.memref_squeeze %dma_wait3A_351 : memref<1x128xi32, #tpu.memory_space<vmem>> -> memref<128xi32, #tpu.memory_space<vmem>>
        %dma_wait3A_353 = arith.constant 0 : i32
        %dma_wait3A_354 = arith.constant 0 : i32
        %dma_wait3A_355 = tpu.memref_slice %arg11[%dma_wait3A_353, %dma_wait3A_354] : memref<10240x128xf32, #tpu.memory_space<vmem_shared>> -> memref<10240x128xf32, #tpu.memory_space<vmem_shared>>
        tpu.wait_indirect_dma semaphore(%run_scoped3A_343 : memref<!tpu.dma_semaphore, #tpu.memory_space<semaphore_mem>>) src(%arg9 : memref<128x128xf32, #tpu.memory_space<vmem>>) dst(%dma_wait3A_355 : memref<10240x128xf32, #tpu.memory_space<vmem_shared>>)
        tpu.yield
      }) : () -> ()
      %add3A_320 = arith.constant 0 : i32
      %add3A_321 = arith.addi %mul3A_313, %add3A_320 : i32
      %add3A_322 = arith.constant 2 : i32
      %add3A_323 = arith.addi %add3A_321, %add3A_322 : i32
      %lt3A = arith.constant 80 : i32
      %lt3A_324 = arith.cmpi slt, %add3A_323, %lt3A : i32
      %convert_element_type3A = arith.extui %lt3A_324 : i1 to i32
      %cond3A = arith.constant 0 : i32
      %cond3A_325 = arith.cmpi ne, %convert_element_type3A, %cond3A : i32
      scf.if %cond3A_325 {
        %add3A_343 = arith.constant 0 : i32
        %add3A_344 = arith.addi %mul3A_313, %add3A_343 : i32
        %add3A_345 = arith.constant 2 : i32
        %add3A_346 = arith.addi %add3A_344, %add3A_345 : i32
        %get3A_347 = arith.index_cast %add3A_346 : i32 to index
        %get3A_348 = arith.constant 0 : index
        %get3A_349 = tpu.vector_load %arg6[%get3A_347, %get3A_348] {strides = array<i32>} : memref<80x128xi32, #tpu.memory_space<vmem>>, vector<16xi32>,
        %and3A_350 = arith.constant 65535 : i32
        %and3A_351 = vector.broadcast %and3A_350 : i32 to vector<16xi32>
        %and3A_352 = arith.andi %get3A_349, %and3A_351 : vector<16xi32>
        %swap3A_353 = arith.constant 0 : i32
        %swap3A_354 = arith.index_cast %swap3A_353 : i32 to index
        %swap3A_355 = arith.constant 0 : index
        %swap3A_356 = tpu.vector_load %arg7[%swap3A_354, %swap3A_355] {strides = array<i32>} : memref<2x128xi32, #tpu.memory_space<vmem>>, vector<16xi32>,
        tpu.vector_store %arg7[%swap3A_354, %swap3A_355], %and3A_352 {strides = array<i32>} : memref<2x128xi32, #tpu.memory_space<vmem>>, vector<16xi32>,
        %shift_right_logical3A_357 = arith.constant 16 : i32
        %shift_right_logical3A_358 = vector.broadcast %shift_right_logical3A_357 : i32 to vector<16xi32>
        %shift_right_logical3A_359 = arith.shrui %get3A_349, %shift_right_logical3A_358 : vector<16xi32>
        %swap3A_360 = arith.constant 0 : i32
        %swap3A_361 = arith.index_cast %swap3A_360 : i32 to index
        %swap3A_362 = arith.constant 0 : index
        %swap3A_363 = tpu.vector_load %arg8[%swap3A_361, %swap3A_362] {strides = array<i32>} : memref<2x128xi32, #tpu.memory_space<vmem>>, vector<16xi32>,
        tpu.vector_store %arg8[%swap3A_361, %swap3A_362], %shift_right_logical3A_359 {strides = array<i32>} : memref<2x128xi32, #tpu.memory_space<vmem>>, vector<16xi32>,
        %get3A_364 = arith.index_cast %add3A_346 : i32 to index
        %get3A_365 = arith.constant 16 : index
        %get3A_366 = tpu.vector_load %arg6[%get3A_364, %get3A_365] {strides = array<i32>} : memref<80x128xi32, #tpu.memory_space<vmem>>, vector<16xi32>,
        %and3A_367 = arith.constant 65535 : i32
        %and3A_368 = vector.broadcast %and3A_367 : i32 to vector<16xi32>
        %and3A_369 = arith.andi %get3A_366, %and3A_368 : vector<16xi32>
        %swap3A_370 = arith.constant 0 : i32
        %swap3A_371 = arith.index_cast %swap3A_370 : i32 to index
        %swap3A_372 = arith.constant 16 : index
        %swap3A_373 = tpu.vector_load %arg7[%swap3A_371, %swap3A_372] {strides = array<i32>} : memref<2x128xi32, #tpu.memory_space<vmem>>, vector<16xi32>,
        tpu.vector_store %arg7[%swap3A_371, %swap3A_372], %and3A_369 {strides = array<i32>} : memref<2x128xi32, #tpu.memory_space<vmem>>, vector<16xi32>,
        %shift_right_logical3A_374 = arith.constant 16 : i32
        %shift_right_logical3A_375 = vector.broadcast %shift_right_logical3A_374 : i32 to vector<16xi32>
        %shift_right_logical3A_376 = arith.shrui %get3A_366, %shift_right_logical3A_375 : vector<16xi32>
        %swap3A_377 = arith.constant 0 : i32
        %swap3A_378 = arith.index_cast %swap3A_377 : i32 to index
        %swap3A_379 = arith.constant 16 : index
        %swap3A_380 = tpu.vector_load %arg8[%swap3A_378, %swap3A_379] {strides = array<i32>} : memref<2x128xi32, #tpu.memory_space<vmem>>, vector<16xi32>,
        tpu.vector_store %arg8[%swap3A_378, %swap3A_379], %shift_right_logical3A_376 {strides = array<i32>} : memref<2x128xi32, #tpu.memory_space<vmem>>, vector<16xi32>,
        %get3A_381 = arith.index_cast %add3A_346 : i32 to index
        %get3A_382 = arith.constant 32 : index
        %get3A_383 = tpu.vector_load %arg6[%get3A_381, %get3A_382] {strides = array<i32>} : memref<80x128xi32, #tpu.memory_space<vmem>>, vector<16xi32>,
        %and3A_384 = arith.constant 65535 : i32
        %and3A_385 = vector.broadcast %and3A_384 : i32 to vector<16xi32>
        %and3A_386 = arith.andi %get3A_383, %and3A_385 : vector<16xi32>
        %swap3A_387 = arith.constant 0 : i32
        %swap3A_388 = arith.index_cast %swap3A_387 : i32 to index
        %swap3A_389 = arith.constant 32 : index
        %swap3A_390 = tpu.vector_load %arg7[%swap3A_388, %swap3A_389] {strides = array<i32>} : memref<2x128xi32, #tpu.memory_space<vmem>>, vector<16xi32>,
        tpu.vector_store %arg7[%swap3A_388, %swap3A_389], %and3A_386 {strides = array<i32>} : memref<2x128xi32, #tpu.memory_space<vmem>>, vector<16xi32>,
        %shift_right_logical3A_391 = arith.constant 16 : i32
        %shift_right_logical3A_392 = vector.broadcast %shift_right_logical3A_391 : i32 to vector<16xi32>
        %shift_right_logical3A_393 = arith.shrui %get3A_383, %shift_right_logical3A_392 : vector<16xi32>
        %swap3A_394 = arith.constant 0 : i32
        %swap3A_395 = arith.index_cast %swap3A_394 : i32 to index
        %swap3A_396 = arith.constant 32 : index
        %swap3A_397 = tpu.vector_load %arg8[%swap3A_395, %swap3A_396] {strides = array<i32>} : memref<2x128xi32, #tpu.memory_space<vmem>>, vector<16xi32>,
        tpu.vector_store %arg8[%swap3A_395, %swap3A_396], %shift_right_logical3A_393 {strides = array<i32>} : memref<2x128xi32, #tpu.memory_space<vmem>>, vector<16xi32>,
        %get3A_398 = arith.index_cast %add3A_346 : i32 to index
        %get3A_399 = arith.constant 48 : index
        %get3A_400 = tpu.vector_load %arg6[%get3A_398, %get3A_399] {strides = array<i32>} : memref<80x128xi32, #tpu.memory_space<vmem>>, vector<16xi32>,
        %and3A_401 = arith.constant 65535 : i32
        %and3A_402 = vector.broadcast %and3A_401 : i32 to vector<16xi32>
        %and3A_403 = arith.andi %get3A_400, %and3A_402 : vector<16xi32>
        %swap3A_404 = arith.constant 0 : i32
        %swap3A_405 = arith.index_cast %swap3A_404 : i32 to index
        %swap3A_406 = arith.constant 48 : index
        %swap3A_407 = tpu.vector_load %arg7[%swap3A_405, %swap3A_406] {strides = array<i32>} : memref<2x128xi32, #tpu.memory_space<vmem>>, vector<16xi32>,
        tpu.vector_store %arg7[%swap3A_405, %swap3A_406], %and3A_403 {strides = array<i32>} : memref<2x128xi32, #tpu.memory_space<vmem>>, vector<16xi32>,
        %shift_right_logical3A_408 = arith.constant 16 : i32
        %shift_right_logical3A_409 = vector.broadcast %shift_right_logical3A_408 : i32 to vector<16xi32>
        %shift_right_logical3A_410 = arith.shrui %get3A_400, %shift_right_logical3A_409 : vector<16xi32>
        %swap3A_411 = arith.constant 0 : i32
        %swap3A_412 = arith.index_cast %swap3A_411 : i32 to index
        %swap3A_413 = arith.constant 48 : index
        %swap3A_414 = tpu.vector_load %arg8[%swap3A_412, %swap3A_413] {strides = array<i32>} : memref<2x128xi32, #tpu.memory_space<vmem>>, vector<16xi32>,
        tpu.vector_store %arg8[%swap3A_412, %swap3A_413], %shift_right_logical3A_410 {strides = array<i32>} : memref<2x128xi32, #tpu.memory_space<vmem>>, vector<16xi32>,
        %get3A_415 = arith.index_cast %add3A_346 : i32 to index
        %get3A_416 = arith.constant 64 : index
        %get3A_417 = tpu.vector_load %arg6[%get3A_415, %get3A_416] {strides = array<i32>} : memref<80x128xi32, #tpu.memory_space<vmem>>, vector<16xi32>,
        %and3A_418 = arith.constant 65535 : i32
        %and3A_419 = vector.broadcast %and3A_418 : i32 to vector<16xi32>
        %and3A_420 = arith.andi %get3A_417, %and3A_419 : vector<16xi32>
        %swap3A_421 = arith.constant 0 : i32
        %swap3A_422 = arith.index_cast %swap3A_421 : i32 to index
        %swap3A_423 = arith.constant 64 : index
        %swap3A_424 = tpu.vector_load %arg7[%swap3A_422, %swap3A_423] {strides = array<i32>} : memref<2x128xi32, #tpu.memory_space<vmem>>, vector<16xi32>,
        tpu.vector_store %arg7[%swap3A_422, %swap3A_423], %and3A_420 {strides = array<i32>} : memref<2x128xi32, #tpu.memory_space<vmem>>, vector<16xi32>,
        %shift_right_logical3A_425 = arith.constant 16 : i32
        %shift_right_logical3A_426 = vector.broadcast %shift_right_logical3A_425 : i32 to vector<16xi32>
        %shift_right_logical3A_427 = arith.shrui %get3A_417, %shift_right_logical3A_426 : vector<16xi32>
        %swap3A_428 = arith.constant 0 : i32
        %swap3A_429 = arith.index_cast %swap3A_428 : i32 to index
        %swap3A_430 = arith.constant 64 : index
        %swap3A_431 = tpu.vector_load %arg8[%swap3A_429, %swap3A_430] {strides = array<i32>} : memref<2x128xi32, #tpu.memory_space<vmem>>, vector<16xi32>,
        tpu.vector_store %arg8[%swap3A_429, %swap3A_430], %shift_right_logical3A_427 {strides = array<i32>} : memref<2x128xi32, #tpu.memory_space<vmem>>, vector<16xi32>,
        %get3A_432 = arith.index_cast %add3A_346 : i32 to index
        %get3A_433 = arith.constant 80 : index
        %get3A_434 = tpu.vector_load %arg6[%get3A_432, %get3A_433] {strides = array<i32>} : memref<80x128xi32, #tpu.memory_space<vmem>>, vector<16xi32>,
        %and3A_435 = arith.constant 65535 : i32
        %and3A_436 = vector.broadcast %and3A_435 : i32 to vector<16xi32>
        %and3A_437 = arith.andi %get3A_434, %and3A_436 : vector<16xi32>
        %swap3A_438 = arith.constant 0 : i32
        %swap3A_439 = arith.index_cast %swap3A_438 : i32 to index
        %swap3A_440 = arith.constant 80 : index
        %swap3A_441 = tpu.vector_load %arg7[%swap3A_439, %swap3A_440] {strides = array<i32>} : memref<2x128xi32, #tpu.memory_space<vmem>>, vector<16xi32>,
        tpu.vector_store %arg7[%swap3A_439, %swap3A_440], %and3A_437 {strides = array<i32>} : memref<2x128xi32, #tpu.memory_space<vmem>>, vector<16xi32>,
        %shift_right_logical3A_442 = arith.constant 16 : i32
        %shift_right_logical3A_443 = vector.broadcast %shift_right_logical3A_442 : i32 to vector<16xi32>
        %shift_right_logical3A_444 = arith.shrui %get3A_434, %shift_right_logical3A_443 : vector<16xi32>
        %swap3A_445 = arith.constant 0 : i32
        %swap3A_446 = arith.index_cast %swap3A_445 : i32 to index
        %swap3A_447 = arith.constant 80 : index
        %swap3A_448 = tpu.vector_load %arg8[%swap3A_446, %swap3A_447] {strides = array<i32>} : memref<2x128xi32, #tpu.memory_space<vmem>>, vector<16xi32>,
        tpu.vector_store %arg8[%swap3A_446, %swap3A_447], %shift_right_logical3A_444 {strides = array<i32>} : memref<2x128xi32, #tpu.memory_space<vmem>>, vector<16xi32>,
        %get3A_449 = arith.index_cast %add3A_346 : i32 to index
        %get3A_450 = arith.constant 96 : index
        %get3A_451 = tpu.vector_load %arg6[%get3A_449, %get3A_450] {strides = array<i32>} : memref<80x128xi32, #tpu.memory_space<vmem>>, vector<16xi32>,
        %and3A_452 = arith.constant 65535 : i32
        %and3A_453 = vector.broadcast %and3A_452 : i32 to vector<16xi32>
        %and3A_454 = arith.andi %get3A_451, %and3A_453 : vector<16xi32>
        %swap3A_455 = arith.constant 0 : i32
        %swap3A_456 = arith.index_cast %swap3A_455 : i32 to index
        %swap3A_457 = arith.constant 96 : index
        %swap3A_458 = tpu.vector_load %arg7[%swap3A_456, %swap3A_457] {strides = array<i32>} : memref<2x128xi32, #tpu.memory_space<vmem>>, vector<16xi32>,
        tpu.vector_store %arg7[%swap3A_456, %swap3A_457], %and3A_454 {strides = array<i32>} : memref<2x128xi32, #tpu.memory_space<vmem>>, vector<16xi32>,
        %shift_right_logical3A_459 = arith.constant 16 : i32
        %shift_right_logical3A_460 = vector.broadcast %shift_right_logical3A_459 : i32 to vector<16xi32>
        %shift_right_logical3A_461 = arith.shrui %get3A_451, %shift_right_logical3A_460 : vector<16xi32>
        %swap3A_462 = arith.constant 0 : i32
        %swap3A_463 = arith.index_cast %swap3A_462 : i32 to index
        %swap3A_464 = arith.constant 96 : index
        %swap3A_465 = tpu.vector_load %arg8[%swap3A_463, %swap3A_464] {strides = array<i32>} : memref<2x128xi32, #tpu.memory_space<vmem>>, vector<16xi32>,
        tpu.vector_store %arg8[%swap3A_463, %swap3A_464], %shift_right_logical3A_461 {strides = array<i32>} : memref<2x128xi32, #tpu.memory_space<vmem>>, vector<16xi32>,
        %get3A_466 = arith.index_cast %add3A_346 : i32 to index
        %get3A_467 = arith.constant 112 : index
        %get3A_468 = tpu.vector_load %arg6[%get3A_466, %get3A_467] {strides = array<i32>} : memref<80x128xi32, #tpu.memory_space<vmem>>, vector<16xi32>,
        %and3A_469 = arith.constant 65535 : i32
        %and3A_470 = vector.broadcast %and3A_469 : i32 to vector<16xi32>
        %and3A_471 = arith.andi %get3A_468, %and3A_470 : vector<16xi32>
        %swap3A_472 = arith.constant 0 : i32
        %swap3A_473 = arith.index_cast %swap3A_472 : i32 to index
        %swap3A_474 = arith.constant 112 : index
        %swap3A_475 = tpu.vector_load %arg7[%swap3A_473, %swap3A_474] {strides = array<i32>} : memref<2x128xi32, #tpu.memory_space<vmem>>, vector<16xi32>,
        tpu.vector_store %arg7[%swap3A_473, %swap3A_474], %and3A_471 {strides = array<i32>} : memref<2x128xi32, #tpu.memory_space<vmem>>, vector<16xi32>,
        %shift_right_logical3A_476 = arith.constant 16 : i32
        %shift_right_logical3A_477 = vector.broadcast %shift_right_logical3A_476 : i32 to vector<16xi32>
        %shift_right_logical3A_478 = arith.shrui %get3A_468, %shift_right_logical3A_477 : vector<16xi32>
        %swap3A_479 = arith.constant 0 : i32
        %swap3A_480 = arith.index_cast %swap3A_479 : i32 to index
        %swap3A_481 = arith.constant 112 : index
        %swap3A_482 = tpu.vector_load %arg8[%swap3A_480, %swap3A_481] {strides = array<i32>} : memref<2x128xi32, #tpu.memory_space<vmem>>, vector<16xi32>,
        tpu.vector_store %arg8[%swap3A_480, %swap3A_481], %shift_right_logical3A_478 {strides = array<i32>} : memref<2x128xi32, #tpu.memory_space<vmem>>, vector<16xi32>,
        %dma_start3A_483 = arith.constant 0 : i32
        %dma_start3A_484 = arith.constant 0 : i32
        %dma_start3A_485 = tpu.memref_slice %arg7[%dma_start3A_483, %dma_start3A_484] : memref<2x128xi32, #tpu.memory_space<vmem>> -> memref<1x128xi32, #tpu.memory_space<vmem>>
        %dma_start3A_486 = tpu.memref_squeeze %dma_start3A_485 : memref<1x128xi32, #tpu.memory_space<vmem>> -> memref<128xi32, #tpu.memory_space<vmem>>
        %dma_start3A_487 = arith.constant 0 : i32
        %dma_start3A_488 = arith.constant 0 : i32
        %dma_start3A_489 = tpu.memref_slice %arg2[%dma_start3A_487, %dma_start3A_488] : memref<10000x128xf32, #tpu.memory_space<hbm>> -> memref<10000x128xf32, #tpu.memory_space<hbm>>
        tpu.enqueue_indirect_dma source(%dma_start3A_489 : memref<10000x128xf32, #tpu.memory_space<hbm>>) target(%arg9 : memref<128x128xf32, #tpu.memory_space<vmem>>) offsets(%dma_start3A_486 : memref<128xi32, #tpu.memory_space<vmem>>) semaphore(%arg12 : memref<!tpu.dma_semaphore, #tpu.memory_space<semaphore_mem>>)
      } else {
      }
      %dma_wait3A_326 = arith.constant 1 : i32
      %dma_wait3A_327 = arith.constant 0 : i32
      %dma_wait3A_328 = tpu.memref_slice %arg7[%dma_wait3A_326, %dma_wait3A_327] : memref<2x128xi32, #tpu.memory_space<vmem>> -> memref<1x128xi32, #tpu.memory_space<vmem>>
      %dma_wait3A_329 = tpu.memref_squeeze %dma_wait3A_328 : memref<1x128xi32, #tpu.memory_space<vmem>> -> memref<128xi32, #tpu.memory_space<vmem>>
      %dma_wait3A_330 = arith.constant 0 : i32
      %dma_wait3A_331 = arith.constant 0 : i32
      %dma_wait3A_332 = tpu.memref_slice %arg2[%dma_wait3A_330, %dma_wait3A_331] : memref<10000x128xf32, #tpu.memory_space<hbm>> -> memref<10000x128xf32, #tpu.memory_space<hbm>>
      tpu.wait_indirect_dma semaphore(%arg13 : memref<!tpu.dma_semaphore, #tpu.memory_space<semaphore_mem>>) src(%dma_wait3A_332 : memref<10000x128xf32, #tpu.memory_space<hbm>>) dst(%arg10 : memref<128x128xf32, #tpu.memory_space<vmem>>)
      %run_scoped3A_333 = arith.constant 1 : i32
      "tpu.region"() ({
        %run_scoped3A_343 = tpu.sem_alloc : memref<!tpu.dma_semaphore, #tpu.memory_space<semaphore_mem>>
        %dma_start3A_344 = arith.constant 0 : i32
        %dma_start3A_345 = tpu.memref_slice %arg8[%run_scoped3A_333, %dma_start3A_344] : memref<2x128xi32, #tpu.memory_space<vmem>> -> memref<1x128xi32, #tpu.memory_space<vmem>>
        %dma_start3A_346 = tpu.memref_squeeze %dma_start3A_345 : memref<1x128xi32, #tpu.memory_space<vmem>> -> memref<128xi32, #tpu.memory_space<vmem>>
        %dma_start3A_347 = arith.constant 0 : i32
        %dma_start3A_348 = arith.constant 0 : i32
        %dma_start3A_349 = tpu.memref_slice %arg11[%dma_start3A_347, %dma_start3A_348] : memref<10240x128xf32, #tpu.memory_space<vmem_shared>> -> memref<10240x128xf32, #tpu.memory_space<vmem_shared>>
        tpu.enqueue_indirect_dma source(%arg10 : memref<128x128xf32, #tpu.memory_space<vmem>>) target(%dma_start3A_349 : memref<10240x128xf32, #tpu.memory_space<vmem_shared>>) offsets(%dma_start3A_346 : memref<128xi32, #tpu.memory_space<vmem>>) semaphore(%run_scoped3A_343 : memref<!tpu.dma_semaphore, #tpu.memory_space<semaphore_mem>>) {add = true}
        %dma_wait3A_350 = arith.constant 0 : i32
        %dma_wait3A_351 = tpu.memref_slice %arg8[%run_scoped3A_333, %dma_wait3A_350] : memref<2x128xi32, #tpu.memory_space<vmem>> -> memref<1x128xi32, #tpu.memory_space<vmem>>
        %dma_wait3A_352 = tpu.memref_squeeze %dma_wait3A_351 : memref<1x128xi32, #tpu.memory_space<vmem>> -> memref<128xi32, #tpu.memory_space<vmem>>
        %dma_wait3A_353 = arith.constant 0 : i32
        %dma_wait3A_354 = arith.constant 0 : i32
        %dma_wait3A_355 = tpu.memref_slice %arg11[%dma_wait3A_353, %dma_wait3A_354] : memref<10240x128xf32, #tpu.memory_space<vmem_shared>> -> memref<10240x128xf32, #tpu.memory_space<vmem_shared>>
        tpu.wait_indirect_dma semaphore(%run_scoped3A_343 : memref<!tpu.dma_semaphore, #tpu.memory_space<semaphore_mem>>) src(%arg10 : memref<128x128xf32, #tpu.memory_space<vmem>>) dst(%dma_wait3A_355 : memref<10240x128xf32, #tpu.memory_space<vmem_shared>>)
        tpu.yield
      }) : () -> ()
      %add3A_334 = arith.constant 1 : i32
      %add3A_335 = arith.addi %mul3A_313, %add3A_334 : i32
      %add3A_336 = arith.constant 2 : i32
      %add3A_337 = arith.addi %add3A_335, %add3A_336 : i32
      %lt3A_338 = arith.constant 80 : i32
      %lt3A_339 = arith.cmpi slt, %add3A_337, %lt3A_338 : i32
      %convert_element_type3A_340 = arith.extui %lt3A_339 : i1 to i32
      %cond3A_341 = arith.constant 0 : i32
      %cond3A_342 = arith.cmpi ne, %convert_element_type3A_340, %cond3A_341 : i32
      scf.if %cond3A_342 {
        %add3A_343 = arith.constant 1 : i32
        %add3A_344 = arith.addi %mul3A_313, %add3A_343 : i32
        %add3A_345 = arith.constant 2 : i32
        %add3A_346 = arith.addi %add3A_344, %add3A_345 : i32
        %get3A_347 = arith.index_cast %add3A_346 : i32 to index
        %get3A_348 = arith.constant 0 : index
        %get3A_349 = tpu.vector_load %arg6[%get3A_347, %get3A_348] {strides = array<i32>} : memref<80x128xi32, #tpu.memory_space<vmem>>, vector<16xi32>,
        %and3A_350 = arith.constant 65535 : i32
        %and3A_351 = vector.broadcast %and3A_350 : i32 to vector<16xi32>
        %and3A_352 = arith.andi %get3A_349, %and3A_351 : vector<16xi32>
        %swap3A_353 = arith.constant 1 : i32
        %swap3A_354 = arith.index_cast %swap3A_353 : i32 to index
        %swap3A_355 = arith.constant 0 : index
        %swap3A_356 = tpu.vector_load %arg7[%swap3A_354, %swap3A_355] {strides = array<i32>} : memref<2x128xi32, #tpu.memory_space<vmem>>, vector<16xi32>,
        tpu.vector_store %arg7[%swap3A_354, %swap3A_355], %and3A_352 {strides = array<i32>} : memref<2x128xi32, #tpu.memory_space<vmem>>, vector<16xi32>,
        %shift_right_logical3A_357 = arith.constant 16 : i32
        %shift_right_logical3A_358 = vector.broadcast %shift_right_logical3A_357 : i32 to vector<16xi32>
        %shift_right_logical3A_359 = arith.shrui %get3A_349, %shift_right_logical3A_358 : vector<16xi32>
        %swap3A_360 = arith.constant 1 : i32
        %swap3A_361 = arith.index_cast %swap3A_360 : i32 to index
        %swap3A_362 = arith.constant 0 : index
        %swap3A_363 = tpu.vector_load %arg8[%swap3A_361, %swap3A_362] {strides = array<i32>} : memref<2x128xi32, #tpu.memory_space<vmem>>, vector<16xi32>,
        tpu.vector_store %arg8[%swap3A_361, %swap3A_362], %shift_right_logical3A_359 {strides = array<i32>} : memref<2x128xi32, #tpu.memory_space<vmem>>, vector<16xi32>,
        %get3A_364 = arith.index_cast %add3A_346 : i32 to index
        %get3A_365 = arith.constant 16 : index
        %get3A_366 = tpu.vector_load %arg6[%get3A_364, %get3A_365] {strides = array<i32>} : memref<80x128xi32, #tpu.memory_space<vmem>>, vector<16xi32>,
        %and3A_367 = arith.constant 65535 : i32
        %and3A_368 = vector.broadcast %and3A_367 : i32 to vector<16xi32>
        %and3A_369 = arith.andi %get3A_366, %and3A_368 : vector<16xi32>
        %swap3A_370 = arith.constant 1 : i32
        %swap3A_371 = arith.index_cast %swap3A_370 : i32 to index
        %swap3A_372 = arith.constant 16 : index
        %swap3A_373 = tpu.vector_load %arg7[%swap3A_371, %swap3A_372] {strides = array<i32>} : memref<2x128xi32, #tpu.memory_space<vmem>>, vector<16xi32>,
        tpu.vector_store %arg7[%swap3A_371, %swap3A_372], %and3A_369 {strides = array<i32>} : memref<2x128xi32, #tpu.memory_space<vmem>>, vector<16xi32>,
        %shift_right_logical3A_374 = arith.constant 16 : i32
        %shift_right_logical3A_375 = vector.broadcast %shift_right_logical3A_374 : i32 to vector<16xi32>
        %shift_right_logical3A_376 = arith.shrui %get3A_366, %shift_right_logical3A_375 : vector<16xi32>
        %swap3A_377 = arith.constant 1 : i32
        %swap3A_378 = arith.index_cast %swap3A_377 : i32 to index
        %swap3A_379 = arith.constant 16 : index
        %swap3A_380 = tpu.vector_load %arg8[%swap3A_378, %swap3A_379] {strides = array<i32>} : memref<2x128xi32, #tpu.memory_space<vmem>>, vector<16xi32>,
        tpu.vector_store %arg8[%swap3A_378, %swap3A_379], %shift_right_logical3A_376 {strides = array<i32>} : memref<2x128xi32, #tpu.memory_space<vmem>>, vector<16xi32>,
        %get3A_381 = arith.index_cast %add3A_346 : i32 to index
        %get3A_382 = arith.constant 32 : index
        %get3A_383 = tpu.vector_load %arg6[%get3A_381, %get3A_382] {strides = array<i32>} : memref<80x128xi32, #tpu.memory_space<vmem>>, vector<16xi32>,
        %and3A_384 = arith.constant 65535 : i32
        %and3A_385 = vector.broadcast %and3A_384 : i32 to vector<16xi32>
        %and3A_386 = arith.andi %get3A_383, %and3A_385 : vector<16xi32>
        %swap3A_387 = arith.constant 1 : i32
        %swap3A_388 = arith.index_cast %swap3A_387 : i32 to index
        %swap3A_389 = arith.constant 32 : index
        %swap3A_390 = tpu.vector_load %arg7[%swap3A_388, %swap3A_389] {strides = array<i32>} : memref<2x128xi32, #tpu.memory_space<vmem>>, vector<16xi32>,
        tpu.vector_store %arg7[%swap3A_388, %swap3A_389], %and3A_386 {strides = array<i32>} : memref<2x128xi32, #tpu.memory_space<vmem>>, vector<16xi32>,
        %shift_right_logical3A_391 = arith.constant 16 : i32
        %shift_right_logical3A_392 = vector.broadcast %shift_right_logical3A_391 : i32 to vector<16xi32>
        %shift_right_logical3A_393 = arith.shrui %get3A_383, %shift_right_logical3A_392 : vector<16xi32>
        %swap3A_394 = arith.constant 1 : i32
        %swap3A_395 = arith.index_cast %swap3A_394 : i32 to index
        %swap3A_396 = arith.constant 32 : index
        %swap3A_397 = tpu.vector_load %arg8[%swap3A_395, %swap3A_396] {strides = array<i32>} : memref<2x128xi32, #tpu.memory_space<vmem>>, vector<16xi32>,
        tpu.vector_store %arg8[%swap3A_395, %swap3A_396], %shift_right_logical3A_393 {strides = array<i32>} : memref<2x128xi32, #tpu.memory_space<vmem>>, vector<16xi32>,
        %get3A_398 = arith.index_cast %add3A_346 : i32 to index
        %get3A_399 = arith.constant 48 : index
        %get3A_400 = tpu.vector_load %arg6[%get3A_398, %get3A_399] {strides = array<i32>} : memref<80x128xi32, #tpu.memory_space<vmem>>, vector<16xi32>,
        %and3A_401 = arith.constant 65535 : i32
        %and3A_402 = vector.broadcast %and3A_401 : i32 to vector<16xi32>
        %and3A_403 = arith.andi %get3A_400, %and3A_402 : vector<16xi32>
        %swap3A_404 = arith.constant 1 : i32
        %swap3A_405 = arith.index_cast %swap3A_404 : i32 to index
        %swap3A_406 = arith.constant 48 : index
        %swap3A_407 = tpu.vector_load %arg7[%swap3A_405, %swap3A_406] {strides = array<i32>} : memref<2x128xi32, #tpu.memory_space<vmem>>, vector<16xi32>,
        tpu.vector_store %arg7[%swap3A_405, %swap3A_406], %and3A_403 {strides = array<i32>} : memref<2x128xi32, #tpu.memory_space<vmem>>, vector<16xi32>,
        %shift_right_logical3A_408 = arith.constant 16 : i32
        %shift_right_logical3A_409 = vector.broadcast %shift_right_logical3A_408 : i32 to vector<16xi32>
        %shift_right_logical3A_410 = arith.shrui %get3A_400, %shift_right_logical3A_409 : vector<16xi32>
        %swap3A_411 = arith.constant 1 : i32
        %swap3A_412 = arith.index_cast %swap3A_411 : i32 to index
        %swap3A_413 = arith.constant 48 : index
        %swap3A_414 = tpu.vector_load %arg8[%swap3A_412, %swap3A_413] {strides = array<i32>} : memref<2x128xi32, #tpu.memory_space<vmem>>, vector<16xi32>,
        tpu.vector_store %arg8[%swap3A_412, %swap3A_413], %shift_right_logical3A_410 {strides = array<i32>} : memref<2x128xi32, #tpu.memory_space<vmem>>, vector<16xi32>,
        %get3A_415 = arith.index_cast %add3A_346 : i32 to index
        %get3A_416 = arith.constant 64 : index
        %get3A_417 = tpu.vector_load %arg6[%get3A_415, %get3A_416] {strides = array<i32>} : memref<80x128xi32, #tpu.memory_space<vmem>>, vector<16xi32>,
        %and3A_418 = arith.constant 65535 : i32
        %and3A_419 = vector.broadcast %and3A_418 : i32 to vector<16xi32>
        %and3A_420 = arith.andi %get3A_417, %and3A_419 : vector<16xi32>
        %swap3A_421 = arith.constant 1 : i32
        %swap3A_422 = arith.index_cast %swap3A_421 : i32 to index
        %swap3A_423 = arith.constant 64 : index
        %swap3A_424 = tpu.vector_load %arg7[%swap3A_422, %swap3A_423] {strides = array<i32>} : memref<2x128xi32, #tpu.memory_space<vmem>>, vector<16xi32>,
        tpu.vector_store %arg7[%swap3A_422, %swap3A_423], %and3A_420 {strides = array<i32>} : memref<2x128xi32, #tpu.memory_space<vmem>>, vector<16xi32>,
        %shift_right_logical3A_425 = arith.constant 16 : i32
        %shift_right_logical3A_426 = vector.broadcast %shift_right_logical3A_425 : i32 to vector<16xi32>
        %shift_right_logical3A_427 = arith.shrui %get3A_417, %shift_right_logical3A_426 : vector<16xi32>
        %swap3A_428 = arith.constant 1 : i32
        %swap3A_429 = arith.index_cast %swap3A_428 : i32 to index
        %swap3A_430 = arith.constant 64 : index
        %swap3A_431 = tpu.vector_load %arg8[%swap3A_429, %swap3A_430] {strides = array<i32>} : memref<2x128xi32, #tpu.memory_space<vmem>>, vector<16xi32>,
        tpu.vector_store %arg8[%swap3A_429, %swap3A_430], %shift_right_logical3A_427 {strides = array<i32>} : memref<2x128xi32, #tpu.memory_space<vmem>>, vector<16xi32>,
        %get3A_432 = arith.index_cast %add3A_346 : i32 to index
        %get3A_433 = arith.constant 80 : index
        %get3A_434 = tpu.vector_load %arg6[%get3A_432, %get3A_433] {strides = array<i32>} : memref<80x128xi32, #tpu.memory_space<vmem>>, vector<16xi32>,
        %and3A_435 = arith.constant 65535 : i32
        %and3A_436 = vector.broadcast %and3A_435 : i32 to vector<16xi32>
        %and3A_437 = arith.andi %get3A_434, %and3A_436 : vector<16xi32>
        %swap3A_438 = arith.constant 1 : i32
        %swap3A_439 = arith.index_cast %swap3A_438 : i32 to index
        %swap3A_440 = arith.constant 80 : index
        %swap3A_441 = tpu.vector_load %arg7[%swap3A_439, %swap3A_440] {strides = array<i32>} : memref<2x128xi32, #tpu.memory_space<vmem>>, vector<16xi32>,
        tpu.vector_store %arg7[%swap3A_439, %swap3A_440], %and3A_437 {strides = array<i32>} : memref<2x128xi32, #tpu.memory_space<vmem>>, vector<16xi32>,
        %shift_right_logical3A_442 = arith.constant 16 : i32
        %shift_right_logical3A_443 = vector.broadcast %shift_right_logical3A_442 : i32 to vector<16xi32>
        %shift_right_logical3A_444 = arith.shrui %get3A_434, %shift_right_logical3A_443 : vector<16xi32>
        %swap3A_445 = arith.constant 1 : i32
        %swap3A_446 = arith.index_cast %swap3A_445 : i32 to index
        %swap3A_447 = arith.constant 80 : index
        %swap3A_448 = tpu.vector_load %arg8[%swap3A_446, %swap3A_447] {strides = array<i32>} : memref<2x128xi32, #tpu.memory_space<vmem>>, vector<16xi32>,
        tpu.vector_store %arg8[%swap3A_446, %swap3A_447], %shift_right_logical3A_444 {strides = array<i32>} : memref<2x128xi32, #tpu.memory_space<vmem>>, vector<16xi32>,
        %get3A_449 = arith.index_cast %add3A_346 : i32 to index
        %get3A_450 = arith.constant 96 : index
        %get3A_451 = tpu.vector_load %arg6[%get3A_449, %get3A_450] {strides = array<i32>} : memref<80x128xi32, #tpu.memory_space<vmem>>, vector<16xi32>,
        %and3A_452 = arith.constant 65535 : i32
        %and3A_453 = vector.broadcast %and3A_452 : i32 to vector<16xi32>
        %and3A_454 = arith.andi %get3A_451, %and3A_453 : vector<16xi32>
        %swap3A_455 = arith.constant 1 : i32
        %swap3A_456 = arith.index_cast %swap3A_455 : i32 to index
        %swap3A_457 = arith.constant 96 : index
        %swap3A_458 = tpu.vector_load %arg7[%swap3A_456, %swap3A_457] {strides = array<i32>} : memref<2x128xi32, #tpu.memory_space<vmem>>, vector<16xi32>,
        tpu.vector_store %arg7[%swap3A_456, %swap3A_457], %and3A_454 {strides = array<i32>} : memref<2x128xi32, #tpu.memory_space<vmem>>, vector<16xi32>,
        %shift_right_logical3A_459 = arith.constant 16 : i32
        %shift_right_logical3A_460 = vector.broadcast %shift_right_logical3A_459 : i32 to vector<16xi32>
        %shift_right_logical3A_461 = arith.shrui %get3A_451, %shift_right_logical3A_460 : vector<16xi32>
        %swap3A_462 = arith.constant 1 : i32
        %swap3A_463 = arith.index_cast %swap3A_462 : i32 to index
        %swap3A_464 = arith.constant 96 : index
        %swap3A_465 = tpu.vector_load %arg8[%swap3A_463, %swap3A_464] {strides = array<i32>} : memref<2x128xi32, #tpu.memory_space<vmem>>, vector<16xi32>,
        tpu.vector_store %arg8[%swap3A_463, %swap3A_464], %shift_right_logical3A_461 {strides = array<i32>} : memref<2x128xi32, #tpu.memory_space<vmem>>, vector<16xi32>,
        %get3A_466 = arith.index_cast %add3A_346 : i32 to index
        %get3A_467 = arith.constant 112 : index
        %get3A_468 = tpu.vector_load %arg6[%get3A_466, %get3A_467] {strides = array<i32>} : memref<80x128xi32, #tpu.memory_space<vmem>>, vector<16xi32>,
        %and3A_469 = arith.constant 65535 : i32
        %and3A_470 = vector.broadcast %and3A_469 : i32 to vector<16xi32>
        %and3A_471 = arith.andi %get3A_468, %and3A_470 : vector<16xi32>
        %swap3A_472 = arith.constant 1 : i32
        %swap3A_473 = arith.index_cast %swap3A_472 : i32 to index
        %swap3A_474 = arith.constant 112 : index
        %swap3A_475 = tpu.vector_load %arg7[%swap3A_473, %swap3A_474] {strides = array<i32>} : memref<2x128xi32, #tpu.memory_space<vmem>>, vector<16xi32>,
        tpu.vector_store %arg7[%swap3A_473, %swap3A_474], %and3A_471 {strides = array<i32>} : memref<2x128xi32, #tpu.memory_space<vmem>>, vector<16xi32>,
        %shift_right_logical3A_476 = arith.constant 16 : i32
        %shift_right_logical3A_477 = vector.broadcast %shift_right_logical3A_476 : i32 to vector<16xi32>
        %shift_right_logical3A_478 = arith.shrui %get3A_468, %shift_right_logical3A_477 : vector<16xi32>
        %swap3A_479 = arith.constant 1 : i32
        %swap3A_480 = arith.index_cast %swap3A_479 : i32 to index
        %swap3A_481 = arith.constant 112 : index
        %swap3A_482 = tpu.vector_load %arg8[%swap3A_480, %swap3A_481] {strides = array<i32>} : memref<2x128xi32, #tpu.memory_space<vmem>>, vector<16xi32>,
        tpu.vector_store %arg8[%swap3A_480, %swap3A_481], %shift_right_logical3A_478 {strides = array<i32>} : memref<2x128xi32, #tpu.memory_space<vmem>>, vector<16xi32>,
        %dma_start3A_483 = arith.constant 1 : i32
        %dma_start3A_484 = arith.constant 0 : i32
        %dma_start3A_485 = tpu.memref_slice %arg7[%dma_start3A_483, %dma_start3A_484] : memref<2x128xi32, #tpu.memory_space<vmem>> -> memref<1x128xi32, #tpu.memory_space<vmem>>
        %dma_start3A_486 = tpu.memref_squeeze %dma_start3A_485 : memref<1x128xi32, #tpu.memory_space<vmem>> -> memref<128xi32, #tpu.memory_space<vmem>>
        %dma_start3A_487 = arith.constant 0 : i32
        %dma_start3A_488 = arith.constant 0 : i32
        %dma_start3A_489 = tpu.memref_slice %arg2[%dma_start3A_487, %dma_start3A_488] : memref<10000x128xf32, #tpu.memory_space<hbm>> -> memref<10000x128xf32, #tpu.memory_space<hbm>>
        tpu.enqueue_indirect_dma source(%dma_start3A_489 : memref<10000x128xf32, #tpu.memory_space<hbm>>) target(%arg10 : memref<128x128xf32, #tpu.memory_space<vmem>>) offsets(%dma_start3A_486 : memref<128xi32, #tpu.memory_space<vmem>>) semaphore(%arg13 : memref<!tpu.dma_semaphore, #tpu.memory_space<semaphore_mem>>)
      } else {
      }
    }
    %scan3A_307 = arith.constant 40 : i32
    %barrier3A_308 = arith.constant 0 : index
    tpu.barrier barrier_id(%barrier3A_308)
    %mul3A_309 = arith.constant 640 : i32
    %mul3A_310 = arith.muli %arg1, %mul3A_309 : i32
    "tpu.region"() ({
      %run_scoped3A = tpu.sem_alloc : memref<!tpu.dma_semaphore, #tpu.memory_space<semaphore_mem>>
      %dma_start3A_311 = arith.constant 0 : i32
      %dma_start3A_312 = arith.constant 0 : i32
      %dma_start3A_313 = tpu.memref_slice %arg5[%arg0, %dma_start3A_311, %dma_start3A_312] : memref<2x10240x128xf32, #tpu.memory_space<hbm>> -> memref<1x10240x128xf32, #tpu.memory_space<hbm>>
      %dma_start3A_314 = tpu.memref_squeeze %dma_start3A_313 : memref<1x10240x128xf32, #tpu.memory_space<hbm>> -> memref<10240x128xf32, #tpu.memory_space<hbm>>
      %dma_start3A_315 = arith.constant 0 : i32
      %dma_start3A_316 = tpu.memref_slice %dma_start3A_314[%mul3A_310, %dma_start3A_315] : memref<10240x128xf32, #tpu.memory_space<hbm>> -> memref<640x128xf32, #tpu.memory_space<hbm>>
      %dma_start3A_317 = arith.constant 0 : i32
      %dma_start3A_318 = tpu.memref_slice %arg11[%mul3A_310, %dma_start3A_317] : memref<10240x128xf32, #tpu.memory_space<vmem_shared>> -> memref<640x128xf32, #tpu.memory_space<vmem_shared>>
      tpu.enqueue_dma source(%dma_start3A_318 : memref<640x128xf32, #tpu.memory_space<vmem_shared>>) target(%dma_start3A_316 : memref<640x128xf32, #tpu.memory_space<hbm>>) target_semaphore(%run_scoped3A : memref<!tpu.dma_semaphore, #tpu.memory_space<semaphore_mem>>)
      %dma_wait3A = arith.constant 0 : i32
      %dma_wait3A_319 = arith.constant 0 : i32
      %dma_wait3A_320 = tpu.memref_slice %arg5[%arg0, %dma_wait3A, %dma_wait3A_319] : memref<2x10240x128xf32, #tpu.memory_space<hbm>> -> memref<1x10240x128xf32, #tpu.memory_space<hbm>>
      %dma_wait3A_321 = tpu.memref_squeeze %dma_wait3A_320 : memref<1x10240x128xf32, #tpu.memory_space<hbm>> -> memref<10240x128xf32, #tpu.memory_space<hbm>>
      %dma_wait3A_322 = arith.constant 0 : i32
      %dma_wait3A_323 = tpu.memref_slice %dma_wait3A_321[%mul3A_310, %dma_wait3A_322] : memref<10240x128xf32, #tpu.memory_space<hbm>> -> memref<640x128xf32, #tpu.memory_space<hbm>>
      %dma_wait3A_324 = arith.constant 0 : i32
      %dma_wait3A_325 = tpu.memref_slice %arg11[%mul3A_310, %dma_wait3A_324] : memref<10240x128xf32, #tpu.memory_space<vmem_shared>> -> memref<640x128xf32, #tpu.memory_space<vmem_shared>>
      tpu.wait_dma2 semaphore(%run_scoped3A : memref<!tpu.dma_semaphore, #tpu.memory_space<semaphore_mem>>) src(%dma_wait3A_325 : memref<640x128xf32, #tpu.memory_space<vmem_shared>>) dst(%dma_wait3A_323 : memref<640x128xf32, #tpu.memory_space<hbm>>)
      tpu.yield
    }) : () -> ()
    return
  }
}

#map = affine_map<(d0, d1) -> (0, 0)>
#map1 = affine_map<(d0, d1) -> (0, 0, 0)>
module attributes {stable_mosaic.version = 14 : i64} {
  func.func @_agg_kernel(%arg0: i32, %arg1: i32, %arg2: memref<10000x128xf32, #tpu.memory_space<hbm>>, %arg3: memref<2560x128xi32, #tpu.memory_space<hbm>>, %arg4: memref<640x128xf32, #tpu.memory_space<hbm>>, %arg5: memref<2x10240x128xf32, #tpu.memory_space<hbm>>, %arg6: memref<80x128xi32, #tpu.memory_space<vmem>>, %arg7: memref<2x128xi32, #tpu.memory_space<vmem>>, %arg8: memref<2x128xi32, #tpu.memory_space<vmem>>, %arg9: memref<128x128xf32, #tpu.memory_space<vmem>>, %arg10: memref<128x128xf32, #tpu.memory_space<vmem>>, %arg11: memref<10240x128xf32, #tpu.memory_space<vmem_shared>>, %arg12: memref<!tpu.dma_semaphore, #tpu.memory_space<semaphore_mem>>, %arg13: memref<!tpu.dma_semaphore, #tpu.memory_space<semaphore_mem>>, %arg14: memref<!tpu.dma_semaphore, #tpu.memory_space<semaphore_mem>>, %arg15: memref<!tpu.dma_semaphore, #tpu.memory_space<semaphore_mem>>) attributes {dimension_semantics = [#tpu.dimension_semantics<core_parallel>, #tpu.dimension_semantics<subcore_parallel>], iteration_bounds = array<i64: 2, 16>, scalar_prefetch = 0 : i64, scratch_operands = 10 : i64, tpu.core_type = #tpu.core_type<sc_vector_subcore>, window_params = [{transform_indices = #map}, {transform_indices = #map}, {transform_indices = #map}, {transform_indices = #map1}]} {
    %mul3A = arith.constant 16 : i32
    %mul3A_0 = arith.muli %arg0, %mul3A : i32
    %add3A = arith.addi %mul3A_0, %arg1 : i32
    %mul3A_1 = arith.constant 640 : i32
    %mul3A_2 = arith.muli %arg1, %mul3A_1 : i32
    "tpu.region"() ({
      %run_scoped3A = tpu.sem_alloc : memref<!tpu.dma_semaphore, #tpu.memory_space<semaphore_mem>>
      %dma_start3A_311 = arith.constant 0 : i32
      %dma_start3A_312 = tpu.memref_slice %arg11[%mul3A_2, %dma_start3A_311] : memref<10240x128xf32, #tpu.memory_space<vmem_shared>> -> memref<640x128xf32, #tpu.memory_space<vmem_shared>>
      tpu.enqueue_dma source(%arg4 : memref<640x128xf32, #tpu.memory_space<hbm>>) target(%dma_start3A_312 : memref<640x128xf32, #tpu.memory_space<vmem_shared>>) target_semaphore(%run_scoped3A : memref<!tpu.dma_semaphore, #tpu.memory_space<semaphore_mem>>)
      %dma_wait3A = arith.constant 0 : i32
      %dma_wait3A_313 = tpu.memref_slice %arg11[%mul3A_2, %dma_wait3A] : memref<10240x128xf32, #tpu.memory_space<vmem_shared>> -> memref<640x128xf32, #tpu.memory_space<vmem_shared>>
      tpu.wait_dma2 semaphore(%run_scoped3A : memref<!tpu.dma_semaphore, #tpu.memory_space<semaphore_mem>>) src(%arg4 : memref<640x128xf32, #tpu.memory_space<hbm>>) dst(%dma_wait3A_313 : memref<640x128xf32, #tpu.memory_space<vmem_shared>>)
      tpu.yield
    }) : () -> ()
    %barrier3A = arith.constant 0 : index
    tpu.barrier barrier_id(%barrier3A)
    %mul3A_3 = arith.constant 80 : i32
    %mul3A_4 = arith.muli %add3A, %mul3A_3 : i32
    %add3A_5 = arith.constant 0 : i32
    %add3A_6 = arith.addi %mul3A_4, %add3A_5 : i32
    "tpu.region"() ({
      %run_scoped3A = tpu.sem_alloc : memref<!tpu.dma_semaphore, #tpu.memory_space<semaphore_mem>>
      %dma_start3A_311 = arith.constant 0 : i32
      %dma_start3A_312 = tpu.memref_slice %arg3[%add3A_6, %dma_start3A_311] : memref<2560x128xi32, #tpu.memory_space<hbm>> -> memref<80x128xi32, #tpu.memory_space<hbm>>
      %dma_start3A_313 = arith.constant 0 : i32
      %dma_start3A_314 = tpu.memref_slice %arg3[%add3A_6, %dma_start3A_313] : memref<2560x128xi32, #tpu.memory_space<hbm>> -> memref<80x128xi32, #tpu.memory_space<hbm>>
      tpu.enqueue_dma source(%dma_start3A_314 : memref<80x128xi32, #tpu.memory_space<hbm>>) target(%arg6 : memref<80x128xi32, #tpu.memory_space<vmem>>) target_semaphore(%run_scoped3A : memref<!tpu.dma_semaphore, #tpu.memory_space<semaphore_mem>>)
      %dma_wait3A = arith.constant 0 : i32
      %dma_wait3A_315 = tpu.memref_slice %arg3[%add3A_6, %dma_wait3A] : memref<2560x128xi32, #tpu.memory_space<hbm>> -> memref<80x128xi32, #tpu.memory_space<hbm>>
      %dma_wait3A_316 = arith.constant 0 : i32
      %dma_wait3A_317 = tpu.memref_slice %arg3[%add3A_6, %dma_wait3A_316] : memref<2560x128xi32, #tpu.memory_space<hbm>> -> memref<80x128xi32, #tpu.memory_space<hbm>>
      tpu.wait_dma2 semaphore(%run_scoped3A : memref<!tpu.dma_semaphore, #tpu.memory_space<semaphore_mem>>) src(%dma_wait3A_317 : memref<80x128xi32, #tpu.memory_space<hbm>>) dst(%arg6 : memref<80x128xi32, #tpu.memory_space<vmem>>)
      tpu.yield
    }) : () -> ()
    %get3A = arith.constant 0 : i32
    %get3A_7 = arith.index_cast %get3A : i32 to index
    %get3A_8 = arith.constant 0 : index
    %get3A_9 = tpu.vector_load %arg6[%get3A_7, %get3A_8] {strides = array<i32>} : memref<80x128xi32, #tpu.memory_space<vmem>>, vector<16xi32>,
    %and3A = arith.constant 65535 : i32
    %and3A_10 = vector.broadcast %and3A : i32 to vector<16xi32>
    %and3A_11 = arith.andi %get3A_9, %and3A_10 : vector<16xi32>
    %swap3A = arith.constant 0 : i32
    %swap3A_12 = arith.index_cast %swap3A : i32 to index
    %swap3A_13 = arith.constant 0 : index
    %swap3A_14 = tpu.vector_load %arg7[%swap3A_12, %swap3A_13] {strides = array<i32>} : memref<2x128xi32, #tpu.memory_space<vmem>>, vector<16xi32>,
    tpu.vector_store %arg7[%swap3A_12, %swap3A_13], %and3A_11 {strides = array<i32>} : memref<2x128xi32, #tpu.memory_space<vmem>>, vector<16xi32>,
    %shift_right_logical3A = arith.constant 16 : i32
    %shift_right_logical3A_15 = vector.broadcast %shift_right_logical3A : i32 to vector<16xi32>
    %shift_right_logical3A_16 = arith.shrui %get3A_9, %shift_right_logical3A_15 : vector<16xi32>
    %swap3A_17 = arith.constant 0 : i32
    %swap3A_18 = arith.index_cast %swap3A_17 : i32 to index
    %swap3A_19 = arith.constant 0 : index
    %swap3A_20 = tpu.vector_load %arg8[%swap3A_18, %swap3A_19] {strides = array<i32>} : memref<2x128xi32, #tpu.memory_space<vmem>>, vector<16xi32>,
    tpu.vector_store %arg8[%swap3A_18, %swap3A_19], %shift_right_logical3A_16 {strides = array<i32>} : memref<2x128xi32, #tpu.memory_space<vmem>>, vector<16xi32>,
    %get3A_21 = arith.constant 0 : i32
    %get3A_22 = arith.index_cast %get3A_21 : i32 to index
    %get3A_23 = arith.constant 16 : index
    %get3A_24 = tpu.vector_load %arg6[%get3A_22, %get3A_23] {strides = array<i32>} : memref<80x128xi32, #tpu.memory_space<vmem>>, vector<16xi32>,
    %and3A_25 = arith.constant 65535 : i32
    %and3A_26 = vector.broadcast %and3A_25 : i32 to vector<16xi32>
    %and3A_27 = arith.andi %get3A_24, %and3A_26 : vector<16xi32>
    %swap3A_28 = arith.constant 0 : i32
    %swap3A_29 = arith.index_cast %swap3A_28 : i32 to index
    %swap3A_30 = arith.constant 16 : index
    %swap3A_31 = tpu.vector_load %arg7[%swap3A_29, %swap3A_30] {strides = array<i32>} : memref<2x128xi32, #tpu.memory_space<vmem>>, vector<16xi32>,
    tpu.vector_store %arg7[%swap3A_29, %swap3A_30], %and3A_27 {strides = array<i32>} : memref<2x128xi32, #tpu.memory_space<vmem>>, vector<16xi32>,
    %shift_right_logical3A_32 = arith.constant 16 : i32
    %shift_right_logical3A_33 = vector.broadcast %shift_right_logical3A_32 : i32 to vector<16xi32>
    %shift_right_logical3A_34 = arith.shrui %get3A_24, %shift_right_logical3A_33 : vector<16xi32>
    %swap3A_35 = arith.constant 0 : i32
    %swap3A_36 = arith.index_cast %swap3A_35 : i32 to index
    %swap3A_37 = arith.constant 16 : index
    %swap3A_38 = tpu.vector_load %arg8[%swap3A_36, %swap3A_37] {strides = array<i32>} : memref<2x128xi32, #tpu.memory_space<vmem>>, vector<16xi32>,
    tpu.vector_store %arg8[%swap3A_36, %swap3A_37], %shift_right_logical3A_34 {strides = array<i32>} : memref<2x128xi32, #tpu.memory_space<vmem>>, vector<16xi32>,
    %get3A_39 = arith.constant 0 : i32
    %get3A_40 = arith.index_cast %get3A_39 : i32 to index
    %get3A_41 = arith.constant 32 : index
    %get3A_42 = tpu.vector_load %arg6[%get3A_40, %get3A_41] {strides = array<i32>} : memref<80x128xi32, #tpu.memory_space<vmem>>, vector<16xi32>,
    %and3A_43 = arith.constant 65535 : i32
    %and3A_44 = vector.broadcast %and3A_43 : i32 to vector<16xi32>
    %and3A_45 = arith.andi %get3A_42, %and3A_44 : vector<16xi32>
    %swap3A_46 = arith.constant 0 : i32
    %swap3A_47 = arith.index_cast %swap3A_46 : i32 to index
    %swap3A_48 = arith.constant 32 : index
    %swap3A_49 = tpu.vector_load %arg7[%swap3A_47, %swap3A_48] {strides = array<i32>} : memref<2x128xi32, #tpu.memory_space<vmem>>, vector<16xi32>,
    tpu.vector_store %arg7[%swap3A_47, %swap3A_48], %and3A_45 {strides = array<i32>} : memref<2x128xi32, #tpu.memory_space<vmem>>, vector<16xi32>,
    %shift_right_logical3A_50 = arith.constant 16 : i32
    %shift_right_logical3A_51 = vector.broadcast %shift_right_logical3A_50 : i32 to vector<16xi32>
    %shift_right_logical3A_52 = arith.shrui %get3A_42, %shift_right_logical3A_51 : vector<16xi32>
    %swap3A_53 = arith.constant 0 : i32
    %swap3A_54 = arith.index_cast %swap3A_53 : i32 to index
    %swap3A_55 = arith.constant 32 : index
    %swap3A_56 = tpu.vector_load %arg8[%swap3A_54, %swap3A_55] {strides = array<i32>} : memref<2x128xi32, #tpu.memory_space<vmem>>, vector<16xi32>,
    tpu.vector_store %arg8[%swap3A_54, %swap3A_55], %shift_right_logical3A_52 {strides = array<i32>} : memref<2x128xi32, #tpu.memory_space<vmem>>, vector<16xi32>,
    %get3A_57 = arith.constant 0 : i32
    %get3A_58 = arith.index_cast %get3A_57 : i32 to index
    %get3A_59 = arith.constant 48 : index
    %get3A_60 = tpu.vector_load %arg6[%get3A_58, %get3A_59] {strides = array<i32>} : memref<80x128xi32, #tpu.memory_space<vmem>>, vector<16xi32>,
    %and3A_61 = arith.constant 65535 : i32
    %and3A_62 = vector.broadcast %and3A_61 : i32 to vector<16xi32>
    %and3A_63 = arith.andi %get3A_60, %and3A_62 : vector<16xi32>
    %swap3A_64 = arith.constant 0 : i32
    %swap3A_65 = arith.index_cast %swap3A_64 : i32 to index
    %swap3A_66 = arith.constant 48 : index
    %swap3A_67 = tpu.vector_load %arg7[%swap3A_65, %swap3A_66] {strides = array<i32>} : memref<2x128xi32, #tpu.memory_space<vmem>>, vector<16xi32>,
    tpu.vector_store %arg7[%swap3A_65, %swap3A_66], %and3A_63 {strides = array<i32>} : memref<2x128xi32, #tpu.memory_space<vmem>>, vector<16xi32>,
    %shift_right_logical3A_68 = arith.constant 16 : i32
    %shift_right_logical3A_69 = vector.broadcast %shift_right_logical3A_68 : i32 to vector<16xi32>
    %shift_right_logical3A_70 = arith.shrui %get3A_60, %shift_right_logical3A_69 : vector<16xi32>
    %swap3A_71 = arith.constant 0 : i32
    %swap3A_72 = arith.index_cast %swap3A_71 : i32 to index
    %swap3A_73 = arith.constant 48 : index
    %swap3A_74 = tpu.vector_load %arg8[%swap3A_72, %swap3A_73] {strides = array<i32>} : memref<2x128xi32, #tpu.memory_space<vmem>>, vector<16xi32>,
    tpu.vector_store %arg8[%swap3A_72, %swap3A_73], %shift_right_logical3A_70 {strides = array<i32>} : memref<2x128xi32, #tpu.memory_space<vmem>>, vector<16xi32>,
    %get3A_75 = arith.constant 0 : i32
    %get3A_76 = arith.index_cast %get3A_75 : i32 to index
    %get3A_77 = arith.constant 64 : index
    %get3A_78 = tpu.vector_load %arg6[%get3A_76, %get3A_77] {strides = array<i32>} : memref<80x128xi32, #tpu.memory_space<vmem>>, vector<16xi32>,
    %and3A_79 = arith.constant 65535 : i32
    %and3A_80 = vector.broadcast %and3A_79 : i32 to vector<16xi32>
    %and3A_81 = arith.andi %get3A_78, %and3A_80 : vector<16xi32>
    %swap3A_82 = arith.constant 0 : i32
    %swap3A_83 = arith.index_cast %swap3A_82 : i32 to index
    %swap3A_84 = arith.constant 64 : index
    %swap3A_85 = tpu.vector_load %arg7[%swap3A_83, %swap3A_84] {strides = array<i32>} : memref<2x128xi32, #tpu.memory_space<vmem>>, vector<16xi32>,
    tpu.vector_store %arg7[%swap3A_83, %swap3A_84], %and3A_81 {strides = array<i32>} : memref<2x128xi32, #tpu.memory_space<vmem>>, vector<16xi32>,
    %shift_right_logical3A_86 = arith.constant 16 : i32
    %shift_right_logical3A_87 = vector.broadcast %shift_right_logical3A_86 : i32 to vector<16xi32>
    %shift_right_logical3A_88 = arith.shrui %get3A_78, %shift_right_logical3A_87 : vector<16xi32>
    %swap3A_89 = arith.constant 0 : i32
    %swap3A_90 = arith.index_cast %swap3A_89 : i32 to index
    %swap3A_91 = arith.constant 64 : index
    %swap3A_92 = tpu.vector_load %arg8[%swap3A_90, %swap3A_91] {strides = array<i32>} : memref<2x128xi32, #tpu.memory_space<vmem>>, vector<16xi32>,
    tpu.vector_store %arg8[%swap3A_90, %swap3A_91], %shift_right_logical3A_88 {strides = array<i32>} : memref<2x128xi32, #tpu.memory_space<vmem>>, vector<16xi32>,
    %get3A_93 = arith.constant 0 : i32
    %get3A_94 = arith.index_cast %get3A_93 : i32 to index
    %get3A_95 = arith.constant 80 : index
    %get3A_96 = tpu.vector_load %arg6[%get3A_94, %get3A_95] {strides = array<i32>} : memref<80x128xi32, #tpu.memory_space<vmem>>, vector<16xi32>,
    %and3A_97 = arith.constant 65535 : i32
    %and3A_98 = vector.broadcast %and3A_97 : i32 to vector<16xi32>
    %and3A_99 = arith.andi %get3A_96, %and3A_98 : vector<16xi32>
    %swap3A_100 = arith.constant 0 : i32
    %swap3A_101 = arith.index_cast %swap3A_100 : i32 to index
    %swap3A_102 = arith.constant 80 : index
    %swap3A_103 = tpu.vector_load %arg7[%swap3A_101, %swap3A_102] {strides = array<i32>} : memref<2x128xi32, #tpu.memory_space<vmem>>, vector<16xi32>,
    tpu.vector_store %arg7[%swap3A_101, %swap3A_102], %and3A_99 {strides = array<i32>} : memref<2x128xi32, #tpu.memory_space<vmem>>, vector<16xi32>,
    %shift_right_logical3A_104 = arith.constant 16 : i32
    %shift_right_logical3A_105 = vector.broadcast %shift_right_logical3A_104 : i32 to vector<16xi32>
    %shift_right_logical3A_106 = arith.shrui %get3A_96, %shift_right_logical3A_105 : vector<16xi32>
    %swap3A_107 = arith.constant 0 : i32
    %swap3A_108 = arith.index_cast %swap3A_107 : i32 to index
    %swap3A_109 = arith.constant 80 : index
    %swap3A_110 = tpu.vector_load %arg8[%swap3A_108, %swap3A_109] {strides = array<i32>} : memref<2x128xi32, #tpu.memory_space<vmem>>, vector<16xi32>,
    tpu.vector_store %arg8[%swap3A_108, %swap3A_109], %shift_right_logical3A_106 {strides = array<i32>} : memref<2x128xi32, #tpu.memory_space<vmem>>, vector<16xi32>,
    %get3A_111 = arith.constant 0 : i32
    %get3A_112 = arith.index_cast %get3A_111 : i32 to index
    %get3A_113 = arith.constant 96 : index
    %get3A_114 = tpu.vector_load %arg6[%get3A_112, %get3A_113] {strides = array<i32>} : memref<80x128xi32, #tpu.memory_space<vmem>>, vector<16xi32>,
    %and3A_115 = arith.constant 65535 : i32
    %and3A_116 = vector.broadcast %and3A_115 : i32 to vector<16xi32>
    %and3A_117 = arith.andi %get3A_114, %and3A_116 : vector<16xi32>
    %swap3A_118 = arith.constant 0 : i32
    %swap3A_119 = arith.index_cast %swap3A_118 : i32 to index
    %swap3A_120 = arith.constant 96 : index
    %swap3A_121 = tpu.vector_load %arg7[%swap3A_119, %swap3A_120] {strides = array<i32>} : memref<2x128xi32, #tpu.memory_space<vmem>>, vector<16xi32>,
    tpu.vector_store %arg7[%swap3A_119, %swap3A_120], %and3A_117 {strides = array<i32>} : memref<2x128xi32, #tpu.memory_space<vmem>>, vector<16xi32>,
    %shift_right_logical3A_122 = arith.constant 16 : i32
    %shift_right_logical3A_123 = vector.broadcast %shift_right_logical3A_122 : i32 to vector<16xi32>
    %shift_right_logical3A_124 = arith.shrui %get3A_114, %shift_right_logical3A_123 : vector<16xi32>
    %swap3A_125 = arith.constant 0 : i32
    %swap3A_126 = arith.index_cast %swap3A_125 : i32 to index
    %swap3A_127 = arith.constant 96 : index
    %swap3A_128 = tpu.vector_load %arg8[%swap3A_126, %swap3A_127] {strides = array<i32>} : memref<2x128xi32, #tpu.memory_space<vmem>>, vector<16xi32>,
    tpu.vector_store %arg8[%swap3A_126, %swap3A_127], %shift_right_logical3A_124 {strides = array<i32>} : memref<2x128xi32, #tpu.memory_space<vmem>>, vector<16xi32>,
    %get3A_129 = arith.constant 0 : i32
    %get3A_130 = arith.index_cast %get3A_129 : i32 to index
    %get3A_131 = arith.constant 112 : index
    %get3A_132 = tpu.vector_load %arg6[%get3A_130, %get3A_131] {strides = array<i32>} : memref<80x128xi32, #tpu.memory_space<vmem>>, vector<16xi32>,
    %and3A_133 = arith.constant 65535 : i32
    %and3A_134 = vector.broadcast %and3A_133 : i32 to vector<16xi32>
    %and3A_135 = arith.andi %get3A_132, %and3A_134 : vector<16xi32>
    %swap3A_136 = arith.constant 0 : i32
    %swap3A_137 = arith.index_cast %swap3A_136 : i32 to index
    %swap3A_138 = arith.constant 112 : index
    %swap3A_139 = tpu.vector_load %arg7[%swap3A_137, %swap3A_138] {strides = array<i32>} : memref<2x128xi32, #tpu.memory_space<vmem>>, vector<16xi32>,
    tpu.vector_store %arg7[%swap3A_137, %swap3A_138], %and3A_135 {strides = array<i32>} : memref<2x128xi32, #tpu.memory_space<vmem>>, vector<16xi32>,
    %shift_right_logical3A_140 = arith.constant 16 : i32
    %shift_right_logical3A_141 = vector.broadcast %shift_right_logical3A_140 : i32 to vector<16xi32>
    %shift_right_logical3A_142 = arith.shrui %get3A_132, %shift_right_logical3A_141 : vector<16xi32>
    %swap3A_143 = arith.constant 0 : i32
    %swap3A_144 = arith.index_cast %swap3A_143 : i32 to index
    %swap3A_145 = arith.constant 112 : index
    %swap3A_146 = tpu.vector_load %arg8[%swap3A_144, %swap3A_145] {strides = array<i32>} : memref<2x128xi32, #tpu.memory_space<vmem>>, vector<16xi32>,
    tpu.vector_store %arg8[%swap3A_144, %swap3A_145], %shift_right_logical3A_142 {strides = array<i32>} : memref<2x128xi32, #tpu.memory_space<vmem>>, vector<16xi32>,
    %dma_start3A = arith.constant 0 : i32
    %dma_start3A_147 = arith.constant 0 : i32
    %dma_start3A_148 = tpu.memref_slice %arg7[%dma_start3A, %dma_start3A_147] : memref<2x128xi32, #tpu.memory_space<vmem>> -> memref<1x128xi32, #tpu.memory_space<vmem>>
    %dma_start3A_149 = tpu.memref_squeeze %dma_start3A_148 : memref<1x128xi32, #tpu.memory_space<vmem>> -> memref<128xi32, #tpu.memory_space<vmem>>
    %dma_start3A_150 = arith.constant 0 : i32
    %dma_start3A_151 = arith.constant 0 : i32
    %dma_start3A_152 = tpu.memref_slice %arg2[%dma_start3A_150, %dma_start3A_151] : memref<10000x128xf32, #tpu.memory_space<hbm>> -> memref<10000x128xf32, #tpu.memory_space<hbm>>
    tpu.enqueue_indirect_dma source(%dma_start3A_152 : memref<10000x128xf32, #tpu.memory_space<hbm>>) target(%arg9 : memref<128x128xf32, #tpu.memory_space<vmem>>) offsets(%dma_start3A_149 : memref<128xi32, #tpu.memory_space<vmem>>) semaphore(%arg12 : memref<!tpu.dma_semaphore, #tpu.memory_space<semaphore_mem>>)
    %get3A_153 = arith.constant 1 : i32
    %get3A_154 = arith.index_cast %get3A_153 : i32 to index
    %get3A_155 = arith.constant 0 : index
    %get3A_156 = tpu.vector_load %arg6[%get3A_154, %get3A_155] {strides = array<i32>} : memref<80x128xi32, #tpu.memory_space<vmem>>, vector<16xi32>,
    %and3A_157 = arith.constant 65535 : i32
    %and3A_158 = vector.broadcast %and3A_157 : i32 to vector<16xi32>
    %and3A_159 = arith.andi %get3A_156, %and3A_158 : vector<16xi32>
    %swap3A_160 = arith.constant 1 : i32
    %swap3A_161 = arith.index_cast %swap3A_160 : i32 to index
    %swap3A_162 = arith.constant 0 : index
    %swap3A_163 = tpu.vector_load %arg7[%swap3A_161, %swap3A_162] {strides = array<i32>} : memref<2x128xi32, #tpu.memory_space<vmem>>, vector<16xi32>,
    tpu.vector_store %arg7[%swap3A_161, %swap3A_162], %and3A_159 {strides = array<i32>} : memref<2x128xi32, #tpu.memory_space<vmem>>, vector<16xi32>,
    %shift_right_logical3A_164 = arith.constant 16 : i32
    %shift_right_logical3A_165 = vector.broadcast %shift_right_logical3A_164 : i32 to vector<16xi32>
    %shift_right_logical3A_166 = arith.shrui %get3A_156, %shift_right_logical3A_165 : vector<16xi32>
    %swap3A_167 = arith.constant 1 : i32
    %swap3A_168 = arith.index_cast %swap3A_167 : i32 to index
    %swap3A_169 = arith.constant 0 : index
    %swap3A_170 = tpu.vector_load %arg8[%swap3A_168, %swap3A_169] {strides = array<i32>} : memref<2x128xi32, #tpu.memory_space<vmem>>, vector<16xi32>,
    tpu.vector_store %arg8[%swap3A_168, %swap3A_169], %shift_right_logical3A_166 {strides = array<i32>} : memref<2x128xi32, #tpu.memory_space<vmem>>, vector<16xi32>,
    %get3A_171 = arith.constant 1 : i32
    %get3A_172 = arith.index_cast %get3A_171 : i32 to index
    %get3A_173 = arith.constant 16 : index
    %get3A_174 = tpu.vector_load %arg6[%get3A_172, %get3A_173] {strides = array<i32>} : memref<80x128xi32, #tpu.memory_space<vmem>>, vector<16xi32>,
    %and3A_175 = arith.constant 65535 : i32
    %and3A_176 = vector.broadcast %and3A_175 : i32 to vector<16xi32>
    %and3A_177 = arith.andi %get3A_174, %and3A_176 : vector<16xi32>
    %swap3A_178 = arith.constant 1 : i32
    %swap3A_179 = arith.index_cast %swap3A_178 : i32 to index
    %swap3A_180 = arith.constant 16 : index
    %swap3A_181 = tpu.vector_load %arg7[%swap3A_179, %swap3A_180] {strides = array<i32>} : memref<2x128xi32, #tpu.memory_space<vmem>>, vector<16xi32>,
    tpu.vector_store %arg7[%swap3A_179, %swap3A_180], %and3A_177 {strides = array<i32>} : memref<2x128xi32, #tpu.memory_space<vmem>>, vector<16xi32>,
    %shift_right_logical3A_182 = arith.constant 16 : i32
    %shift_right_logical3A_183 = vector.broadcast %shift_right_logical3A_182 : i32 to vector<16xi32>
    %shift_right_logical3A_184 = arith.shrui %get3A_174, %shift_right_logical3A_183 : vector<16xi32>
    %swap3A_185 = arith.constant 1 : i32
    %swap3A_186 = arith.index_cast %swap3A_185 : i32 to index
    %swap3A_187 = arith.constant 16 : index
    %swap3A_188 = tpu.vector_load %arg8[%swap3A_186, %swap3A_187] {strides = array<i32>} : memref<2x128xi32, #tpu.memory_space<vmem>>, vector<16xi32>,
    tpu.vector_store %arg8[%swap3A_186, %swap3A_187], %shift_right_logical3A_184 {strides = array<i32>} : memref<2x128xi32, #tpu.memory_space<vmem>>, vector<16xi32>,
    %get3A_189 = arith.constant 1 : i32
    %get3A_190 = arith.index_cast %get3A_189 : i32 to index
    %get3A_191 = arith.constant 32 : index
    %get3A_192 = tpu.vector_load %arg6[%get3A_190, %get3A_191] {strides = array<i32>} : memref<80x128xi32, #tpu.memory_space<vmem>>, vector<16xi32>,
    %and3A_193 = arith.constant 65535 : i32
    %and3A_194 = vector.broadcast %and3A_193 : i32 to vector<16xi32>
    %and3A_195 = arith.andi %get3A_192, %and3A_194 : vector<16xi32>
    %swap3A_196 = arith.constant 1 : i32
    %swap3A_197 = arith.index_cast %swap3A_196 : i32 to index
    %swap3A_198 = arith.constant 32 : index
    %swap3A_199 = tpu.vector_load %arg7[%swap3A_197, %swap3A_198] {strides = array<i32>} : memref<2x128xi32, #tpu.memory_space<vmem>>, vector<16xi32>,
    tpu.vector_store %arg7[%swap3A_197, %swap3A_198], %and3A_195 {strides = array<i32>} : memref<2x128xi32, #tpu.memory_space<vmem>>, vector<16xi32>,
    %shift_right_logical3A_200 = arith.constant 16 : i32
    %shift_right_logical3A_201 = vector.broadcast %shift_right_logical3A_200 : i32 to vector<16xi32>
    %shift_right_logical3A_202 = arith.shrui %get3A_192, %shift_right_logical3A_201 : vector<16xi32>
    %swap3A_203 = arith.constant 1 : i32
    %swap3A_204 = arith.index_cast %swap3A_203 : i32 to index
    %swap3A_205 = arith.constant 32 : index
    %swap3A_206 = tpu.vector_load %arg8[%swap3A_204, %swap3A_205] {strides = array<i32>} : memref<2x128xi32, #tpu.memory_space<vmem>>, vector<16xi32>,
    tpu.vector_store %arg8[%swap3A_204, %swap3A_205], %shift_right_logical3A_202 {strides = array<i32>} : memref<2x128xi32, #tpu.memory_space<vmem>>, vector<16xi32>,
    %get3A_207 = arith.constant 1 : i32
    %get3A_208 = arith.index_cast %get3A_207 : i32 to index
    %get3A_209 = arith.constant 48 : index
    %get3A_210 = tpu.vector_load %arg6[%get3A_208, %get3A_209] {strides = array<i32>} : memref<80x128xi32, #tpu.memory_space<vmem>>, vector<16xi32>,
    %and3A_211 = arith.constant 65535 : i32
    %and3A_212 = vector.broadcast %and3A_211 : i32 to vector<16xi32>
    %and3A_213 = arith.andi %get3A_210, %and3A_212 : vector<16xi32>
    %swap3A_214 = arith.constant 1 : i32
    %swap3A_215 = arith.index_cast %swap3A_214 : i32 to index
    %swap3A_216 = arith.constant 48 : index
    %swap3A_217 = tpu.vector_load %arg7[%swap3A_215, %swap3A_216] {strides = array<i32>} : memref<2x128xi32, #tpu.memory_space<vmem>>, vector<16xi32>,
    tpu.vector_store %arg7[%swap3A_215, %swap3A_216], %and3A_213 {strides = array<i32>} : memref<2x128xi32, #tpu.memory_space<vmem>>, vector<16xi32>,
    %shift_right_logical3A_218 = arith.constant 16 : i32
    %shift_right_logical3A_219 = vector.broadcast %shift_right_logical3A_218 : i32 to vector<16xi32>
    %shift_right_logical3A_220 = arith.shrui %get3A_210, %shift_right_logical3A_219 : vector<16xi32>
    %swap3A_221 = arith.constant 1 : i32
    %swap3A_222 = arith.index_cast %swap3A_221 : i32 to index
    %swap3A_223 = arith.constant 48 : index
    %swap3A_224 = tpu.vector_load %arg8[%swap3A_222, %swap3A_223] {strides = array<i32>} : memref<2x128xi32, #tpu.memory_space<vmem>>, vector<16xi32>,
    tpu.vector_store %arg8[%swap3A_222, %swap3A_223], %shift_right_logical3A_220 {strides = array<i32>} : memref<2x128xi32, #tpu.memory_space<vmem>>, vector<16xi32>,
    %get3A_225 = arith.constant 1 : i32
    %get3A_226 = arith.index_cast %get3A_225 : i32 to index
    %get3A_227 = arith.constant 64 : index
    %get3A_228 = tpu.vector_load %arg6[%get3A_226, %get3A_227] {strides = array<i32>} : memref<80x128xi32, #tpu.memory_space<vmem>>, vector<16xi32>,
    %and3A_229 = arith.constant 65535 : i32
    %and3A_230 = vector.broadcast %and3A_229 : i32 to vector<16xi32>
    %and3A_231 = arith.andi %get3A_228, %and3A_230 : vector<16xi32>
    %swap3A_232 = arith.constant 1 : i32
    %swap3A_233 = arith.index_cast %swap3A_232 : i32 to index
    %swap3A_234 = arith.constant 64 : index
    %swap3A_235 = tpu.vector_load %arg7[%swap3A_233, %swap3A_234] {strides = array<i32>} : memref<2x128xi32, #tpu.memory_space<vmem>>, vector<16xi32>,
    tpu.vector_store %arg7[%swap3A_233, %swap3A_234], %and3A_231 {strides = array<i32>} : memref<2x128xi32, #tpu.memory_space<vmem>>, vector<16xi32>,
    %shift_right_logical3A_236 = arith.constant 16 : i32
    %shift_right_logical3A_237 = vector.broadcast %shift_right_logical3A_236 : i32 to vector<16xi32>
    %shift_right_logical3A_238 = arith.shrui %get3A_228, %shift_right_logical3A_237 : vector<16xi32>
    %swap3A_239 = arith.constant 1 : i32
    %swap3A_240 = arith.index_cast %swap3A_239 : i32 to index
    %swap3A_241 = arith.constant 64 : index
    %swap3A_242 = tpu.vector_load %arg8[%swap3A_240, %swap3A_241] {strides = array<i32>} : memref<2x128xi32, #tpu.memory_space<vmem>>, vector<16xi32>,
    tpu.vector_store %arg8[%swap3A_240, %swap3A_241], %shift_right_logical3A_238 {strides = array<i32>} : memref<2x128xi32, #tpu.memory_space<vmem>>, vector<16xi32>,
    %get3A_243 = arith.constant 1 : i32
    %get3A_244 = arith.index_cast %get3A_243 : i32 to index
    %get3A_245 = arith.constant 80 : index
    %get3A_246 = tpu.vector_load %arg6[%get3A_244, %get3A_245] {strides = array<i32>} : memref<80x128xi32, #tpu.memory_space<vmem>>, vector<16xi32>,
    %and3A_247 = arith.constant 65535 : i32
    %and3A_248 = vector.broadcast %and3A_247 : i32 to vector<16xi32>
    %and3A_249 = arith.andi %get3A_246, %and3A_248 : vector<16xi32>
    %swap3A_250 = arith.constant 1 : i32
    %swap3A_251 = arith.index_cast %swap3A_250 : i32 to index
    %swap3A_252 = arith.constant 80 : index
    %swap3A_253 = tpu.vector_load %arg7[%swap3A_251, %swap3A_252] {strides = array<i32>} : memref<2x128xi32, #tpu.memory_space<vmem>>, vector<16xi32>,
    tpu.vector_store %arg7[%swap3A_251, %swap3A_252], %and3A_249 {strides = array<i32>} : memref<2x128xi32, #tpu.memory_space<vmem>>, vector<16xi32>,
    %shift_right_logical3A_254 = arith.constant 16 : i32
    %shift_right_logical3A_255 = vector.broadcast %shift_right_logical3A_254 : i32 to vector<16xi32>
    %shift_right_logical3A_256 = arith.shrui %get3A_246, %shift_right_logical3A_255 : vector<16xi32>
    %swap3A_257 = arith.constant 1 : i32
    %swap3A_258 = arith.index_cast %swap3A_257 : i32 to index
    %swap3A_259 = arith.constant 80 : index
    %swap3A_260 = tpu.vector_load %arg8[%swap3A_258, %swap3A_259] {strides = array<i32>} : memref<2x128xi32, #tpu.memory_space<vmem>>, vector<16xi32>,
    tpu.vector_store %arg8[%swap3A_258, %swap3A_259], %shift_right_logical3A_256 {strides = array<i32>} : memref<2x128xi32, #tpu.memory_space<vmem>>, vector<16xi32>,
    %get3A_261 = arith.constant 1 : i32
    %get3A_262 = arith.index_cast %get3A_261 : i32 to index
    %get3A_263 = arith.constant 96 : index
    %get3A_264 = tpu.vector_load %arg6[%get3A_262, %get3A_263] {strides = array<i32>} : memref<80x128xi32, #tpu.memory_space<vmem>>, vector<16xi32>,
    %and3A_265 = arith.constant 65535 : i32
    %and3A_266 = vector.broadcast %and3A_265 : i32 to vector<16xi32>
    %and3A_267 = arith.andi %get3A_264, %and3A_266 : vector<16xi32>
    %swap3A_268 = arith.constant 1 : i32
    %swap3A_269 = arith.index_cast %swap3A_268 : i32 to index
    %swap3A_270 = arith.constant 96 : index
    %swap3A_271 = tpu.vector_load %arg7[%swap3A_269, %swap3A_270] {strides = array<i32>} : memref<2x128xi32, #tpu.memory_space<vmem>>, vector<16xi32>,
    tpu.vector_store %arg7[%swap3A_269, %swap3A_270], %and3A_267 {strides = array<i32>} : memref<2x128xi32, #tpu.memory_space<vmem>>, vector<16xi32>,
    %shift_right_logical3A_272 = arith.constant 16 : i32
    %shift_right_logical3A_273 = vector.broadcast %shift_right_logical3A_272 : i32 to vector<16xi32>
    %shift_right_logical3A_274 = arith.shrui %get3A_264, %shift_right_logical3A_273 : vector<16xi32>
    %swap3A_275 = arith.constant 1 : i32
    %swap3A_276 = arith.index_cast %swap3A_275 : i32 to index
    %swap3A_277 = arith.constant 96 : index
    %swap3A_278 = tpu.vector_load %arg8[%swap3A_276, %swap3A_277] {strides = array<i32>} : memref<2x128xi32, #tpu.memory_space<vmem>>, vector<16xi32>,
    tpu.vector_store %arg8[%swap3A_276, %swap3A_277], %shift_right_logical3A_274 {strides = array<i32>} : memref<2x128xi32, #tpu.memory_space<vmem>>, vector<16xi32>,
    %get3A_279 = arith.constant 1 : i32
    %get3A_280 = arith.index_cast %get3A_279 : i32 to index
    %get3A_281 = arith.constant 112 : index
    %get3A_282 = tpu.vector_load %arg6[%get3A_280, %get3A_281] {strides = array<i32>} : memref<80x128xi32, #tpu.memory_space<vmem>>, vector<16xi32>,
    %and3A_283 = arith.constant 65535 : i32
    %and3A_284 = vector.broadcast %and3A_283 : i32 to vector<16xi32>
    %and3A_285 = arith.andi %get3A_282, %and3A_284 : vector<16xi32>
    %swap3A_286 = arith.constant 1 : i32
    %swap3A_287 = arith.index_cast %swap3A_286 : i32 to index
    %swap3A_288 = arith.constant 112 : index
    %swap3A_289 = tpu.vector_load %arg7[%swap3A_287, %swap3A_288] {strides = array<i32>} : memref<2x128xi32, #tpu.memory_space<vmem>>, vector<16xi32>,
    tpu.vector_store %arg7[%swap3A_287, %swap3A_288], %and3A_285 {strides = array<i32>} : memref<2x128xi32, #tpu.memory_space<vmem>>, vector<16xi32>,
    %shift_right_logical3A_290 = arith.constant 16 : i32
    %shift_right_logical3A_291 = vector.broadcast %shift_right_logical3A_290 : i32 to vector<16xi32>
    %shift_right_logical3A_292 = arith.shrui %get3A_282, %shift_right_logical3A_291 : vector<16xi32>
    %swap3A_293 = arith.constant 1 : i32
    %swap3A_294 = arith.index_cast %swap3A_293 : i32 to index
    %swap3A_295 = arith.constant 112 : index
    %swap3A_296 = tpu.vector_load %arg8[%swap3A_294, %swap3A_295] {strides = array<i32>} : memref<2x128xi32, #tpu.memory_space<vmem>>, vector<16xi32>,
    tpu.vector_store %arg8[%swap3A_294, %swap3A_295], %shift_right_logical3A_292 {strides = array<i32>} : memref<2x128xi32, #tpu.memory_space<vmem>>, vector<16xi32>,
    %dma_start3A_297 = arith.constant 1 : i32
    %dma_start3A_298 = arith.constant 0 : i32
    %dma_start3A_299 = tpu.memref_slice %arg7[%dma_start3A_297, %dma_start3A_298] : memref<2x128xi32, #tpu.memory_space<vmem>> -> memref<1x128xi32, #tpu.memory_space<vmem>>
    %dma_start3A_300 = tpu.memref_squeeze %dma_start3A_299 : memref<1x128xi32, #tpu.memory_space<vmem>> -> memref<128xi32, #tpu.memory_space<vmem>>
    %dma_start3A_301 = arith.constant 0 : i32
    %dma_start3A_302 = arith.constant 0 : i32
    %dma_start3A_303 = tpu.memref_slice %arg2[%dma_start3A_301, %dma_start3A_302] : memref<10000x128xf32, #tpu.memory_space<hbm>> -> memref<10000x128xf32, #tpu.memory_space<hbm>>
    tpu.enqueue_indirect_dma source(%dma_start3A_303 : memref<10000x128xf32, #tpu.memory_space<hbm>>) target(%arg10 : memref<128x128xf32, #tpu.memory_space<vmem>>) offsets(%dma_start3A_300 : memref<128xi32, #tpu.memory_space<vmem>>) semaphore(%arg13 : memref<!tpu.dma_semaphore, #tpu.memory_space<semaphore_mem>>)
    %scan3A = arith.constant 0 : i32
    %scan3A_304 = arith.constant 40 : i32
    %scan3A_305 = arith.addi %scan3A, %scan3A_304 : i32
    %scan3A_306 = arith.constant 1 : i32
    scf.for %scan3A_311 = %scan3A to %scan3A_305 step %scan3A_306  : i32 {
      %mul3A_312 = arith.constant 2 : i32
      %mul3A_313 = arith.muli %mul3A_312, %scan3A_311 : i32
      %dma_wait3A = arith.constant 0 : i32
      %dma_wait3A_314 = arith.constant 0 : i32
      %dma_wait3A_315 = tpu.memref_slice %arg7[%dma_wait3A, %dma_wait3A_314] : memref<2x128xi32, #tpu.memory_space<vmem>> -> memref<1x128xi32, #tpu.memory_space<vmem>>
      %dma_wait3A_316 = tpu.memref_squeeze %dma_wait3A_315 : memref<1x128xi32, #tpu.memory_space<vmem>> -> memref<128xi32, #tpu.memory_space<vmem>>
      %dma_wait3A_317 = arith.constant 0 : i32
      %dma_wait3A_318 = arith.constant 0 : i32
      %dma_wait3A_319 = tpu.memref_slice %arg2[%dma_wait3A_317, %dma_wait3A_318] : memref<10000x128xf32, #tpu.memory_space<hbm>> -> memref<10000x128xf32, #tpu.memory_space<hbm>>
      tpu.wait_indirect_dma semaphore(%arg12 : memref<!tpu.dma_semaphore, #tpu.memory_space<semaphore_mem>>) src(%dma_wait3A_319 : memref<10000x128xf32, #tpu.memory_space<hbm>>) dst(%arg9 : memref<128x128xf32, #tpu.memory_space<vmem>>)
      %run_scoped3A = arith.constant 0 : i32
      "tpu.region"() ({
        %run_scoped3A_343 = tpu.sem_alloc : memref<!tpu.dma_semaphore, #tpu.memory_space<semaphore_mem>>
        %dma_start3A_344 = arith.constant 0 : i32
        %dma_start3A_345 = tpu.memref_slice %arg8[%run_scoped3A, %dma_start3A_344] : memref<2x128xi32, #tpu.memory_space<vmem>> -> memref<1x128xi32, #tpu.memory_space<vmem>>
        %dma_start3A_346 = tpu.memref_squeeze %dma_start3A_345 : memref<1x128xi32, #tpu.memory_space<vmem>> -> memref<128xi32, #tpu.memory_space<vmem>>
        %dma_start3A_347 = arith.constant 0 : i32
        %dma_start3A_348 = arith.constant 0 : i32
        %dma_start3A_349 = tpu.memref_slice %arg11[%dma_start3A_347, %dma_start3A_348] : memref<10240x128xf32, #tpu.memory_space<vmem_shared>> -> memref<10240x128xf32, #tpu.memory_space<vmem_shared>>
        tpu.enqueue_indirect_dma source(%arg9 : memref<128x128xf32, #tpu.memory_space<vmem>>) target(%dma_start3A_349 : memref<10240x128xf32, #tpu.memory_space<vmem_shared>>) offsets(%dma_start3A_346 : memref<128xi32, #tpu.memory_space<vmem>>) semaphore(%run_scoped3A_343 : memref<!tpu.dma_semaphore, #tpu.memory_space<semaphore_mem>>) {add = true}
        %dma_wait3A_350 = arith.constant 0 : i32
        %dma_wait3A_351 = tpu.memref_slice %arg8[%run_scoped3A, %dma_wait3A_350] : memref<2x128xi32, #tpu.memory_space<vmem>> -> memref<1x128xi32, #tpu.memory_space<vmem>>
        %dma_wait3A_352 = tpu.memref_squeeze %dma_wait3A_351 : memref<1x128xi32, #tpu.memory_space<vmem>> -> memref<128xi32, #tpu.memory_space<vmem>>
        %dma_wait3A_353 = arith.constant 0 : i32
        %dma_wait3A_354 = arith.constant 0 : i32
        %dma_wait3A_355 = tpu.memref_slice %arg11[%dma_wait3A_353, %dma_wait3A_354] : memref<10240x128xf32, #tpu.memory_space<vmem_shared>> -> memref<10240x128xf32, #tpu.memory_space<vmem_shared>>
        tpu.wait_indirect_dma semaphore(%run_scoped3A_343 : memref<!tpu.dma_semaphore, #tpu.memory_space<semaphore_mem>>) src(%arg9 : memref<128x128xf32, #tpu.memory_space<vmem>>) dst(%dma_wait3A_355 : memref<10240x128xf32, #tpu.memory_space<vmem_shared>>)
        tpu.yield
      }) : () -> ()
      %add3A_320 = arith.constant 0 : i32
      %add3A_321 = arith.addi %mul3A_313, %add3A_320 : i32
      %add3A_322 = arith.constant 2 : i32
      %add3A_323 = arith.addi %add3A_321, %add3A_322 : i32
      %lt3A = arith.constant 80 : i32
      %lt3A_324 = arith.cmpi slt, %add3A_323, %lt3A : i32
      %convert_element_type3A = arith.extui %lt3A_324 : i1 to i32
      %cond3A = arith.constant 0 : i32
      %cond3A_325 = arith.cmpi ne, %convert_element_type3A, %cond3A : i32
      scf.if %cond3A_325 {
        %add3A_343 = arith.constant 0 : i32
        %add3A_344 = arith.addi %mul3A_313, %add3A_343 : i32
        %add3A_345 = arith.constant 2 : i32
        %add3A_346 = arith.addi %add3A_344, %add3A_345 : i32
        %get3A_347 = arith.index_cast %add3A_346 : i32 to index
        %get3A_348 = arith.constant 0 : index
        %get3A_349 = tpu.vector_load %arg6[%get3A_347, %get3A_348] {strides = array<i32>} : memref<80x128xi32, #tpu.memory_space<vmem>>, vector<16xi32>,
        %and3A_350 = arith.constant 65535 : i32
        %and3A_351 = vector.broadcast %and3A_350 : i32 to vector<16xi32>
        %and3A_352 = arith.andi %get3A_349, %and3A_351 : vector<16xi32>
        %swap3A_353 = arith.constant 0 : i32
        %swap3A_354 = arith.index_cast %swap3A_353 : i32 to index
        %swap3A_355 = arith.constant 0 : index
        %swap3A_356 = tpu.vector_load %arg7[%swap3A_354, %swap3A_355] {strides = array<i32>} : memref<2x128xi32, #tpu.memory_space<vmem>>, vector<16xi32>,
        tpu.vector_store %arg7[%swap3A_354, %swap3A_355], %and3A_352 {strides = array<i32>} : memref<2x128xi32, #tpu.memory_space<vmem>>, vector<16xi32>,
        %shift_right_logical3A_357 = arith.constant 16 : i32
        %shift_right_logical3A_358 = vector.broadcast %shift_right_logical3A_357 : i32 to vector<16xi32>
        %shift_right_logical3A_359 = arith.shrui %get3A_349, %shift_right_logical3A_358 : vector<16xi32>
        %swap3A_360 = arith.constant 0 : i32
        %swap3A_361 = arith.index_cast %swap3A_360 : i32 to index
        %swap3A_362 = arith.constant 0 : index
        %swap3A_363 = tpu.vector_load %arg8[%swap3A_361, %swap3A_362] {strides = array<i32>} : memref<2x128xi32, #tpu.memory_space<vmem>>, vector<16xi32>,
        tpu.vector_store %arg8[%swap3A_361, %swap3A_362], %shift_right_logical3A_359 {strides = array<i32>} : memref<2x128xi32, #tpu.memory_space<vmem>>, vector<16xi32>,
        %get3A_364 = arith.index_cast %add3A_346 : i32 to index
        %get3A_365 = arith.constant 16 : index
        %get3A_366 = tpu.vector_load %arg6[%get3A_364, %get3A_365] {strides = array<i32>} : memref<80x128xi32, #tpu.memory_space<vmem>>, vector<16xi32>,
        %and3A_367 = arith.constant 65535 : i32
        %and3A_368 = vector.broadcast %and3A_367 : i32 to vector<16xi32>
        %and3A_369 = arith.andi %get3A_366, %and3A_368 : vector<16xi32>
        %swap3A_370 = arith.constant 0 : i32
        %swap3A_371 = arith.index_cast %swap3A_370 : i32 to index
        %swap3A_372 = arith.constant 16 : index
        %swap3A_373 = tpu.vector_load %arg7[%swap3A_371, %swap3A_372] {strides = array<i32>} : memref<2x128xi32, #tpu.memory_space<vmem>>, vector<16xi32>,
        tpu.vector_store %arg7[%swap3A_371, %swap3A_372], %and3A_369 {strides = array<i32>} : memref<2x128xi32, #tpu.memory_space<vmem>>, vector<16xi32>,
        %shift_right_logical3A_374 = arith.constant 16 : i32
        %shift_right_logical3A_375 = vector.broadcast %shift_right_logical3A_374 : i32 to vector<16xi32>
        %shift_right_logical3A_376 = arith.shrui %get3A_366, %shift_right_logical3A_375 : vector<16xi32>
        %swap3A_377 = arith.constant 0 : i32
        %swap3A_378 = arith.index_cast %swap3A_377 : i32 to index
        %swap3A_379 = arith.constant 16 : index
        %swap3A_380 = tpu.vector_load %arg8[%swap3A_378, %swap3A_379] {strides = array<i32>} : memref<2x128xi32, #tpu.memory_space<vmem>>, vector<16xi32>,
        tpu.vector_store %arg8[%swap3A_378, %swap3A_379], %shift_right_logical3A_376 {strides = array<i32>} : memref<2x128xi32, #tpu.memory_space<vmem>>, vector<16xi32>,
        %get3A_381 = arith.index_cast %add3A_346 : i32 to index
        %get3A_382 = arith.constant 32 : index
        %get3A_383 = tpu.vector_load %arg6[%get3A_381, %get3A_382] {strides = array<i32>} : memref<80x128xi32, #tpu.memory_space<vmem>>, vector<16xi32>,
        %and3A_384 = arith.constant 65535 : i32
        %and3A_385 = vector.broadcast %and3A_384 : i32 to vector<16xi32>
        %and3A_386 = arith.andi %get3A_383, %and3A_385 : vector<16xi32>
        %swap3A_387 = arith.constant 0 : i32
        %swap3A_388 = arith.index_cast %swap3A_387 : i32 to index
        %swap3A_389 = arith.constant 32 : index
        %swap3A_390 = tpu.vector_load %arg7[%swap3A_388, %swap3A_389] {strides = array<i32>} : memref<2x128xi32, #tpu.memory_space<vmem>>, vector<16xi32>,
        tpu.vector_store %arg7[%swap3A_388, %swap3A_389], %and3A_386 {strides = array<i32>} : memref<2x128xi32, #tpu.memory_space<vmem>>, vector<16xi32>,
        %shift_right_logical3A_391 = arith.constant 16 : i32
        %shift_right_logical3A_392 = vector.broadcast %shift_right_logical3A_391 : i32 to vector<16xi32>
        %shift_right_logical3A_393 = arith.shrui %get3A_383, %shift_right_logical3A_392 : vector<16xi32>
        %swap3A_394 = arith.constant 0 : i32
        %swap3A_395 = arith.index_cast %swap3A_394 : i32 to index
        %swap3A_396 = arith.constant 32 : index
        %swap3A_397 = tpu.vector_load %arg8[%swap3A_395, %swap3A_396] {strides = array<i32>} : memref<2x128xi32, #tpu.memory_space<vmem>>, vector<16xi32>,
        tpu.vector_store %arg8[%swap3A_395, %swap3A_396], %shift_right_logical3A_393 {strides = array<i32>} : memref<2x128xi32, #tpu.memory_space<vmem>>, vector<16xi32>,
        %get3A_398 = arith.index_cast %add3A_346 : i32 to index
        %get3A_399 = arith.constant 48 : index
        %get3A_400 = tpu.vector_load %arg6[%get3A_398, %get3A_399] {strides = array<i32>} : memref<80x128xi32, #tpu.memory_space<vmem>>, vector<16xi32>,
        %and3A_401 = arith.constant 65535 : i32
        %and3A_402 = vector.broadcast %and3A_401 : i32 to vector<16xi32>
        %and3A_403 = arith.andi %get3A_400, %and3A_402 : vector<16xi32>
        %swap3A_404 = arith.constant 0 : i32
        %swap3A_405 = arith.index_cast %swap3A_404 : i32 to index
        %swap3A_406 = arith.constant 48 : index
        %swap3A_407 = tpu.vector_load %arg7[%swap3A_405, %swap3A_406] {strides = array<i32>} : memref<2x128xi32, #tpu.memory_space<vmem>>, vector<16xi32>,
        tpu.vector_store %arg7[%swap3A_405, %swap3A_406], %and3A_403 {strides = array<i32>} : memref<2x128xi32, #tpu.memory_space<vmem>>, vector<16xi32>,
        %shift_right_logical3A_408 = arith.constant 16 : i32
        %shift_right_logical3A_409 = vector.broadcast %shift_right_logical3A_408 : i32 to vector<16xi32>
        %shift_right_logical3A_410 = arith.shrui %get3A_400, %shift_right_logical3A_409 : vector<16xi32>
        %swap3A_411 = arith.constant 0 : i32
        %swap3A_412 = arith.index_cast %swap3A_411 : i32 to index
        %swap3A_413 = arith.constant 48 : index
        %swap3A_414 = tpu.vector_load %arg8[%swap3A_412, %swap3A_413] {strides = array<i32>} : memref<2x128xi32, #tpu.memory_space<vmem>>, vector<16xi32>,
        tpu.vector_store %arg8[%swap3A_412, %swap3A_413], %shift_right_logical3A_410 {strides = array<i32>} : memref<2x128xi32, #tpu.memory_space<vmem>>, vector<16xi32>,
        %get3A_415 = arith.index_cast %add3A_346 : i32 to index
        %get3A_416 = arith.constant 64 : index
        %get3A_417 = tpu.vector_load %arg6[%get3A_415, %get3A_416] {strides = array<i32>} : memref<80x128xi32, #tpu.memory_space<vmem>>, vector<16xi32>,
        %and3A_418 = arith.constant 65535 : i32
        %and3A_419 = vector.broadcast %and3A_418 : i32 to vector<16xi32>
        %and3A_420 = arith.andi %get3A_417, %and3A_419 : vector<16xi32>
        %swap3A_421 = arith.constant 0 : i32
        %swap3A_422 = arith.index_cast %swap3A_421 : i32 to index
        %swap3A_423 = arith.constant 64 : index
        %swap3A_424 = tpu.vector_load %arg7[%swap3A_422, %swap3A_423] {strides = array<i32>} : memref<2x128xi32, #tpu.memory_space<vmem>>, vector<16xi32>,
        tpu.vector_store %arg7[%swap3A_422, %swap3A_423], %and3A_420 {strides = array<i32>} : memref<2x128xi32, #tpu.memory_space<vmem>>, vector<16xi32>,
        %shift_right_logical3A_425 = arith.constant 16 : i32
        %shift_right_logical3A_426 = vector.broadcast %shift_right_logical3A_425 : i32 to vector<16xi32>
        %shift_right_logical3A_427 = arith.shrui %get3A_417, %shift_right_logical3A_426 : vector<16xi32>
        %swap3A_428 = arith.constant 0 : i32
        %swap3A_429 = arith.index_cast %swap3A_428 : i32 to index
        %swap3A_430 = arith.constant 64 : index
        %swap3A_431 = tpu.vector_load %arg8[%swap3A_429, %swap3A_430] {strides = array<i32>} : memref<2x128xi32, #tpu.memory_space<vmem>>, vector<16xi32>,
        tpu.vector_store %arg8[%swap3A_429, %swap3A_430], %shift_right_logical3A_427 {strides = array<i32>} : memref<2x128xi32, #tpu.memory_space<vmem>>, vector<16xi32>,
        %get3A_432 = arith.index_cast %add3A_346 : i32 to index
        %get3A_433 = arith.constant 80 : index
        %get3A_434 = tpu.vector_load %arg6[%get3A_432, %get3A_433] {strides = array<i32>} : memref<80x128xi32, #tpu.memory_space<vmem>>, vector<16xi32>,
        %and3A_435 = arith.constant 65535 : i32
        %and3A_436 = vector.broadcast %and3A_435 : i32 to vector<16xi32>
        %and3A_437 = arith.andi %get3A_434, %and3A_436 : vector<16xi32>
        %swap3A_438 = arith.constant 0 : i32
        %swap3A_439 = arith.index_cast %swap3A_438 : i32 to index
        %swap3A_440 = arith.constant 80 : index
        %swap3A_441 = tpu.vector_load %arg7[%swap3A_439, %swap3A_440] {strides = array<i32>} : memref<2x128xi32, #tpu.memory_space<vmem>>, vector<16xi32>,
        tpu.vector_store %arg7[%swap3A_439, %swap3A_440], %and3A_437 {strides = array<i32>} : memref<2x128xi32, #tpu.memory_space<vmem>>, vector<16xi32>,
        %shift_right_logical3A_442 = arith.constant 16 : i32
        %shift_right_logical3A_443 = vector.broadcast %shift_right_logical3A_442 : i32 to vector<16xi32>
        %shift_right_logical3A_444 = arith.shrui %get3A_434, %shift_right_logical3A_443 : vector<16xi32>
        %swap3A_445 = arith.constant 0 : i32
        %swap3A_446 = arith.index_cast %swap3A_445 : i32 to index
        %swap3A_447 = arith.constant 80 : index
        %swap3A_448 = tpu.vector_load %arg8[%swap3A_446, %swap3A_447] {strides = array<i32>} : memref<2x128xi32, #tpu.memory_space<vmem>>, vector<16xi32>,
        tpu.vector_store %arg8[%swap3A_446, %swap3A_447], %shift_right_logical3A_444 {strides = array<i32>} : memref<2x128xi32, #tpu.memory_space<vmem>>, vector<16xi32>,
        %get3A_449 = arith.index_cast %add3A_346 : i32 to index
        %get3A_450 = arith.constant 96 : index
        %get3A_451 = tpu.vector_load %arg6[%get3A_449, %get3A_450] {strides = array<i32>} : memref<80x128xi32, #tpu.memory_space<vmem>>, vector<16xi32>,
        %and3A_452 = arith.constant 65535 : i32
        %and3A_453 = vector.broadcast %and3A_452 : i32 to vector<16xi32>
        %and3A_454 = arith.andi %get3A_451, %and3A_453 : vector<16xi32>
        %swap3A_455 = arith.constant 0 : i32
        %swap3A_456 = arith.index_cast %swap3A_455 : i32 to index
        %swap3A_457 = arith.constant 96 : index
        %swap3A_458 = tpu.vector_load %arg7[%swap3A_456, %swap3A_457] {strides = array<i32>} : memref<2x128xi32, #tpu.memory_space<vmem>>, vector<16xi32>,
        tpu.vector_store %arg7[%swap3A_456, %swap3A_457], %and3A_454 {strides = array<i32>} : memref<2x128xi32, #tpu.memory_space<vmem>>, vector<16xi32>,
        %shift_right_logical3A_459 = arith.constant 16 : i32
        %shift_right_logical3A_460 = vector.broadcast %shift_right_logical3A_459 : i32 to vector<16xi32>
        %shift_right_logical3A_461 = arith.shrui %get3A_451, %shift_right_logical3A_460 : vector<16xi32>
        %swap3A_462 = arith.constant 0 : i32
        %swap3A_463 = arith.index_cast %swap3A_462 : i32 to index
        %swap3A_464 = arith.constant 96 : index
        %swap3A_465 = tpu.vector_load %arg8[%swap3A_463, %swap3A_464] {strides = array<i32>} : memref<2x128xi32, #tpu.memory_space<vmem>>, vector<16xi32>,
        tpu.vector_store %arg8[%swap3A_463, %swap3A_464], %shift_right_logical3A_461 {strides = array<i32>} : memref<2x128xi32, #tpu.memory_space<vmem>>, vector<16xi32>,
        %get3A_466 = arith.index_cast %add3A_346 : i32 to index
        %get3A_467 = arith.constant 112 : index
        %get3A_468 = tpu.vector_load %arg6[%get3A_466, %get3A_467] {strides = array<i32>} : memref<80x128xi32, #tpu.memory_space<vmem>>, vector<16xi32>,
        %and3A_469 = arith.constant 65535 : i32
        %and3A_470 = vector.broadcast %and3A_469 : i32 to vector<16xi32>
        %and3A_471 = arith.andi %get3A_468, %and3A_470 : vector<16xi32>
        %swap3A_472 = arith.constant 0 : i32
        %swap3A_473 = arith.index_cast %swap3A_472 : i32 to index
        %swap3A_474 = arith.constant 112 : index
        %swap3A_475 = tpu.vector_load %arg7[%swap3A_473, %swap3A_474] {strides = array<i32>} : memref<2x128xi32, #tpu.memory_space<vmem>>, vector<16xi32>,
        tpu.vector_store %arg7[%swap3A_473, %swap3A_474], %and3A_471 {strides = array<i32>} : memref<2x128xi32, #tpu.memory_space<vmem>>, vector<16xi32>,
        %shift_right_logical3A_476 = arith.constant 16 : i32
        %shift_right_logical3A_477 = vector.broadcast %shift_right_logical3A_476 : i32 to vector<16xi32>
        %shift_right_logical3A_478 = arith.shrui %get3A_468, %shift_right_logical3A_477 : vector<16xi32>
        %swap3A_479 = arith.constant 0 : i32
        %swap3A_480 = arith.index_cast %swap3A_479 : i32 to index
        %swap3A_481 = arith.constant 112 : index
        %swap3A_482 = tpu.vector_load %arg8[%swap3A_480, %swap3A_481] {strides = array<i32>} : memref<2x128xi32, #tpu.memory_space<vmem>>, vector<16xi32>,
        tpu.vector_store %arg8[%swap3A_480, %swap3A_481], %shift_right_logical3A_478 {strides = array<i32>} : memref<2x128xi32, #tpu.memory_space<vmem>>, vector<16xi32>,
        %dma_start3A_483 = arith.constant 0 : i32
        %dma_start3A_484 = arith.constant 0 : i32
        %dma_start3A_485 = tpu.memref_slice %arg7[%dma_start3A_483, %dma_start3A_484] : memref<2x128xi32, #tpu.memory_space<vmem>> -> memref<1x128xi32, #tpu.memory_space<vmem>>
        %dma_start3A_486 = tpu.memref_squeeze %dma_start3A_485 : memref<1x128xi32, #tpu.memory_space<vmem>> -> memref<128xi32, #tpu.memory_space<vmem>>
        %dma_start3A_487 = arith.constant 0 : i32
        %dma_start3A_488 = arith.constant 0 : i32
        %dma_start3A_489 = tpu.memref_slice %arg2[%dma_start3A_487, %dma_start3A_488] : memref<10000x128xf32, #tpu.memory_space<hbm>> -> memref<10000x128xf32, #tpu.memory_space<hbm>>
        tpu.enqueue_indirect_dma source(%dma_start3A_489 : memref<10000x128xf32, #tpu.memory_space<hbm>>) target(%arg9 : memref<128x128xf32, #tpu.memory_space<vmem>>) offsets(%dma_start3A_486 : memref<128xi32, #tpu.memory_space<vmem>>) semaphore(%arg12 : memref<!tpu.dma_semaphore, #tpu.memory_space<semaphore_mem>>)
      } else {
      }
      %dma_wait3A_326 = arith.constant 1 : i32
      %dma_wait3A_327 = arith.constant 0 : i32
      %dma_wait3A_328 = tpu.memref_slice %arg7[%dma_wait3A_326, %dma_wait3A_327] : memref<2x128xi32, #tpu.memory_space<vmem>> -> memref<1x128xi32, #tpu.memory_space<vmem>>
      %dma_wait3A_329 = tpu.memref_squeeze %dma_wait3A_328 : memref<1x128xi32, #tpu.memory_space<vmem>> -> memref<128xi32, #tpu.memory_space<vmem>>
      %dma_wait3A_330 = arith.constant 0 : i32
      %dma_wait3A_331 = arith.constant 0 : i32
      %dma_wait3A_332 = tpu.memref_slice %arg2[%dma_wait3A_330, %dma_wait3A_331] : memref<10000x128xf32, #tpu.memory_space<hbm>> -> memref<10000x128xf32, #tpu.memory_space<hbm>>
      tpu.wait_indirect_dma semaphore(%arg13 : memref<!tpu.dma_semaphore, #tpu.memory_space<semaphore_mem>>) src(%dma_wait3A_332 : memref<10000x128xf32, #tpu.memory_space<hbm>>) dst(%arg10 : memref<128x128xf32, #tpu.memory_space<vmem>>)
      %run_scoped3A_333 = arith.constant 1 : i32
      "tpu.region"() ({
        %run_scoped3A_343 = tpu.sem_alloc : memref<!tpu.dma_semaphore, #tpu.memory_space<semaphore_mem>>
        %dma_start3A_344 = arith.constant 0 : i32
        %dma_start3A_345 = tpu.memref_slice %arg8[%run_scoped3A_333, %dma_start3A_344] : memref<2x128xi32, #tpu.memory_space<vmem>> -> memref<1x128xi32, #tpu.memory_space<vmem>>
        %dma_start3A_346 = tpu.memref_squeeze %dma_start3A_345 : memref<1x128xi32, #tpu.memory_space<vmem>> -> memref<128xi32, #tpu.memory_space<vmem>>
        %dma_start3A_347 = arith.constant 0 : i32
        %dma_start3A_348 = arith.constant 0 : i32
        %dma_start3A_349 = tpu.memref_slice %arg11[%dma_start3A_347, %dma_start3A_348] : memref<10240x128xf32, #tpu.memory_space<vmem_shared>> -> memref<10240x128xf32, #tpu.memory_space<vmem_shared>>
        tpu.enqueue_indirect_dma source(%arg10 : memref<128x128xf32, #tpu.memory_space<vmem>>) target(%dma_start3A_349 : memref<10240x128xf32, #tpu.memory_space<vmem_shared>>) offsets(%dma_start3A_346 : memref<128xi32, #tpu.memory_space<vmem>>) semaphore(%run_scoped3A_343 : memref<!tpu.dma_semaphore, #tpu.memory_space<semaphore_mem>>) {add = true}
        %dma_wait3A_350 = arith.constant 0 : i32
        %dma_wait3A_351 = tpu.memref_slice %arg8[%run_scoped3A_333, %dma_wait3A_350] : memref<2x128xi32, #tpu.memory_space<vmem>> -> memref<1x128xi32, #tpu.memory_space<vmem>>
        %dma_wait3A_352 = tpu.memref_squeeze %dma_wait3A_351 : memref<1x128xi32, #tpu.memory_space<vmem>> -> memref<128xi32, #tpu.memory_space<vmem>>
        %dma_wait3A_353 = arith.constant 0 : i32
        %dma_wait3A_354 = arith.constant 0 : i32
        %dma_wait3A_355 = tpu.memref_slice %arg11[%dma_wait3A_353, %dma_wait3A_354] : memref<10240x128xf32, #tpu.memory_space<vmem_shared>> -> memref<10240x128xf32, #tpu.memory_space<vmem_shared>>
        tpu.wait_indirect_dma semaphore(%run_scoped3A_343 : memref<!tpu.dma_semaphore, #tpu.memory_space<semaphore_mem>>) src(%arg10 : memref<128x128xf32, #tpu.memory_space<vmem>>) dst(%dma_wait3A_355 : memref<10240x128xf32, #tpu.memory_space<vmem_shared>>)
        tpu.yield
      }) : () -> ()
      %add3A_334 = arith.constant 1 : i32
      %add3A_335 = arith.addi %mul3A_313, %add3A_334 : i32
      %add3A_336 = arith.constant 2 : i32
      %add3A_337 = arith.addi %add3A_335, %add3A_336 : i32
      %lt3A_338 = arith.constant 80 : i32
      %lt3A_339 = arith.cmpi slt, %add3A_337, %lt3A_338 : i32
      %convert_element_type3A_340 = arith.extui %lt3A_339 : i1 to i32
      %cond3A_341 = arith.constant 0 : i32
      %cond3A_342 = arith.cmpi ne, %convert_element_type3A_340, %cond3A_341 : i32
      scf.if %cond3A_342 {
        %add3A_343 = arith.constant 1 : i32
        %add3A_344 = arith.addi %mul3A_313, %add3A_343 : i32
        %add3A_345 = arith.constant 2 : i32
        %add3A_346 = arith.addi %add3A_344, %add3A_345 : i32
        %get3A_347 = arith.index_cast %add3A_346 : i32 to index
        %get3A_348 = arith.constant 0 : index
        %get3A_349 = tpu.vector_load %arg6[%get3A_347, %get3A_348] {strides = array<i32>} : memref<80x128xi32, #tpu.memory_space<vmem>>, vector<16xi32>,
        %and3A_350 = arith.constant 65535 : i32
        %and3A_351 = vector.broadcast %and3A_350 : i32 to vector<16xi32>
        %and3A_352 = arith.andi %get3A_349, %and3A_351 : vector<16xi32>
        %swap3A_353 = arith.constant 1 : i32
        %swap3A_354 = arith.index_cast %swap3A_353 : i32 to index
        %swap3A_355 = arith.constant 0 : index
        %swap3A_356 = tpu.vector_load %arg7[%swap3A_354, %swap3A_355] {strides = array<i32>} : memref<2x128xi32, #tpu.memory_space<vmem>>, vector<16xi32>,
        tpu.vector_store %arg7[%swap3A_354, %swap3A_355], %and3A_352 {strides = array<i32>} : memref<2x128xi32, #tpu.memory_space<vmem>>, vector<16xi32>,
        %shift_right_logical3A_357 = arith.constant 16 : i32
        %shift_right_logical3A_358 = vector.broadcast %shift_right_logical3A_357 : i32 to vector<16xi32>
        %shift_right_logical3A_359 = arith.shrui %get3A_349, %shift_right_logical3A_358 : vector<16xi32>
        %swap3A_360 = arith.constant 1 : i32
        %swap3A_361 = arith.index_cast %swap3A_360 : i32 to index
        %swap3A_362 = arith.constant 0 : index
        %swap3A_363 = tpu.vector_load %arg8[%swap3A_361, %swap3A_362] {strides = array<i32>} : memref<2x128xi32, #tpu.memory_space<vmem>>, vector<16xi32>,
        tpu.vector_store %arg8[%swap3A_361, %swap3A_362], %shift_right_logical3A_359 {strides = array<i32>} : memref<2x128xi32, #tpu.memory_space<vmem>>, vector<16xi32>,
        %get3A_364 = arith.index_cast %add3A_346 : i32 to index
        %get3A_365 = arith.constant 16 : index
        %get3A_366 = tpu.vector_load %arg6[%get3A_364, %get3A_365] {strides = array<i32>} : memref<80x128xi32, #tpu.memory_space<vmem>>, vector<16xi32>,
        %and3A_367 = arith.constant 65535 : i32
        %and3A_368 = vector.broadcast %and3A_367 : i32 to vector<16xi32>
        %and3A_369 = arith.andi %get3A_366, %and3A_368 : vector<16xi32>
        %swap3A_370 = arith.constant 1 : i32
        %swap3A_371 = arith.index_cast %swap3A_370 : i32 to index
        %swap3A_372 = arith.constant 16 : index
        %swap3A_373 = tpu.vector_load %arg7[%swap3A_371, %swap3A_372] {strides = array<i32>} : memref<2x128xi32, #tpu.memory_space<vmem>>, vector<16xi32>,
        tpu.vector_store %arg7[%swap3A_371, %swap3A_372], %and3A_369 {strides = array<i32>} : memref<2x128xi32, #tpu.memory_space<vmem>>, vector<16xi32>,
        %shift_right_logical3A_374 = arith.constant 16 : i32
        %shift_right_logical3A_375 = vector.broadcast %shift_right_logical3A_374 : i32 to vector<16xi32>
        %shift_right_logical3A_376 = arith.shrui %get3A_366, %shift_right_logical3A_375 : vector<16xi32>
        %swap3A_377 = arith.constant 1 : i32
        %swap3A_378 = arith.index_cast %swap3A_377 : i32 to index
        %swap3A_379 = arith.constant 16 : index
        %swap3A_380 = tpu.vector_load %arg8[%swap3A_378, %swap3A_379] {strides = array<i32>} : memref<2x128xi32, #tpu.memory_space<vmem>>, vector<16xi32>,
        tpu.vector_store %arg8[%swap3A_378, %swap3A_379], %shift_right_logical3A_376 {strides = array<i32>} : memref<2x128xi32, #tpu.memory_space<vmem>>, vector<16xi32>,
        %get3A_381 = arith.index_cast %add3A_346 : i32 to index
        %get3A_382 = arith.constant 32 : index
        %get3A_383 = tpu.vector_load %arg6[%get3A_381, %get3A_382] {strides = array<i32>} : memref<80x128xi32, #tpu.memory_space<vmem>>, vector<16xi32>,
        %and3A_384 = arith.constant 65535 : i32
        %and3A_385 = vector.broadcast %and3A_384 : i32 to vector<16xi32>
        %and3A_386 = arith.andi %get3A_383, %and3A_385 : vector<16xi32>
        %swap3A_387 = arith.constant 1 : i32
        %swap3A_388 = arith.index_cast %swap3A_387 : i32 to index
        %swap3A_389 = arith.constant 32 : index
        %swap3A_390 = tpu.vector_load %arg7[%swap3A_388, %swap3A_389] {strides = array<i32>} : memref<2x128xi32, #tpu.memory_space<vmem>>, vector<16xi32>,
        tpu.vector_store %arg7[%swap3A_388, %swap3A_389], %and3A_386 {strides = array<i32>} : memref<2x128xi32, #tpu.memory_space<vmem>>, vector<16xi32>,
        %shift_right_logical3A_391 = arith.constant 16 : i32
        %shift_right_logical3A_392 = vector.broadcast %shift_right_logical3A_391 : i32 to vector<16xi32>
        %shift_right_logical3A_393 = arith.shrui %get3A_383, %shift_right_logical3A_392 : vector<16xi32>
        %swap3A_394 = arith.constant 1 : i32
        %swap3A_395 = arith.index_cast %swap3A_394 : i32 to index
        %swap3A_396 = arith.constant 32 : index
        %swap3A_397 = tpu.vector_load %arg8[%swap3A_395, %swap3A_396] {strides = array<i32>} : memref<2x128xi32, #tpu.memory_space<vmem>>, vector<16xi32>,
        tpu.vector_store %arg8[%swap3A_395, %swap3A_396], %shift_right_logical3A_393 {strides = array<i32>} : memref<2x128xi32, #tpu.memory_space<vmem>>, vector<16xi32>,
        %get3A_398 = arith.index_cast %add3A_346 : i32 to index
        %get3A_399 = arith.constant 48 : index
        %get3A_400 = tpu.vector_load %arg6[%get3A_398, %get3A_399] {strides = array<i32>} : memref<80x128xi32, #tpu.memory_space<vmem>>, vector<16xi32>,
        %and3A_401 = arith.constant 65535 : i32
        %and3A_402 = vector.broadcast %and3A_401 : i32 to vector<16xi32>
        %and3A_403 = arith.andi %get3A_400, %and3A_402 : vector<16xi32>
        %swap3A_404 = arith.constant 1 : i32
        %swap3A_405 = arith.index_cast %swap3A_404 : i32 to index
        %swap3A_406 = arith.constant 48 : index
        %swap3A_407 = tpu.vector_load %arg7[%swap3A_405, %swap3A_406] {strides = array<i32>} : memref<2x128xi32, #tpu.memory_space<vmem>>, vector<16xi32>,
        tpu.vector_store %arg7[%swap3A_405, %swap3A_406], %and3A_403 {strides = array<i32>} : memref<2x128xi32, #tpu.memory_space<vmem>>, vector<16xi32>,
        %shift_right_logical3A_408 = arith.constant 16 : i32
        %shift_right_logical3A_409 = vector.broadcast %shift_right_logical3A_408 : i32 to vector<16xi32>
        %shift_right_logical3A_410 = arith.shrui %get3A_400, %shift_right_logical3A_409 : vector<16xi32>
        %swap3A_411 = arith.constant 1 : i32
        %swap3A_412 = arith.index_cast %swap3A_411 : i32 to index
        %swap3A_413 = arith.constant 48 : index
        %swap3A_414 = tpu.vector_load %arg8[%swap3A_412, %swap3A_413] {strides = array<i32>} : memref<2x128xi32, #tpu.memory_space<vmem>>, vector<16xi32>,
        tpu.vector_store %arg8[%swap3A_412, %swap3A_413], %shift_right_logical3A_410 {strides = array<i32>} : memref<2x128xi32, #tpu.memory_space<vmem>>, vector<16xi32>,
        %get3A_415 = arith.index_cast %add3A_346 : i32 to index
        %get3A_416 = arith.constant 64 : index
        %get3A_417 = tpu.vector_load %arg6[%get3A_415, %get3A_416] {strides = array<i32>} : memref<80x128xi32, #tpu.memory_space<vmem>>, vector<16xi32>,
        %and3A_418 = arith.constant 65535 : i32
        %and3A_419 = vector.broadcast %and3A_418 : i32 to vector<16xi32>
        %and3A_420 = arith.andi %get3A_417, %and3A_419 : vector<16xi32>
        %swap3A_421 = arith.constant 1 : i32
        %swap3A_422 = arith.index_cast %swap3A_421 : i32 to index
        %swap3A_423 = arith.constant 64 : index
        %swap3A_424 = tpu.vector_load %arg7[%swap3A_422, %swap3A_423] {strides = array<i32>} : memref<2x128xi32, #tpu.memory_space<vmem>>, vector<16xi32>,
        tpu.vector_store %arg7[%swap3A_422, %swap3A_423], %and3A_420 {strides = array<i32>} : memref<2x128xi32, #tpu.memory_space<vmem>>, vector<16xi32>,
        %shift_right_logical3A_425 = arith.constant 16 : i32
        %shift_right_logical3A_426 = vector.broadcast %shift_right_logical3A_425 : i32 to vector<16xi32>
        %shift_right_logical3A_427 = arith.shrui %get3A_417, %shift_right_logical3A_426 : vector<16xi32>
        %swap3A_428 = arith.constant 1 : i32
        %swap3A_429 = arith.index_cast %swap3A_428 : i32 to index
        %swap3A_430 = arith.constant 64 : index
        %swap3A_431 = tpu.vector_load %arg8[%swap3A_429, %swap3A_430] {strides = array<i32>} : memref<2x128xi32, #tpu.memory_space<vmem>>, vector<16xi32>,
        tpu.vector_store %arg8[%swap3A_429, %swap3A_430], %shift_right_logical3A_427 {strides = array<i32>} : memref<2x128xi32, #tpu.memory_space<vmem>>, vector<16xi32>,
        %get3A_432 = arith.index_cast %add3A_346 : i32 to index
        %get3A_433 = arith.constant 80 : index
        %get3A_434 = tpu.vector_load %arg6[%get3A_432, %get3A_433] {strides = array<i32>} : memref<80x128xi32, #tpu.memory_space<vmem>>, vector<16xi32>,
        %and3A_435 = arith.constant 65535 : i32
        %and3A_436 = vector.broadcast %and3A_435 : i32 to vector<16xi32>
        %and3A_437 = arith.andi %get3A_434, %and3A_436 : vector<16xi32>
        %swap3A_438 = arith.constant 1 : i32
        %swap3A_439 = arith.index_cast %swap3A_438 : i32 to index
        %swap3A_440 = arith.constant 80 : index
        %swap3A_441 = tpu.vector_load %arg7[%swap3A_439, %swap3A_440] {strides = array<i32>} : memref<2x128xi32, #tpu.memory_space<vmem>>, vector<16xi32>,
        tpu.vector_store %arg7[%swap3A_439, %swap3A_440], %and3A_437 {strides = array<i32>} : memref<2x128xi32, #tpu.memory_space<vmem>>, vector<16xi32>,
        %shift_right_logical3A_442 = arith.constant 16 : i32
        %shift_right_logical3A_443 = vector.broadcast %shift_right_logical3A_442 : i32 to vector<16xi32>
        %shift_right_logical3A_444 = arith.shrui %get3A_434, %shift_right_logical3A_443 : vector<16xi32>
        %swap3A_445 = arith.constant 1 : i32
        %swap3A_446 = arith.index_cast %swap3A_445 : i32 to index
        %swap3A_447 = arith.constant 80 : index
        %swap3A_448 = tpu.vector_load %arg8[%swap3A_446, %swap3A_447] {strides = array<i32>} : memref<2x128xi32, #tpu.memory_space<vmem>>, vector<16xi32>,
        tpu.vector_store %arg8[%swap3A_446, %swap3A_447], %shift_right_logical3A_444 {strides = array<i32>} : memref<2x128xi32, #tpu.memory_space<vmem>>, vector<16xi32>,
        %get3A_449 = arith.index_cast %add3A_346 : i32 to index
        %get3A_450 = arith.constant 96 : index
        %get3A_451 = tpu.vector_load %arg6[%get3A_449, %get3A_450] {strides = array<i32>} : memref<80x128xi32, #tpu.memory_space<vmem>>, vector<16xi32>,
        %and3A_452 = arith.constant 65535 : i32
        %and3A_453 = vector.broadcast %and3A_452 : i32 to vector<16xi32>
        %and3A_454 = arith.andi %get3A_451, %and3A_453 : vector<16xi32>
        %swap3A_455 = arith.constant 1 : i32
        %swap3A_456 = arith.index_cast %swap3A_455 : i32 to index
        %swap3A_457 = arith.constant 96 : index
        %swap3A_458 = tpu.vector_load %arg7[%swap3A_456, %swap3A_457] {strides = array<i32>} : memref<2x128xi32, #tpu.memory_space<vmem>>, vector<16xi32>,
        tpu.vector_store %arg7[%swap3A_456, %swap3A_457], %and3A_454 {strides = array<i32>} : memref<2x128xi32, #tpu.memory_space<vmem>>, vector<16xi32>,
        %shift_right_logical3A_459 = arith.constant 16 : i32
        %shift_right_logical3A_460 = vector.broadcast %shift_right_logical3A_459 : i32 to vector<16xi32>
        %shift_right_logical3A_461 = arith.shrui %get3A_451, %shift_right_logical3A_460 : vector<16xi32>
        %swap3A_462 = arith.constant 1 : i32
        %swap3A_463 = arith.index_cast %swap3A_462 : i32 to index
        %swap3A_464 = arith.constant 96 : index
        %swap3A_465 = tpu.vector_load %arg8[%swap3A_463, %swap3A_464] {strides = array<i32>} : memref<2x128xi32, #tpu.memory_space<vmem>>, vector<16xi32>,
        tpu.vector_store %arg8[%swap3A_463, %swap3A_464], %shift_right_logical3A_461 {strides = array<i32>} : memref<2x128xi32, #tpu.memory_space<vmem>>, vector<16xi32>,
        %get3A_466 = arith.index_cast %add3A_346 : i32 to index
        %get3A_467 = arith.constant 112 : index
        %get3A_468 = tpu.vector_load %arg6[%get3A_466, %get3A_467] {strides = array<i32>} : memref<80x128xi32, #tpu.memory_space<vmem>>, vector<16xi32>,
        %and3A_469 = arith.constant 65535 : i32
        %and3A_470 = vector.broadcast %and3A_469 : i32 to vector<16xi32>
        %and3A_471 = arith.andi %get3A_468, %and3A_470 : vector<16xi32>
        %swap3A_472 = arith.constant 1 : i32
        %swap3A_473 = arith.index_cast %swap3A_472 : i32 to index
        %swap3A_474 = arith.constant 112 : index
        %swap3A_475 = tpu.vector_load %arg7[%swap3A_473, %swap3A_474] {strides = array<i32>} : memref<2x128xi32, #tpu.memory_space<vmem>>, vector<16xi32>,
        tpu.vector_store %arg7[%swap3A_473, %swap3A_474], %and3A_471 {strides = array<i32>} : memref<2x128xi32, #tpu.memory_space<vmem>>, vector<16xi32>,
        %shift_right_logical3A_476 = arith.constant 16 : i32
        %shift_right_logical3A_477 = vector.broadcast %shift_right_logical3A_476 : i32 to vector<16xi32>
        %shift_right_logical3A_478 = arith.shrui %get3A_468, %shift_right_logical3A_477 : vector<16xi32>
        %swap3A_479 = arith.constant 1 : i32
        %swap3A_480 = arith.index_cast %swap3A_479 : i32 to index
        %swap3A_481 = arith.constant 112 : index
        %swap3A_482 = tpu.vector_load %arg8[%swap3A_480, %swap3A_481] {strides = array<i32>} : memref<2x128xi32, #tpu.memory_space<vmem>>, vector<16xi32>,
        tpu.vector_store %arg8[%swap3A_480, %swap3A_481], %shift_right_logical3A_478 {strides = array<i32>} : memref<2x128xi32, #tpu.memory_space<vmem>>, vector<16xi32>,
        %dma_start3A_483 = arith.constant 1 : i32
        %dma_start3A_484 = arith.constant 0 : i32
        %dma_start3A_485 = tpu.memref_slice %arg7[%dma_start3A_483, %dma_start3A_484] : memref<2x128xi32, #tpu.memory_space<vmem>> -> memref<1x128xi32, #tpu.memory_space<vmem>>
        %dma_start3A_486 = tpu.memref_squeeze %dma_start3A_485 : memref<1x128xi32, #tpu.memory_space<vmem>> -> memref<128xi32, #tpu.memory_space<vmem>>
        %dma_start3A_487 = arith.constant 0 : i32
        %dma_start3A_488 = arith.constant 0 : i32
        %dma_start3A_489 = tpu.memref_slice %arg2[%dma_start3A_487, %dma_start3A_488] : memref<10000x128xf32, #tpu.memory_space<hbm>> -> memref<10000x128xf32, #tpu.memory_space<hbm>>
        tpu.enqueue_indirect_dma source(%dma_start3A_489 : memref<10000x128xf32, #tpu.memory_space<hbm>>) target(%arg10 : memref<128x128xf32, #tpu.memory_space<vmem>>) offsets(%dma_start3A_486 : memref<128xi32, #tpu.memory_space<vmem>>) semaphore(%arg13 : memref<!tpu.dma_semaphore, #tpu.memory_space<semaphore_mem>>)
      } else {
      }
    }
    %scan3A_307 = arith.constant 40 : i32
    %barrier3A_308 = arith.constant 0 : index
    tpu.barrier barrier_id(%barrier3A_308)
    %mul3A_309 = arith.constant 640 : i32
    %mul3A_310 = arith.muli %arg1, %mul3A_309 : i32
    "tpu.region"() ({
      %run_scoped3A = tpu.sem_alloc : memref<!tpu.dma_semaphore, #tpu.memory_space<semaphore_mem>>
      %dma_start3A_311 = arith.constant 0 : i32
      %dma_start3A_312 = arith.constant 0 : i32
      %dma_start3A_313 = tpu.memref_slice %arg5[%arg0, %dma_start3A_311, %dma_start3A_312] : memref<2x10240x128xf32, #tpu.memory_space<hbm>> -> memref<1x10240x128xf32, #tpu.memory_space<hbm>>
      %dma_start3A_314 = tpu.memref_squeeze %dma_start3A_313 : memref<1x10240x128xf32, #tpu.memory_space<hbm>> -> memref<10240x128xf32, #tpu.memory_space<hbm>>
      %dma_start3A_315 = arith.constant 0 : i32
      %dma_start3A_316 = tpu.memref_slice %dma_start3A_314[%mul3A_310, %dma_start3A_315] : memref<10240x128xf32, #tpu.memory_space<hbm>> -> memref<640x128xf32, #tpu.memory_space<hbm>>
      %dma_start3A_317 = arith.constant 0 : i32
      %dma_start3A_318 = tpu.memref_slice %arg11[%mul3A_310, %dma_start3A_317] : memref<10240x128xf32, #tpu.memory_space<vmem_shared>> -> memref<640x128xf32, #tpu.memory_space<vmem_shared>>
      tpu.enqueue_dma source(%dma_start3A_318 : memref<640x128xf32, #tpu.memory_space<vmem_shared>>) target(%dma_start3A_316 : memref<640x128xf32, #tpu.memory_space<hbm>>) target_semaphore(%run_scoped3A : memref<!tpu.dma_semaphore, #tpu.memory_space<semaphore_mem>>)
      %dma_wait3A = arith.constant 0 : i32
      %dma_wait3A_319 = arith.constant 0 : i32
      %dma_wait3A_320 = tpu.memref_slice %arg5[%arg0, %dma_wait3A, %dma_wait3A_319] : memref<2x10240x128xf32, #tpu.memory_space<hbm>> -> memref<1x10240x128xf32, #tpu.memory_space<hbm>>
      %dma_wait3A_321 = tpu.memref_squeeze %dma_wait3A_320 : memref<1x10240x128xf32, #tpu.memory_space<hbm>> -> memref<10240x128xf32, #tpu.memory_space<hbm>>
      %dma_wait3A_322 = arith.constant 0 : i32
      %dma_wait3A_323 = tpu.memref_slice %dma_wait3A_321[%mul3A_310, %dma_wait3A_322] : memref<10240x128xf32, #tpu.memory_space<hbm>> -> memref<640x128xf32, #tpu.memory_space<hbm>>
      %dma_wait3A_324 = arith.constant 0 : i32
      %dma_wait3A_325 = tpu.memref_slice %arg11[%mul3A_310, %dma_wait3A_324] : memref<10240x128xf32, #tpu.memory_space<vmem_shared>> -> memref<640x128xf32, #tpu.memory_space<vmem_shared>>
      tpu.wait_dma2 semaphore(%run_scoped3A : memref<!tpu.dma_semaphore, #tpu.memory_space<semaphore_mem>>) src(%dma_wait3A_325 : memref<640x128xf32, #tpu.memory_space<vmem_shared>>) dst(%dma_wait3A_323 : memref<640x128xf32, #tpu.memory_space<hbm>>)
      tpu.yield
    }) : () -> ()
    return
  }
}

#map = affine_map<(d0, d1) -> (0, 0)>
module attributes {stable_mosaic.version = 14 : i64} {
  func.func @_deg_kernel(%arg0: i32, %arg1: i32, %arg2: memref<2560x128xi32, #tpu.memory_space<hbm>>, %arg3: memref<2x10240xf32, #tpu.memory_space<hbm>>, %arg4: memref<80x128xi32, #tpu.memory_space<vmem>>, %arg5: memref<10240xf32, #tpu.memory_space<vmem>>, %arg6: memref<16x640xf32, #tpu.memory_space<vmem>>, %arg7: memref<640xf32, #tpu.memory_space<vmem>>, %arg8: memref<16x10240xf32, #tpu.memory_space<vmem_shared>>) attributes {dimension_semantics = [#tpu.dimension_semantics<core_parallel>, #tpu.dimension_semantics<subcore_parallel>], iteration_bounds = array<i64: 2, 16>, scalar_prefetch = 0 : i64, scratch_operands = 5 : i64, tpu.core_type = #tpu.core_type<sc_vector_subcore>, window_params = [{transform_indices = #map}, {transform_indices = #map}]} {
    %mul3A = arith.constant 16 : i32
    %mul3A_0 = arith.muli %arg0, %mul3A : i32
    %add3A = arith.addi %mul3A_0, %arg1 : i32
    %mul3A_1 = arith.constant 80 : i32
    %mul3A_2 = arith.muli %add3A, %mul3A_1 : i32
    "tpu.region"() ({
      %run_scoped3A = tpu.sem_alloc : memref<!tpu.dma_semaphore, #tpu.memory_space<semaphore_mem>>
      %dma_start3A = arith.constant 0 : i32
      %dma_start3A_22 = tpu.memref_slice %arg2[%mul3A_2, %dma_start3A] : memref<2560x128xi32, #tpu.memory_space<hbm>> -> memref<80x128xi32, #tpu.memory_space<hbm>>
      %dma_start3A_23 = arith.constant 0 : i32
      %dma_start3A_24 = tpu.memref_slice %arg2[%mul3A_2, %dma_start3A_23] : memref<2560x128xi32, #tpu.memory_space<hbm>> -> memref<80x128xi32, #tpu.memory_space<hbm>>
      tpu.enqueue_dma source(%dma_start3A_24 : memref<80x128xi32, #tpu.memory_space<hbm>>) target(%arg4 : memref<80x128xi32, #tpu.memory_space<vmem>>) target_semaphore(%run_scoped3A : memref<!tpu.dma_semaphore, #tpu.memory_space<semaphore_mem>>)
      %dma_wait3A = arith.constant 0 : i32
      %dma_wait3A_25 = tpu.memref_slice %arg2[%mul3A_2, %dma_wait3A] : memref<2560x128xi32, #tpu.memory_space<hbm>> -> memref<80x128xi32, #tpu.memory_space<hbm>>
      %dma_wait3A_26 = arith.constant 0 : i32
      %dma_wait3A_27 = tpu.memref_slice %arg2[%mul3A_2, %dma_wait3A_26] : memref<2560x128xi32, #tpu.memory_space<hbm>> -> memref<80x128xi32, #tpu.memory_space<hbm>>
      tpu.wait_dma2 semaphore(%run_scoped3A : memref<!tpu.dma_semaphore, #tpu.memory_space<semaphore_mem>>) src(%dma_wait3A_27 : memref<80x128xi32, #tpu.memory_space<hbm>>) dst(%arg4 : memref<80x128xi32, #tpu.memory_space<vmem>>)
      tpu.yield
    }) : () -> ()
    %scan3A = arith.constant 0 : i32
    %scan3A_3 = arith.constant 640 : i32
    %scan3A_4 = arith.addi %scan3A, %scan3A_3 : i32
    %scan3A_5 = arith.constant 1 : i32
    scf.for %scan3A_22 = %scan3A to %scan3A_4 step %scan3A_5  : i32 {
      %broadcast_in_dim3A_23 = arith.constant 0.000000e+00 : f32
      %broadcast_in_dim3A_24 = vector.broadcast %broadcast_in_dim3A_23 : f32 to vector<16xf32>
      %mul3A_25 = arith.constant 16 : i32
      %mul3A_26 = arith.muli %scan3A_22, %mul3A_25 : i32
      %swap3A = arith.index_cast %mul3A_26 : i32 to index
      %swap3A_27 = tpu.vector_load %arg5[%swap3A] {strides = array<i32>} : memref<10240xf32, #tpu.memory_space<vmem>>, vector<16xf32>,
      tpu.vector_store %arg5[%swap3A], %broadcast_in_dim3A_24 {strides = array<i32>} : memref<10240xf32, #tpu.memory_space<vmem>>, vector<16xf32>,
    }
    %scan3A_6 = arith.constant 640 : i32
    %broadcast_in_dim3A = arith.constant 1.000000e+00 : f32
    %broadcast_in_dim3A_7 = vector.broadcast %broadcast_in_dim3A : f32 to vector<16xf32>
    %scan3A_8 = arith.constant 0 : i32
    %scan3A_9 = arith.constant 640 : i32
    %scan3A_10 = arith.addi %scan3A_8, %scan3A_9 : i32
    %scan3A_11 = arith.constant 1 : i32
    scf.for %scan3A_22 = %scan3A_8 to %scan3A_10 step %scan3A_11  : i32 {
      %jit3A = arith.constant 8 : i32
      %div3A = arith.divsi %scan3A_22, %jit3A : i32
      %sign3A = arith.constant 0 : i32
      %sign3A_23 = arith.cmpi sgt, %scan3A_22, %sign3A : i32
      %sign3A_24 = arith.extui %sign3A_23 : i1 to i32
      %sign3A_25 = arith.constant 0 : i32
      %sign3A_26 = arith.cmpi slt, %scan3A_22, %sign3A_25 : i32
      %sign3A_27 = arith.extui %sign3A_26 : i1 to i32
      %sign3A_28 = arith.subi %sign3A_24, %sign3A_27 : i32
      %sign3A_29 = arith.constant 0 : i32
      %sign3A_30 = arith.cmpi sgt, %jit3A, %sign3A_29 : i32
      %sign3A_31 = arith.extui %sign3A_30 : i1 to i32
      %sign3A_32 = arith.constant 0 : i32
      %sign3A_33 = arith.cmpi slt, %jit3A, %sign3A_32 : i32
      %sign3A_34 = arith.extui %sign3A_33 : i1 to i32
      %sign3A_35 = arith.subi %sign3A_31, %sign3A_34 : i32
      %ne3A = arith.cmpi ne, %sign3A_28, %sign3A_35 : i32
      %rem3A = arith.remsi %scan3A_22, %jit3A : i32
      %ne3A_36 = arith.constant 0 : i32
      %ne3A_37 = arith.cmpi ne, %rem3A, %ne3A_36 : i32
      %and3A = arith.andi %ne3A, %ne3A_37 : i1
      %sub3A = arith.constant 1 : i32
      %sub3A_38 = arith.subi %div3A, %sub3A : i32
      %select_n3A = arith.select %and3A, %sub3A_38, %div3A : i32
      %jit3A_39 = arith.constant 8 : i32
      %eq3A = arith.constant 0 : i32
      %eq3A_40 = arith.cmpi eq, %jit3A_39, %eq3A : i32
      %jit3A_41 = arith.constant 1 : i32
      %select_n3A_42 = arith.select %eq3A_40, %jit3A_41, %jit3A_39 : i32
      %rem3A_43 = arith.remsi %scan3A_22, %select_n3A_42 : i32
      %ne3A_44 = arith.constant 0 : i32
      %ne3A_45 = arith.cmpi ne, %rem3A_43, %ne3A_44 : i32
      %lt3A = arith.constant 0 : i32
      %lt3A_46 = arith.cmpi slt, %rem3A_43, %lt3A : i32
      %lt3A_47 = arith.constant 0 : i32
      %lt3A_48 = arith.cmpi slt, %select_n3A_42, %lt3A_47 : i32
      %ne3A_49 = arith.xori %lt3A_46, %lt3A_48 : i1
      %and3A_50 = arith.andi %ne3A_49, %ne3A_45 : i1
      %add3A_51 = arith.addi %rem3A_43, %select_n3A_42 : i32
      %select_n3A_52 = arith.select %and3A_50, %add3A_51, %rem3A_43 : i32
      %mul3A_53 = arith.constant 16 : i32
      %mul3A_54 = arith.muli %select_n3A_52, %mul3A_53 : i32
      %get3A = arith.index_cast %select_n3A : i32 to index
      %get3A_55 = arith.index_cast %mul3A_54 : i32 to index
      %get3A_56 = tpu.vector_load %arg4[%get3A, %get3A_55] {strides = array<i32>} : memref<80x128xi32, #tpu.memory_space<vmem>>, vector<16xi32>,
      tpu.vector_store_idx %arg5[%get3A_56], %broadcast_in_dim3A_7 {add = true} : memref<10240xf32, #tpu.memory_space<vmem>>[vector<16xi32>], vector<16xf32>,
    }
    %scan3A_12 = arith.constant 640 : i32
    "tpu.region"() ({
      %run_scoped3A = tpu.sem_alloc : memref<!tpu.dma_semaphore, #tpu.memory_space<semaphore_mem>>
      %dma_start3A = arith.constant 0 : i32
      %dma_start3A_22 = tpu.memref_slice %arg8[%arg1, %dma_start3A] : memref<16x10240xf32, #tpu.memory_space<vmem_shared>> -> memref<1x10240xf32, #tpu.memory_space<vmem_shared>>
      %dma_start3A_23 = tpu.memref_squeeze %dma_start3A_22 : memref<1x10240xf32, #tpu.memory_space<vmem_shared>> -> memref<10240xf32, #tpu.memory_space<vmem_shared>>
      %dma_start3A_24 = arith.constant 0 : i32
      %dma_start3A_25 = tpu.memref_slice %arg8[%arg1, %dma_start3A_24] : memref<16x10240xf32, #tpu.memory_space<vmem_shared>> -> memref<1x10240xf32, #tpu.memory_space<vmem_shared>>
      %dma_start3A_26 = tpu.memref_squeeze %dma_start3A_25 : memref<1x10240xf32, #tpu.memory_space<vmem_shared>> -> memref<10240xf32, #tpu.memory_space<vmem_shared>>
      tpu.enqueue_dma source(%arg5 : memref<10240xf32, #tpu.memory_space<vmem>>) target(%dma_start3A_26 : memref<10240xf32, #tpu.memory_space<vmem_shared>>) target_semaphore(%run_scoped3A : memref<!tpu.dma_semaphore, #tpu.memory_space<semaphore_mem>>)
      %dma_wait3A = arith.constant 0 : i32
      %dma_wait3A_27 = tpu.memref_slice %arg8[%arg1, %dma_wait3A] : memref<16x10240xf32, #tpu.memory_space<vmem_shared>> -> memref<1x10240xf32, #tpu.memory_space<vmem_shared>>
      %dma_wait3A_28 = tpu.memref_squeeze %dma_wait3A_27 : memref<1x10240xf32, #tpu.memory_space<vmem_shared>> -> memref<10240xf32, #tpu.memory_space<vmem_shared>>
      %dma_wait3A_29 = arith.constant 0 : i32
      %dma_wait3A_30 = tpu.memref_slice %arg8[%arg1, %dma_wait3A_29] : memref<16x10240xf32, #tpu.memory_space<vmem_shared>> -> memref<1x10240xf32, #tpu.memory_space<vmem_shared>>
      %dma_wait3A_31 = tpu.memref_squeeze %dma_wait3A_30 : memref<1x10240xf32, #tpu.memory_space<vmem_shared>> -> memref<10240xf32, #tpu.memory_space<vmem_shared>>
      tpu.wait_dma2 semaphore(%run_scoped3A : memref<!tpu.dma_semaphore, #tpu.memory_space<semaphore_mem>>) src(%arg5 : memref<10240xf32, #tpu.memory_space<vmem>>) dst(%dma_wait3A_31 : memref<10240xf32, #tpu.memory_space<vmem_shared>>)
      tpu.yield
    }) : () -> ()
    %barrier3A = arith.constant 0 : index
    tpu.barrier barrier_id(%barrier3A)
    %mul3A_13 = arith.constant 640 : i32
    %mul3A_14 = arith.muli %arg1, %mul3A_13 : i32
    "tpu.region"() ({
      %run_scoped3A = tpu.sem_alloc : memref<!tpu.dma_semaphore, #tpu.memory_space<semaphore_mem>>
      %dma_start3A = arith.constant 0 : i32
      %dma_start3A_22 = tpu.memref_slice %arg8[%dma_start3A, %mul3A_14] : memref<16x10240xf32, #tpu.memory_space<vmem_shared>> -> memref<16x640xf32, #tpu.memory_space<vmem_shared>>
      %dma_start3A_23 = arith.constant 0 : i32
      %dma_start3A_24 = tpu.memref_slice %arg8[%dma_start3A_23, %mul3A_14] : memref<16x10240xf32, #tpu.memory_space<vmem_shared>> -> memref<16x640xf32, #tpu.memory_space<vmem_shared>>
      tpu.enqueue_dma source(%dma_start3A_24 : memref<16x640xf32, #tpu.memory_space<vmem_shared>>) target(%arg6 : memref<16x640xf32, #tpu.memory_space<vmem>>) target_semaphore(%run_scoped3A : memref<!tpu.dma_semaphore, #tpu.memory_space<semaphore_mem>>)
      %dma_wait3A = arith.constant 0 : i32
      %dma_wait3A_25 = tpu.memref_slice %arg8[%dma_wait3A, %mul3A_14] : memref<16x10240xf32, #tpu.memory_space<vmem_shared>> -> memref<16x640xf32, #tpu.memory_space<vmem_shared>>
      %dma_wait3A_26 = arith.constant 0 : i32
      %dma_wait3A_27 = tpu.memref_slice %arg8[%dma_wait3A_26, %mul3A_14] : memref<16x10240xf32, #tpu.memory_space<vmem_shared>> -> memref<16x640xf32, #tpu.memory_space<vmem_shared>>
      tpu.wait_dma2 semaphore(%run_scoped3A : memref<!tpu.dma_semaphore, #tpu.memory_space<semaphore_mem>>) src(%dma_wait3A_27 : memref<16x640xf32, #tpu.memory_space<vmem_shared>>) dst(%arg6 : memref<16x640xf32, #tpu.memory_space<vmem>>)
      tpu.yield
    }) : () -> ()
    %scan3A_15 = arith.constant 0 : i32
    %scan3A_16 = arith.constant 40 : i32
    %scan3A_17 = arith.addi %scan3A_15, %scan3A_16 : i32
    %scan3A_18 = arith.constant 1 : i32
    scf.for %scan3A_22 = %scan3A_15 to %scan3A_17 step %scan3A_18  : i32 {
      %broadcast_in_dim3A_23 = arith.constant 0.000000e+00 : f32
      %broadcast_in_dim3A_24 = vector.broadcast %broadcast_in_dim3A_23 : f32 to vector<16xf32>
      %mul3A_25 = arith.constant 16 : i32
      %mul3A_26 = arith.muli %scan3A_22, %mul3A_25 : i32
      %get3A = arith.constant 0 : i32
      %get3A_27 = arith.index_cast %get3A : i32 to index
      %get3A_28 = arith.index_cast %mul3A_26 : i32 to index
      %get3A_29 = tpu.vector_load %arg6[%get3A_27, %get3A_28] {strides = array<i32>} : memref<16x640xf32, #tpu.memory_space<vmem>>, vector<16xf32>,
      %add3A_30 = arith.addf %broadcast_in_dim3A_24, %get3A_29 : vector<16xf32>
      %mul3A_31 = arith.constant 16 : i32
      %mul3A_32 = arith.muli %scan3A_22, %mul3A_31 : i32
      %get3A_33 = arith.constant 1 : i32
      %get3A_34 = arith.index_cast %get3A_33 : i32 to index
      %get3A_35 = arith.index_cast %mul3A_32 : i32 to index
      %get3A_36 = tpu.vector_load %arg6[%get3A_34, %get3A_35] {strides = array<i32>} : memref<16x640xf32, #tpu.memory_space<vmem>>, vector<16xf32>,
      %add3A_37 = arith.addf %add3A_30, %get3A_36 : vector<16xf32>
      %mul3A_38 = arith.constant 16 : i32
      %mul3A_39 = arith.muli %scan3A_22, %mul3A_38 : i32
      %get3A_40 = arith.constant 2 : i32
      %get3A_41 = arith.index_cast %get3A_40 : i32 to index
      %get3A_42 = arith.index_cast %mul3A_39 : i32 to index
      %get3A_43 = tpu.vector_load %arg6[%get3A_41, %get3A_42] {strides = array<i32>} : memref<16x640xf32, #tpu.memory_space<vmem>>, vector<16xf32>,
      %add3A_44 = arith.addf %add3A_37, %get3A_43 : vector<16xf32>
      %mul3A_45 = arith.constant 16 : i32
      %mul3A_46 = arith.muli %scan3A_22, %mul3A_45 : i32
      %get3A_47 = arith.constant 3 : i32
      %get3A_48 = arith.index_cast %get3A_47 : i32 to index
      %get3A_49 = arith.index_cast %mul3A_46 : i32 to index
      %get3A_50 = tpu.vector_load %arg6[%get3A_48, %get3A_49] {strides = array<i32>} : memref<16x640xf32, #tpu.memory_space<vmem>>, vector<16xf32>,
      %add3A_51 = arith.addf %add3A_44, %get3A_50 : vector<16xf32>
      %mul3A_52 = arith.constant 16 : i32
      %mul3A_53 = arith.muli %scan3A_22, %mul3A_52 : i32
      %get3A_54 = arith.constant 4 : i32
      %get3A_55 = arith.index_cast %get3A_54 : i32 to index
      %get3A_56 = arith.index_cast %mul3A_53 : i32 to index
      %get3A_57 = tpu.vector_load %arg6[%get3A_55, %get3A_56] {strides = array<i32>} : memref<16x640xf32, #tpu.memory_space<vmem>>, vector<16xf32>,
      %add3A_58 = arith.addf %add3A_51, %get3A_57 : vector<16xf32>
      %mul3A_59 = arith.constant 16 : i32
      %mul3A_60 = arith.muli %scan3A_22, %mul3A_59 : i32
      %get3A_61 = arith.constant 5 : i32
      %get3A_62 = arith.index_cast %get3A_61 : i32 to index
      %get3A_63 = arith.index_cast %mul3A_60 : i32 to index
      %get3A_64 = tpu.vector_load %arg6[%get3A_62, %get3A_63] {strides = array<i32>} : memref<16x640xf32, #tpu.memory_space<vmem>>, vector<16xf32>,
      %add3A_65 = arith.addf %add3A_58, %get3A_64 : vector<16xf32>
      %mul3A_66 = arith.constant 16 : i32
      %mul3A_67 = arith.muli %scan3A_22, %mul3A_66 : i32
      %get3A_68 = arith.constant 6 : i32
      %get3A_69 = arith.index_cast %get3A_68 : i32 to index
      %get3A_70 = arith.index_cast %mul3A_67 : i32 to index
      %get3A_71 = tpu.vector_load %arg6[%get3A_69, %get3A_70] {strides = array<i32>} : memref<16x640xf32, #tpu.memory_space<vmem>>, vector<16xf32>,
      %add3A_72 = arith.addf %add3A_65, %get3A_71 : vector<16xf32>
      %mul3A_73 = arith.constant 16 : i32
      %mul3A_74 = arith.muli %scan3A_22, %mul3A_73 : i32
      %get3A_75 = arith.constant 7 : i32
      %get3A_76 = arith.index_cast %get3A_75 : i32 to index
      %get3A_77 = arith.index_cast %mul3A_74 : i32 to index
      %get3A_78 = tpu.vector_load %arg6[%get3A_76, %get3A_77] {strides = array<i32>} : memref<16x640xf32, #tpu.memory_space<vmem>>, vector<16xf32>,
      %add3A_79 = arith.addf %add3A_72, %get3A_78 : vector<16xf32>
      %mul3A_80 = arith.constant 16 : i32
      %mul3A_81 = arith.muli %scan3A_22, %mul3A_80 : i32
      %get3A_82 = arith.constant 8 : i32
      %get3A_83 = arith.index_cast %get3A_82 : i32 to index
      %get3A_84 = arith.index_cast %mul3A_81 : i32 to index
      %get3A_85 = tpu.vector_load %arg6[%get3A_83, %get3A_84] {strides = array<i32>} : memref<16x640xf32, #tpu.memory_space<vmem>>, vector<16xf32>,
      %add3A_86 = arith.addf %add3A_79, %get3A_85 : vector<16xf32>
      %mul3A_87 = arith.constant 16 : i32
      %mul3A_88 = arith.muli %scan3A_22, %mul3A_87 : i32
      %get3A_89 = arith.constant 9 : i32
      %get3A_90 = arith.index_cast %get3A_89 : i32 to index
      %get3A_91 = arith.index_cast %mul3A_88 : i32 to index
      %get3A_92 = tpu.vector_load %arg6[%get3A_90, %get3A_91] {strides = array<i32>} : memref<16x640xf32, #tpu.memory_space<vmem>>, vector<16xf32>,
      %add3A_93 = arith.addf %add3A_86, %get3A_92 : vector<16xf32>
      %mul3A_94 = arith.constant 16 : i32
      %mul3A_95 = arith.muli %scan3A_22, %mul3A_94 : i32
      %get3A_96 = arith.constant 10 : i32
      %get3A_97 = arith.index_cast %get3A_96 : i32 to index
      %get3A_98 = arith.index_cast %mul3A_95 : i32 to index
      %get3A_99 = tpu.vector_load %arg6[%get3A_97, %get3A_98] {strides = array<i32>} : memref<16x640xf32, #tpu.memory_space<vmem>>, vector<16xf32>,
      %add3A_100 = arith.addf %add3A_93, %get3A_99 : vector<16xf32>
      %mul3A_101 = arith.constant 16 : i32
      %mul3A_102 = arith.muli %scan3A_22, %mul3A_101 : i32
      %get3A_103 = arith.constant 11 : i32
      %get3A_104 = arith.index_cast %get3A_103 : i32 to index
      %get3A_105 = arith.index_cast %mul3A_102 : i32 to index
      %get3A_106 = tpu.vector_load %arg6[%get3A_104, %get3A_105] {strides = array<i32>} : memref<16x640xf32, #tpu.memory_space<vmem>>, vector<16xf32>,
      %add3A_107 = arith.addf %add3A_100, %get3A_106 : vector<16xf32>
      %mul3A_108 = arith.constant 16 : i32
      %mul3A_109 = arith.muli %scan3A_22, %mul3A_108 : i32
      %get3A_110 = arith.constant 12 : i32
      %get3A_111 = arith.index_cast %get3A_110 : i32 to index
      %get3A_112 = arith.index_cast %mul3A_109 : i32 to index
      %get3A_113 = tpu.vector_load %arg6[%get3A_111, %get3A_112] {strides = array<i32>} : memref<16x640xf32, #tpu.memory_space<vmem>>, vector<16xf32>,
      %add3A_114 = arith.addf %add3A_107, %get3A_113 : vector<16xf32>
      %mul3A_115 = arith.constant 16 : i32
      %mul3A_116 = arith.muli %scan3A_22, %mul3A_115 : i32
      %get3A_117 = arith.constant 13 : i32
      %get3A_118 = arith.index_cast %get3A_117 : i32 to index
      %get3A_119 = arith.index_cast %mul3A_116 : i32 to index
      %get3A_120 = tpu.vector_load %arg6[%get3A_118, %get3A_119] {strides = array<i32>} : memref<16x640xf32, #tpu.memory_space<vmem>>, vector<16xf32>,
      %add3A_121 = arith.addf %add3A_114, %get3A_120 : vector<16xf32>
      %mul3A_122 = arith.constant 16 : i32
      %mul3A_123 = arith.muli %scan3A_22, %mul3A_122 : i32
      %get3A_124 = arith.constant 14 : i32
      %get3A_125 = arith.index_cast %get3A_124 : i32 to index
      %get3A_126 = arith.index_cast %mul3A_123 : i32 to index
      %get3A_127 = tpu.vector_load %arg6[%get3A_125, %get3A_126] {strides = array<i32>} : memref<16x640xf32, #tpu.memory_space<vmem>>, vector<16xf32>,
      %add3A_128 = arith.addf %add3A_121, %get3A_127 : vector<16xf32>
      %mul3A_129 = arith.constant 16 : i32
      %mul3A_130 = arith.muli %scan3A_22, %mul3A_129 : i32
      %get3A_131 = arith.constant 15 : i32
      %get3A_132 = arith.index_cast %get3A_131 : i32 to index
      %get3A_133 = arith.index_cast %mul3A_130 : i32 to index
      %get3A_134 = tpu.vector_load %arg6[%get3A_132, %get3A_133] {strides = array<i32>} : memref<16x640xf32, #tpu.memory_space<vmem>>, vector<16xf32>,
      %add3A_135 = arith.addf %add3A_128, %get3A_134 : vector<16xf32>
      %mul3A_136 = arith.constant 16 : i32
      %mul3A_137 = arith.muli %scan3A_22, %mul3A_136 : i32
      %swap3A = arith.index_cast %mul3A_137 : i32 to index
      %swap3A_138 = tpu.vector_load %arg7[%swap3A] {strides = array<i32>} : memref<640xf32, #tpu.memory_space<vmem>>, vector<16xf32>,
      tpu.vector_store %arg7[%swap3A], %add3A_135 {strides = array<i32>} : memref<640xf32, #tpu.memory_space<vmem>>, vector<16xf32>,
    }
    %scan3A_19 = arith.constant 40 : i32
    %mul3A_20 = arith.constant 640 : i32
    %mul3A_21 = arith.muli %arg1, %mul3A_20 : i32
    "tpu.region"() ({
      %run_scoped3A = tpu.sem_alloc : memref<!tpu.dma_semaphore, #tpu.memory_space<semaphore_mem>>
      %dma_start3A = arith.constant 0 : i32
      %dma_start3A_22 = tpu.memref_slice %arg3[%arg0, %dma_start3A] : memref<2x10240xf32, #tpu.memory_space<hbm>> -> memref<1x10240xf32, #tpu.memory_space<hbm>>
      %dma_start3A_23 = tpu.memref_squeeze %dma_start3A_22 : memref<1x10240xf32, #tpu.memory_space<hbm>> -> memref<10240xf32, #tpu.memory_space<hbm>>
      %dma_start3A_24 = tpu.memref_slice %dma_start3A_23[%mul3A_21] : memref<10240xf32, #tpu.memory_space<hbm>> -> memref<640xf32, #tpu.memory_space<hbm>>
      %dma_start3A_25 = arith.constant 0 : i32
      %dma_start3A_26 = tpu.memref_slice %arg3[%arg0, %dma_start3A_25] : memref<2x10240xf32, #tpu.memory_space<hbm>> -> memref<1x10240xf32, #tpu.memory_space<hbm>>
      %dma_start3A_27 = tpu.memref_squeeze %dma_start3A_26 : memref<1x10240xf32, #tpu.memory_space<hbm>> -> memref<10240xf32, #tpu.memory_space<hbm>>
      %dma_start3A_28 = tpu.memref_slice %dma_start3A_27[%mul3A_21] : memref<10240xf32, #tpu.memory_space<hbm>> -> memref<640xf32, #tpu.memory_space<hbm>>
      tpu.enqueue_dma source(%arg7 : memref<640xf32, #tpu.memory_space<vmem>>) target(%dma_start3A_28 : memref<640xf32, #tpu.memory_space<hbm>>) target_semaphore(%run_scoped3A : memref<!tpu.dma_semaphore, #tpu.memory_space<semaphore_mem>>)
      %dma_wait3A = arith.constant 0 : i32
      %dma_wait3A_29 = tpu.memref_slice %arg3[%arg0, %dma_wait3A] : memref<2x10240xf32, #tpu.memory_space<hbm>> -> memref<1x10240xf32, #tpu.memory_space<hbm>>
      %dma_wait3A_30 = tpu.memref_squeeze %dma_wait3A_29 : memref<1x10240xf32, #tpu.memory_space<hbm>> -> memref<10240xf32, #tpu.memory_space<hbm>>
      %dma_wait3A_31 = tpu.memref_slice %dma_wait3A_30[%mul3A_21] : memref<10240xf32, #tpu.memory_space<hbm>> -> memref<640xf32, #tpu.memory_space<hbm>>
      %dma_wait3A_32 = arith.constant 0 : i32
      %dma_wait3A_33 = tpu.memref_slice %arg3[%arg0, %dma_wait3A_32] : memref<2x10240xf32, #tpu.memory_space<hbm>> -> memref<1x10240xf32, #tpu.memory_space<hbm>>
      %dma_wait3A_34 = tpu.memref_squeeze %dma_wait3A_33 : memref<1x10240xf32, #tpu.memory_space<hbm>> -> memref<10240xf32, #tpu.memory_space<hbm>>
      %dma_wait3A_35 = tpu.memref_slice %dma_wait3A_34[%mul3A_21] : memref<10240xf32, #tpu.memory_space<hbm>> -> memref<640xf32, #tpu.memory_space<hbm>>
      tpu.wait_dma2 semaphore(%run_scoped3A : memref<!tpu.dma_semaphore, #tpu.memory_space<semaphore_mem>>) src(%arg7 : memref<640xf32, #tpu.memory_space<vmem>>) dst(%dma_wait3A_35 : memref<640xf32, #tpu.memory_space<hbm>>)
      tpu.yield
    }) : () -> ()
    return
  }
}

module attributes {stable_mosaic.version = 14 : i64} {
  func.func @_first_body(%arg0: i32, %arg1: memref<1000x128xf32, #tpu.memory_space<vmem>>, %arg2: memref<128x128xf32, #tpu.memory_space<vmem>>, %arg3: memref<1000x1xf32, #tpu.memory_space<vmem>>, %arg4: memref<1000x1xf32, #tpu.memory_space<vmem>>, %arg5: memref<1000x128xf32, #tpu.memory_space<vmem>>, %arg6: memref<1000x1xf32, #tpu.memory_space<vmem>>) attributes {dimension_semantics = [#tpu.dimension_semantics<arbitrary>], iteration_bounds = array<i64: 10>, scalar_prefetch = 0 : i64, scratch_operands = 0 : i64, tpu.core_type = #tpu.core_type<tc>, window_params = [{transform_indices = @transform_0, window_bounds = array<i64: 1000, 128>}, {pipeline_mode = #tpu.pipeline_mode<synchronous>, transform_indices = @transform_1, window_bounds = array<i64: 128, 128>}, {transform_indices = @transform_2, window_bounds = array<i64: 1000, 1>}, {transform_indices = @transform_3, window_bounds = array<i64: 1000, 1>}, {transform_indices = @transform_4, window_bounds = array<i64: 1000, 128>}, {transform_indices = @transform_5, window_bounds = array<i64: 1000, 1>}]} {
    %get3A = arith.constant 0 : index
    %get3A_0 = arith.constant 0 : index
    %get3A_1 = vector.load %arg3[%get3A, %get3A_0] : memref<1000x1xf32, #tpu.memory_space<vmem>>, vector<1000x1xf32>
    %get3A_2 = arith.constant 0 : index
    %get3A_3 = arith.constant 0 : index
    %get3A_4 = vector.load %arg4[%get3A_2, %get3A_3] : memref<1000x1xf32, #tpu.memory_space<vmem>>, vector<1000x1xf32>
    %add3A = arith.addf %get3A_1, %get3A_4 : vector<1000x1xf32>
    %add3A_5 = arith.constant 1.000000e+00 : f32
    %add3A_6 = vector.broadcast %add3A_5 : f32 to vector<1000x1xf32>
    %add3A_7 = arith.addf %add3A, %add3A_6 : vector<1000x1xf32>
    %rsqrt3A = math.rsqrt %add3A_7 : vector<1000x1xf32>
    %get3A_8 = arith.constant 0 : index
    %get3A_9 = arith.constant 0 : index
    %get3A_10 = vector.load %arg1[%get3A_8, %get3A_9] : memref<1000x128xf32, #tpu.memory_space<vmem>>, vector<1000x128xf32>
    %get3A_11 = arith.constant 0 : index
    %get3A_12 = arith.constant 0 : index
    %get3A_13 = vector.load %arg2[%get3A_11, %get3A_12] : memref<128x128xf32, #tpu.memory_space<vmem>>, vector<128x128xf32>
    %dot_general3A = arith.constant dense<0.000000e+00> : vector<1000x128xf32>
    %dot_general3A_14 = tpu.matmul %get3A_10, %get3A_13, %dot_general3A {dimension_numbers = #tpu.dot_dimension_numbers<[1], [0], [0], [1], [0, 0, 1, 1], [], []>, transpose_lhs_hint = false} : vector<1000x128xf32>, vector<128x128xf32>, vector<1000x128xf32> -> vector<1000x128xf32>
    %mul3A = vector.broadcast %rsqrt3A : vector<1000x1xf32> to vector<1000x128xf32>
    %mul3A_15 = arith.mulf %dot_general3A_14, %mul3A : vector<1000x128xf32>
    %swap3A = arith.constant 0 : index
    %swap3A_16 = arith.constant 0 : index
    %swap3A_17 = vector.load %arg5[%swap3A, %swap3A_16] : memref<1000x128xf32, #tpu.memory_space<vmem>>, vector<1000x128xf32>
    tpu.vector_store %arg5[%swap3A, %swap3A_16], %mul3A_15 {strides = array<i32>} : memref<1000x128xf32, #tpu.memory_space<vmem>>, vector<1000x128xf32>,
    %swap3A_18 = arith.constant 0 : index
    %swap3A_19 = arith.constant 0 : index
    %swap3A_20 = vector.load %arg6[%swap3A_18, %swap3A_19] : memref<1000x1xf32, #tpu.memory_space<vmem>>, vector<1000x1xf32>
    tpu.vector_store %arg6[%swap3A_18, %swap3A_19], %rsqrt3A {strides = array<i32>} : memref<1000x1xf32, #tpu.memory_space<vmem>>, vector<1000x1xf32>,
    return
  }
  func.func @transform_0(%arg0: i32) -> (i32, i32) {
    %c0_i32 = arith.constant 0 : i32
    %c0_i32_0 = arith.constant 0 : i32
    return %arg0, %c0_i32 : i32, i32
  }
  func.func @transform_1(%arg0: i32) -> (i32, i32) {
    %c0_i32 = arith.constant 0 : i32
    %c0_i32_0 = arith.constant 0 : i32
    %c0_i32_1 = arith.constant 0 : i32
    return %c0_i32, %c0_i32_0 : i32, i32
  }
  func.func @transform_2(%arg0: i32) -> (i32, i32) {
    %c0_i32 = arith.constant 0 : i32
    %c0_i32_0 = arith.constant 0 : i32
    return %arg0, %c0_i32 : i32, i32
  }
  func.func @transform_3(%arg0: i32) -> (i32, i32) {
    %c0_i32 = arith.constant 0 : i32
    %c0_i32_0 = arith.constant 0 : i32
    return %arg0, %c0_i32 : i32, i32
  }
  func.func @transform_4(%arg0: i32) -> (i32, i32) {
    %c0_i32 = arith.constant 0 : i32
    %c0_i32_0 = arith.constant 0 : i32
    return %arg0, %c0_i32 : i32, i32
  }
  func.func @transform_5(%arg0: i32) -> (i32, i32) {
    %c0_i32 = arith.constant 0 : i32
    %c0_i32_0 = arith.constant 0 : i32
    return %arg0, %c0_i32 : i32, i32
  }
}

module attributes {stable_mosaic.version = 14 : i64} {
  func.func @_mid_body(%arg0: i32, %arg1: memref<1000x128xf32, #tpu.memory_space<vmem>>, %arg2: memref<1000x128xf32, #tpu.memory_space<vmem>>, %arg3: memref<1000x128xf32, #tpu.memory_space<vmem>>, %arg4: memref<1000x1xf32, #tpu.memory_space<vmem>>, %arg5: memref<1x128xf32, #tpu.memory_space<vmem>>, %arg6: memref<128x128xf32, #tpu.memory_space<vmem>>, %arg7: memref<1000x128xf32, #tpu.memory_space<vmem>>) attributes {dimension_semantics = [#tpu.dimension_semantics<arbitrary>], iteration_bounds = array<i64: 10>, scalar_prefetch = 0 : i64, scratch_operands = 0 : i64, tpu.core_type = #tpu.core_type<tc>, window_params = [{transform_indices = @transform_0, window_bounds = array<i64: 1000, 128>}, {transform_indices = @transform_1, window_bounds = array<i64: 1000, 128>}, {transform_indices = @transform_2, window_bounds = array<i64: 1000, 128>}, {transform_indices = @transform_3, window_bounds = array<i64: 1000, 1>}, {pipeline_mode = #tpu.pipeline_mode<synchronous>, transform_indices = @transform_4, window_bounds = array<i64: 1, 128>}, {pipeline_mode = #tpu.pipeline_mode<synchronous>, transform_indices = @transform_5, window_bounds = array<i64: 128, 128>}, {transform_indices = @transform_6, window_bounds = array<i64: 1000, 128>}]} {
    %get3A = arith.constant 0 : index
    %get3A_0 = arith.constant 0 : index
    %get3A_1 = vector.load %arg4[%get3A, %get3A_0] : memref<1000x1xf32, #tpu.memory_space<vmem>>, vector<1000x1xf32>
    %get3A_2 = arith.constant 0 : index
    %get3A_3 = arith.constant 0 : index
    %get3A_4 = vector.load %arg1[%get3A_2, %get3A_3] : memref<1000x128xf32, #tpu.memory_space<vmem>>, vector<1000x128xf32>
    %get3A_5 = arith.constant 0 : index
    %get3A_6 = arith.constant 0 : index
    %get3A_7 = vector.load %arg2[%get3A_5, %get3A_6] : memref<1000x128xf32, #tpu.memory_space<vmem>>, vector<1000x128xf32>
    %add3A = arith.addf %get3A_4, %get3A_7 : vector<1000x128xf32>
    %get3A_8 = arith.constant 0 : index
    %get3A_9 = arith.constant 0 : index
    %get3A_10 = vector.load %arg3[%get3A_8, %get3A_9] : memref<1000x128xf32, #tpu.memory_space<vmem>>, vector<1000x128xf32>
    %add3A_11 = arith.addf %add3A, %get3A_10 : vector<1000x128xf32>
    %mul3A = vector.broadcast %get3A_1 : vector<1000x1xf32> to vector<1000x128xf32>
    %mul3A_12 = arith.mulf %mul3A, %add3A_11 : vector<1000x128xf32>
    %get3A_13 = arith.constant 0 : index
    %get3A_14 = arith.constant 0 : index
    %get3A_15 = vector.load %arg5[%get3A_13, %get3A_14] : memref<1x128xf32, #tpu.memory_space<vmem>>, vector<1x128xf32>
    %add3A_16 = vector.broadcast %get3A_15 : vector<1x128xf32> to vector<1000x128xf32>
    %add3A_17 = arith.addf %mul3A_12, %add3A_16 : vector<1000x128xf32>
    %gt3A = arith.constant 0.000000e+00 : f32
    %gt3A_18 = vector.broadcast %gt3A : f32 to vector<1000x128xf32>
    %gt3A_19 = arith.cmpf ogt, %add3A_17, %gt3A_18 : vector<1000x128xf32>
    %exp3A = math.exp %add3A_17 : vector<1000x128xf32>
    %sub3A = arith.constant 1.000000e+00 : f32
    %sub3A_20 = vector.broadcast %sub3A : f32 to vector<1000x128xf32>
    %sub3A_21 = arith.subf %exp3A, %sub3A_20 : vector<1000x128xf32>
    %select_n3A = arith.select %gt3A_19, %add3A_17, %sub3A_21 : vector<1000x128xi1>, vector<1000x128xf32>
    %get3A_22 = arith.constant 0 : index
    %get3A_23 = arith.constant 0 : index
    %get3A_24 = vector.load %arg6[%get3A_22, %get3A_23] : memref<128x128xf32, #tpu.memory_space<vmem>>, vector<128x128xf32>
    %dot_general3A = arith.constant dense<0.000000e+00> : vector<1000x128xf32>
    %dot_general3A_25 = tpu.matmul %select_n3A, %get3A_24, %dot_general3A {dimension_numbers = #tpu.dot_dimension_numbers<[1], [0], [0], [1], [0, 0, 1, 1], [], []>, transpose_lhs_hint = false} : vector<1000x128xf32>, vector<128x128xf32>, vector<1000x128xf32> -> vector<1000x128xf32>
    %mul3A_26 = vector.broadcast %get3A_1 : vector<1000x1xf32> to vector<1000x128xf32>
    %mul3A_27 = arith.mulf %dot_general3A_25, %mul3A_26 : vector<1000x128xf32>
    %swap3A = arith.constant 0 : index
    %swap3A_28 = arith.constant 0 : index
    %swap3A_29 = vector.load %arg7[%swap3A, %swap3A_28] : memref<1000x128xf32, #tpu.memory_space<vmem>>, vector<1000x128xf32>
    tpu.vector_store %arg7[%swap3A, %swap3A_28], %mul3A_27 {strides = array<i32>} : memref<1000x128xf32, #tpu.memory_space<vmem>>, vector<1000x128xf32>,
    return
  }
  func.func @transform_0(%arg0: i32) -> (i32, i32) {
    %c0_i32 = arith.constant 0 : i32
    %c0_i32_0 = arith.constant 0 : i32
    return %arg0, %c0_i32 : i32, i32
  }
  func.func @transform_1(%arg0: i32) -> (i32, i32) {
    %c0_i32 = arith.constant 0 : i32
    %c0_i32_0 = arith.constant 0 : i32
    return %arg0, %c0_i32 : i32, i32
  }
  func.func @transform_2(%arg0: i32) -> (i32, i32) {
    %c0_i32 = arith.constant 0 : i32
    %c0_i32_0 = arith.constant 0 : i32
    return %arg0, %c0_i32 : i32, i32
  }
  func.func @transform_3(%arg0: i32) -> (i32, i32) {
    %c0_i32 = arith.constant 0 : i32
    %c0_i32_0 = arith.constant 0 : i32
    return %arg0, %c0_i32 : i32, i32
  }
  func.func @transform_4(%arg0: i32) -> (i32, i32) {
    %c0_i32 = arith.constant 0 : i32
    %c0_i32_0 = arith.constant 0 : i32
    %c0_i32_1 = arith.constant 0 : i32
    return %c0_i32, %c0_i32_0 : i32, i32
  }
  func.func @transform_5(%arg0: i32) -> (i32, i32) {
    %c0_i32 = arith.constant 0 : i32
    %c0_i32_0 = arith.constant 0 : i32
    %c0_i32_1 = arith.constant 0 : i32
    return %c0_i32, %c0_i32_0 : i32, i32
  }
  func.func @transform_6(%arg0: i32) -> (i32, i32) {
    %c0_i32 = arith.constant 0 : i32
    %c0_i32_0 = arith.constant 0 : i32
    return %arg0, %c0_i32 : i32, i32
  }
}

module attributes {stable_mosaic.version = 14 : i64} {
  func.func @_final_body(%arg0: i32, %arg1: memref<1000x128xf32, #tpu.memory_space<vmem>>, %arg2: memref<1000x128xf32, #tpu.memory_space<vmem>>, %arg3: memref<1000x128xf32, #tpu.memory_space<vmem>>, %arg4: memref<1000x1xf32, #tpu.memory_space<vmem>>, %arg5: memref<1x128xf32, #tpu.memory_space<vmem>>, %arg6: memref<128x40xf32, #tpu.memory_space<vmem>>, %arg7: memref<1x40xf32, #tpu.memory_space<vmem>>, %arg8: memref<1000x40xf32, #tpu.memory_space<vmem>>) attributes {dimension_semantics = [#tpu.dimension_semantics<arbitrary>], iteration_bounds = array<i64: 10>, scalar_prefetch = 0 : i64, scratch_operands = 0 : i64, tpu.core_type = #tpu.core_type<tc>, window_params = [{transform_indices = @transform_0, window_bounds = array<i64: 1000, 128>}, {transform_indices = @transform_1, window_bounds = array<i64: 1000, 128>}, {transform_indices = @transform_2, window_bounds = array<i64: 1000, 128>}, {transform_indices = @transform_3, window_bounds = array<i64: 1000, 1>}, {pipeline_mode = #tpu.pipeline_mode<synchronous>, transform_indices = @transform_4, window_bounds = array<i64: 1, 128>}, {pipeline_mode = #tpu.pipeline_mode<synchronous>, transform_indices = @transform_5, window_bounds = array<i64: 128, 40>}, {pipeline_mode = #tpu.pipeline_mode<synchronous>, transform_indices = @transform_6, window_bounds = array<i64: 1, 40>}, {transform_indices = @transform_7, window_bounds = array<i64: 1000, 40>}]} {
    %get3A = arith.constant 0 : index
    %get3A_0 = arith.constant 0 : index
    %get3A_1 = vector.load %arg4[%get3A, %get3A_0] : memref<1000x1xf32, #tpu.memory_space<vmem>>, vector<1000x1xf32>
    %get3A_2 = arith.constant 0 : index
    %get3A_3 = arith.constant 0 : index
    %get3A_4 = vector.load %arg1[%get3A_2, %get3A_3] : memref<1000x128xf32, #tpu.memory_space<vmem>>, vector<1000x128xf32>
    %get3A_5 = arith.constant 0 : index
    %get3A_6 = arith.constant 0 : index
    %get3A_7 = vector.load %arg2[%get3A_5, %get3A_6] : memref<1000x128xf32, #tpu.memory_space<vmem>>, vector<1000x128xf32>
    %add3A = arith.addf %get3A_4, %get3A_7 : vector<1000x128xf32>
    %get3A_8 = arith.constant 0 : index
    %get3A_9 = arith.constant 0 : index
    %get3A_10 = vector.load %arg3[%get3A_8, %get3A_9] : memref<1000x128xf32, #tpu.memory_space<vmem>>, vector<1000x128xf32>
    %add3A_11 = arith.addf %add3A, %get3A_10 : vector<1000x128xf32>
    %mul3A = vector.broadcast %get3A_1 : vector<1000x1xf32> to vector<1000x128xf32>
    %mul3A_12 = arith.mulf %mul3A, %add3A_11 : vector<1000x128xf32>
    %get3A_13 = arith.constant 0 : index
    %get3A_14 = arith.constant 0 : index
    %get3A_15 = vector.load %arg5[%get3A_13, %get3A_14] : memref<1x128xf32, #tpu.memory_space<vmem>>, vector<1x128xf32>
    %add3A_16 = vector.broadcast %get3A_15 : vector<1x128xf32> to vector<1000x128xf32>
    %add3A_17 = arith.addf %mul3A_12, %add3A_16 : vector<1000x128xf32>
    %gt3A = arith.constant 0.000000e+00 : f32
    %gt3A_18 = vector.broadcast %gt3A : f32 to vector<1000x128xf32>
    %gt3A_19 = arith.cmpf ogt, %add3A_17, %gt3A_18 : vector<1000x128xf32>
    %exp3A = math.exp %add3A_17 : vector<1000x128xf32>
    %sub3A = arith.constant 1.000000e+00 : f32
    %sub3A_20 = vector.broadcast %sub3A : f32 to vector<1000x128xf32>
    %sub3A_21 = arith.subf %exp3A, %sub3A_20 : vector<1000x128xf32>
    %select_n3A = arith.select %gt3A_19, %add3A_17, %sub3A_21 : vector<1000x128xi1>, vector<1000x128xf32>
    %get3A_22 = arith.constant 0 : index
    %get3A_23 = arith.constant 0 : index
    %get3A_24 = vector.load %arg6[%get3A_22, %get3A_23] : memref<128x40xf32, #tpu.memory_space<vmem>>, vector<128x40xf32>
    %dot_general3A = arith.constant dense<0.000000e+00> : vector<1000x40xf32>
    %dot_general3A_25 = tpu.matmul %select_n3A, %get3A_24, %dot_general3A {dimension_numbers = #tpu.dot_dimension_numbers<[1], [0], [0], [1], [0, 0, 1, 1], [], []>, transpose_lhs_hint = false} : vector<1000x128xf32>, vector<128x40xf32>, vector<1000x40xf32> -> vector<1000x40xf32>
    %get3A_26 = arith.constant 0 : index
    %get3A_27 = arith.constant 0 : index
    %get3A_28 = vector.load %arg7[%get3A_26, %get3A_27] : memref<1x40xf32, #tpu.memory_space<vmem>>, vector<1x40xf32>
    %add3A_29 = vector.broadcast %get3A_28 : vector<1x40xf32> to vector<1000x40xf32>
    %add3A_30 = arith.addf %dot_general3A_25, %add3A_29 : vector<1000x40xf32>
    %reduce_max3A = arith.constant dense<0xFF800000> : vector<1000xf32>
    %reduce_max3A_31 = vector.multi_reduction <maximumf>, %add3A_30, %reduce_max3A [1] : vector<1000x40xf32> to vector<1000xf32>
    %broadcast_in_dim3A = vector.shape_cast %reduce_max3A_31 : vector<1000xf32> to vector<1000x1xf32>
    %sub3A_32 = vector.broadcast %broadcast_in_dim3A : vector<1000x1xf32> to vector<1000x40xf32>
    %sub3A_33 = arith.subf %add3A_30, %sub3A_32 : vector<1000x40xf32>
    %exp3A_34 = math.exp %sub3A_33 : vector<1000x40xf32>
    %reduce_sum3A = arith.constant dense<0.000000e+00> : vector<1000xf32>
    %reduce_sum3A_35 = vector.multi_reduction <add>, %exp3A_34, %reduce_sum3A [1] : vector<1000x40xf32> to vector<1000xf32>
    %broadcast_in_dim3A_36 = vector.shape_cast %reduce_sum3A_35 : vector<1000xf32> to vector<1000x1xf32>
    %log3A = math.log %broadcast_in_dim3A_36 : vector<1000x1xf32>
    %add3A_37 = arith.addf %log3A, %broadcast_in_dim3A : vector<1000x1xf32>
    %sub3A_38 = vector.broadcast %add3A_37 : vector<1000x1xf32> to vector<1000x40xf32>
    %sub3A_39 = arith.subf %add3A_30, %sub3A_38 : vector<1000x40xf32>
    %swap3A = arith.constant 0 : index
    %swap3A_40 = arith.constant 0 : index
    %swap3A_41 = vector.load %arg8[%swap3A, %swap3A_40] : memref<1000x40xf32, #tpu.memory_space<vmem>>, vector<1000x40xf32>
    tpu.vector_store %arg8[%swap3A, %swap3A_40], %sub3A_39 {strides = array<i32>} : memref<1000x40xf32, #tpu.memory_space<vmem>>, vector<1000x40xf32>,
    return
  }
  func.func @transform_0(%arg0: i32) -> (i32, i32) {
    %c0_i32 = arith.constant 0 : i32
    %c0_i32_0 = arith.constant 0 : i32
    return %arg0, %c0_i32 : i32, i32
  }
  func.func @transform_1(%arg0: i32) -> (i32, i32) {
    %c0_i32 = arith.constant 0 : i32
    %c0_i32_0 = arith.constant 0 : i32
    return %arg0, %c0_i32 : i32, i32
  }
  func.func @transform_2(%arg0: i32) -> (i32, i32) {
    %c0_i32 = arith.constant 0 : i32
    %c0_i32_0 = arith.constant 0 : i32
    return %arg0, %c0_i32 : i32, i32
  }
  func.func @transform_3(%arg0: i32) -> (i32, i32) {
    %c0_i32 = arith.constant 0 : i32
    %c0_i32_0 = arith.constant 0 : i32
    return %arg0, %c0_i32 : i32, i32
  }
  func.func @transform_4(%arg0: i32) -> (i32, i32) {
    %c0_i32 = arith.constant 0 : i32
    %c0_i32_0 = arith.constant 0 : i32
    %c0_i32_1 = arith.constant 0 : i32
    return %c0_i32, %c0_i32_0 : i32, i32
  }
  func.func @transform_5(%arg0: i32) -> (i32, i32) {
    %c0_i32 = arith.constant 0 : i32
    %c0_i32_0 = arith.constant 0 : i32
    %c0_i32_1 = arith.constant 0 : i32
    return %c0_i32, %c0_i32_0 : i32, i32
  }
  func.func @transform_6(%arg0: i32) -> (i32, i32) {
    %c0_i32 = arith.constant 0 : i32
    %c0_i32_0 = arith.constant 0 : i32
    %c0_i32_1 = arith.constant 0 : i32
    return %c0_i32, %c0_i32_0 : i32, i32
  }
  func.func @transform_7(%arg0: i32) -> (i32, i32) {
    %c0_i32 = arith.constant 0 : i32
    %c0_i32_0 = arith.constant 0 : i32
    return %arg0, %c0_i32 : i32, i32
  }
}

</mosaic_0001>

<sc_bundles>
// kernel: kernel.11.cloned.1.call-start
scs
__scs_entry_jumppad:
0x0: {  	(pc) =	sbr.rel $0x88, $3  }
0x1: {  	(tag) =	ssettag $0x0;
	lr =	simm.s32 $0x1  }
0x2: {  	[smem:$0x3F99] =	sst lr;
	_ =	strace $0xD0000000  }
0x3: {  	_ = 	snop  }
0x4: {  	_ = 	snop  }
0x5: {  	_ = 	snop  }
0x6: {  	_ = 	snop  }
0x7: {  	_ = 	snop  }
__scs_overlays_trampoline_lowered:
0x8: {  	[smem:$0x3FA8] =	sst s0  }
0x9: {  	[smem:$0x3FA9] =	sst s1  }
0xa: {  	[smem:$0x3FAA] =	sst s2  }
0xb: {  	[smem:$0x3FAB] =	sst s3  }
0xc: {  	[smem:$0x3FAC] =	sst s4  }
0xd: {  	[smem:$0x3FAD] =	sst s5  }
0xe: {  	[smem:$0x3FAE] =	sst s6  }
0xf: {  	[smem:$0x3FAF] =	sst s7  }
0x10: {  	[smem:$0x3FB0] =	sst s8  }
0x11: {  	[smem:$0x3FB1] =	sst s9;
	s0 =	simm.s32 @!p0 $0x0  }
0x12: {  	s1 =	sld [smem:$0x3F97];
	s0 =	simm.s32 @p0 $0x1  }
0x13: {  	[smem:$0x3FB2] =	sst s0;
	s0 =	simm.s32 @!p1 $0x0  }
0x14: {  	s2 =	sld [smem:$0x3F96];
	s0 =	simm.s32 @p1 $0x1  }
0x15: {  	[smem:$0x3FB3] =	sst s0;
	s0 =	simm.s32 @!p2 $0x0  }
0x16: {  	s3 =	sld [smem:$0x3FDB];
	s0 =	simm.s32 @p2 $0x1  }
0x17: {  	s4 =	simm.s32 $0x1BF5;
	[smem:$0x3FB5] =	sst s0  }
0x18: {  	s0 =	sld [smem:$0x3F98];
	_ =	swait.ge [sflag:s4], $0x0  }
0x19: {  	s7 =	sld [smem:$0x3F99]  }
0x1a: {  	s8 =	sadd.s32 $0xFFFFE003, lr  }
0x1b: {  	s9 =	sadd.s32 $0xFFFFFEF7, lr;
	s5 =	simm.s32 $0xFFFFFFFF;
	p2 =	slt.u32 s8, $0xFFFFF086  }
0x1c: {  	p1 =	slt.u32 s9, $0xF7A;
	s5 =	simm.s32 @!p2 $0x0  }
0x1d: {  	s5 =	simm.s32 @p1 $0x1;
	p0 =	seq.s32 s7, s2  }
0x1e: {  	s7 =	smul.u32 @!p0 $0xF7A, s2;
	p2 =	seq.s32 @!p0 s5, $0x0  }
0x1f: {  	s9 =	smul.u32 $0xF7A, s1;
	s8 =	simm.s32 @!p0 $0x1BF5;
	p2 =	por !p2, p0  }
0x20: {  	[sflag:s8] =	ssyncset.s32 @!p0 $0xFFFFF086;
	s6 =	sadd.s32 @!p0 s3, s7;
	s7 =	simm.s32 @!p0 $0x108  }
0x21: {  	s3 =	sadd.s32 s3, s9;
	s6 =	sadd.s32 @!p0 $0x88, s6;
	s7 =	simm.s32 @p2 $0x1082  }
0x22: {  	[simem:s7], [sflag:s8] =	dma.local @!p0 [hbm:s6], $0xF7A  }
0x23: {  	s9 =	sor.u32 $0xD0000000, s2;
	s6 =	simm.s32 $0x108;
	_ =	swait.ge @!p0 [sflag:s8], $0x0  }
0x24: {  	s3 =	sadd.s32 $0x88, s3;
	s6 =	simm.s32 @!p1 $0x1082;
	[sflag:s4] =	ssyncset.s32 $0xFFFFF086  }
0x25: {  	[simem:s6], [sflag:s4] =	dma.local [hbm:s3], $0xF7A  }
0x26: {  	[smem:$0x3F99] =	sst s1;
	(tag) =	ssettag s2;
	_ =	strace s9  }
0x27: {  	s1 =	sld [smem:$0x3FA9]  }
0x28: {  	s2 =	sld [smem:$0x3FAA]  }
0x29: {  	s4 =	sld [smem:$0x3FAC]  }
0x2a: {  	p0 =	seq.s32 s5, $0x0;
	s5 =	sld [smem:$0x3FAD]  }
0x2b: {  	s6 =	sld [smem:$0x3FAE]  }
0x2c: {  	s7 =	sld [smem:$0x3FAF]  }
0x2d: {  	s3 =	simm.s32 $0x108;
	s8 =	sld [smem:$0x3FB0]  }
0x2e: {  	s3 =	simm.s32 @!p0 $0x1082;
	s9 =	sld [smem:$0x3FB1]  }
0x2f: {  	lr =	sadd.s32 s0, s3;
	s0 =	sld [smem:$0x3FA8]  }
0x30: {  	s3 =	sld [smem:$0x3FAB]  }
0x31: {  	[smem:$0x3FB4] =	sst s10  }
0x32: {  	s10 =	sld [smem:$0x3FB2];
	_ =	sdelay $0x3  }
0x33: {  	p0 =	seq.s32 s10, $0x1;
	s10 =	sld [smem:$0x3FB4];
	_ =	sdelay $0x3  }
0x34: {  	[smem:$0x3FB4] =	sst s10  }
0x35: {  	s10 =	sld [smem:$0x3FB3];
	_ =	sdelay $0x3  }
0x36: {  	p1 =	seq.s32 s10, $0x1;
	s10 =	sld [smem:$0x3FB4];
	_ =	sdelay $0x3  }
0x37: {  	[smem:$0x3FB4] =	sst s10  }
0x38: {  	s10 =	sld [smem:$0x3FB5]  }
0x39: {  	_ = 	snop;
	(pc) =	sbr.ind lr, $3  }
0x3a: {  	_ = 	snop  }
0x3b: {  	_ = 	snop  }
0x3c: {  	p2 =	seq.s32 s10, $0x1;
	s10 =	sld [smem:$0x3FB4]  }
0x3d: {  	_ =	shalt  }
0x3e: {  	_ =	shalt  }
0x3f: {  	_ =	shalt  }
0x40: {  	_ =	shalt  }
0x41: {  	_ =	shalt  }
0x42: {  	_ =	shalt  }
0x43: {  	_ =	shalt  }
0x44: {  	_ =	shalt  }
0x45: {  	_ =	shalt  }
0x46: {  	_ =	shalt  }
0x47: {  	_ =	shalt  }
0x48: {  	_ =	shalt  }
0x49: {  	_ =	shalt  }
0x4a: {  	_ =	shalt  }
0x4b: {  	_ =	shalt  }
0x4c: {  	_ =	shalt  }
0x4d: {  	_ =	shalt  }
0x4e: {  	_ =	shalt  }
0x4f: {  	_ =	shalt  }
0x50: {  	_ =	shalt  }
0x51: {  	_ =	shalt  }
0x52: {  	_ =	shalt  }
0x53: {  	_ =	shalt  }
0x54: {  	_ =	shalt  }
0x55: {  	_ =	shalt  }
0x56: {  	_ =	shalt  }
0x57: {  	_ =	shalt  }
0x58: {  	_ =	shalt  }
0x59: {  	_ =	shalt  }
0x5a: {  	_ =	shalt  }
0x5b: {  	_ =	shalt  }
0x5c: {  	_ =	shalt  }
0x5d: {  	_ =	shalt  }
0x5e: {  	_ =	shalt  }
0x5f: {  	_ =	shalt  }
0x60: {  	_ =	shalt  }
0x61: {  	_ =	shalt  }
0x62: {  	_ =	shalt  }
0x63: {  	_ =	shalt  }
0x64: {  	_ =	shalt  }
0x65: {  	_ =	shalt  }
0x66: {  	_ =	shalt  }
0x67: {  	_ =	shalt  }
0x68: {  	_ =	shalt  }
0x69: {  	_ =	shalt  }
0x6a: {  	_ =	shalt  }
0x6b: {  	_ =	shalt  }
0x6c: {  	_ =	shalt  }
0x6d: {  	_ =	shalt  }
0x6e: {  	_ =	shalt  }
0x6f: {  	_ =	shalt  }
0x70: {  	_ =	shalt  }
0x71: {  	_ =	shalt  }
0x72: {  	_ =	shalt  }
0x73: {  	_ =	shalt  }
0x74: {  	_ =	shalt  }
0x75: {  	_ =	shalt  }
0x76: {  	_ =	shalt  }
0x77: {  	_ =	shalt  }
0x78: {  	_ =	shalt  }
0x79: {  	_ =	shalt  }
0x7a: {  	_ =	shalt  }
0x7b: {  	_ =	shalt  }
0x7c: {  	_ =	shalt  }
0x7d: {  	_ =	shalt  }
0x7e: {  	_ =	shalt  }
0x7f: {  	_ =	shalt  }
0x80: {  	_ =	shalt  }
0x81: {  	_ =	shalt  }
0x82: {  	_ =	shalt  }
0x83: {  	_ =	shalt  }
0x84: {  	_ =	shalt  }
0x85: {  	_ =	shalt  }
0x86: {  	_ =	shalt  }
0x87: {  	_ =	shalt  }
.Lfunc_end0:
.L_simem_size_0:
called_computation.1_lowered:
.L_overlay_start_0:
0x88: {  	s2 =	sld [smem:$0x3FD9]  }
0x89: {  	s3 =	sld [smem:$0x3FFE];
	_ =	sdelay $0x1  }
0x8a: {  	s1 =	srdreg.scid  }
0x8b: {  	s0 =	sand.u32 $0x1, s1  }
0x8c: {  	s17 =	sshll.u32 s0, $0xA;
	s2 =	sadd.s32 s3, s2  }
0x8d: {  	s2 =	sadd.s32 s2, s17  }
0x8e: {  	[smem:$0x3FC0] =	sst s2  }
0x8f: {  	_ = 	snop  }
0x90: {  	s2 =	sld [smem:$0x3FD0];
	(tm) =	ssettm $0x1  }
0x91: {  	s18 =	sld [smem:$0x3FFB];
	_ =	sdelay $0x3  }
0x92: {  	_ =	strace s18  }
0x93: {  	s3 =	sld [smem:$0x3FFC];
	_ =	sdelay $0x3  }
0x94: {  	_ =	strace s3  }
0x95: {  	s3 =	sld [smem:$0x3FFD];
	_ =	sdelay $0x3  }
0x96: {  	_ =	strace s3  }
0x97: {  	_ =	strace $0x8FFFFFFF  }
0x98: {  	s19 =	sld [smem:$0x3FDB];
	_ =	sdelay $0x1  }
0x99: {  	s4 =	simm.s32 $_scs_section_size  }
0x9a: {  	s5 =	simm.s32 $_size__tile_overlayer_lowered;
	s6 =	simm.s32 $_tile_overlayer_lowered  }
0x9b: {  	s22 =	simm.s32 $0x1BFF;
	s21 =	sshll.u32 s6, $0x1;
	s3 =	sadd.s32 s4, s19  }
0x9c: {  	s7 =	simm.s32 $0x0;
	s20 =	sshll.u32 s5, $0x1;
	s5 =	sadd.s32 s21, s3  }
0x9d: {  	[timem:s7], [sflag:s22] =	dma.local [hbm:s5], s20  }
0x9e: {  	_ =	swait.ge [sflag:s22], s20  }
0x9f: {  	s4 =	ssub.s32 $0x0, s20;
	[sflag:s22] =	ssyncset.done $0x0  }
0xa0: {  	[sflag:s22] =	ssyncadd.s32 s4;
	_ =	sdelay $0x1  }
0xa1: {  	s23 =	simm.s32 $0x1B8B  }
0xa2: {  	_ =	swait.ge [sflag:s23], $0x1  }
0xa3: {  	[sflag:s23] =	ssyncset.done $0x0  }
0xa4: {  	s25 =	simm.s32 $0x1B8E;
	s24 =	sld [smem:$0x3FFE];
	[sflag:s23] =	ssyncadd.s32 $0xFFFFFFFF  }
0xa5: {  	s26 =	simm.s32 $execute0_lowered;
	[smem:$0x3FD2] =	sst s25  }
0xa6: {  	s5 =	sshll.u32 s26, $0x1;
	_ =	strace $0x80000049;
	[dreg:$0x1] =	wrdreg $0xFFFFFFFF  }
0xa7: {  	s28 =	simm.s32 $_size_execute0_lowered;
	s3 =	sadd.s32 s3, s5;
	[dreg:$0x0] =	wrdreg $0x0  }
0xa8: {  	s5 =	sshll.u32 s28, $0x1;
	[dreg:$0x2] =	wrdreg s3  }
0xa9: {  	[dreg:$0x3] =	wrdreg s5  }
0xaa: {  	[dreg:$0x4] =	wrdreg $0xC0  }
0xab: {  	_ =	task [dreg:s7], $0x5FFFF  }
0xac: {  	[dreg:$0x1] =	wrdreg $0xFFFFFFFF  }
0xad: {  	[dreg:$0x0] =	wrdreg $0x60  }
0xae: {  	[dreg:$0x2] =	wrdreg s24  }
0xaf: {  	[dreg:$0x3] =	wrdreg s2  }
0xb0: {  	[dreg:$0x4] =	wrdreg $0xAA000  }
0xb1: {  	[dreg:$0x5] =	wrdreg $0x9  }
0xb2: {  	_ =	task.clear_ibuf [dreg:s7], $0x6FFFF;
	_ =	strace $0x90000049  }
0xb3: {  	s29 =	simm.s32 $0x9;
	_ =	strace $0x8000004B  }
0xb4: {  	_ =	swait.ge [sflag:s29], $0x1  }
0xb5: {  	[sflag:s29] =	ssyncadd.s32 $0xFFFFFFFF  }
0xb6: {  	_ =	strace $0x9000004B  }
0xb7: {  	_ =	sfence  }
0xb8: {  	s30 =	sld [smem:$0x0];
	_ =	sdelay $0x2  }
0xb9: {  	s31 =	sshll.u32 s1, $0xD;
	s1 =	sshrl.u32 s1, $0x2  }
0xba: {  	s3 =	sand.u32 $0x4000, s31;
	s1 =	sadd.s32 s1, s30  }
0xbb: {  	s0 =	sor.u32 s3, s0;
	s1 =	sshll.u32 s1, $0x11  }
0xbc: {  	s0 =	sor.u32 s1, s0  }
0xbd: {  	s0 =	sadd.s32 $0x8F2B, s0  }
0xbe: {  	[sflag:s0] =	ssyncadd.remote.s32 $0x1  }
0xbf: {  	_ =	sfence.sel $0xFFFF  }
0xc0: {  	[dreg:$0x0] =	wrdreg $0xFFFFFFFF;
	(pc) =	sbr.abs _section_cstart, $3  }
0xc1: {  	[dreg:$0x1] =	wrdreg $0xFFFFFFFF  }
0xc2: {  	_ =	task.clear_ibuf [dreg:s7], $0x2FFFF;
	_ =	strace $0x9FFFFFFF  }
0xc3: {  	(tm) =	ssettm $0x7FFFFFFF  }
tec
execute0_lowered:
.L_overlay_start_1:
0x0: {  	(tag) =	ssettag $0x1  }
0x1: {  	s6 =	rddreg [dreg:$0x0]  }
0x2: {  	s0 =	srdreg.scid;
	s2 =	rddreg [dreg:$0x1]  }
0x3: {  	s3 =	rddreg [dreg:$0x2];
	s4 =	simm.s32 $0x0;
	s12 =	simm.s32 $0x2800  }
0x4: {  	s13 =	simm.s32 $0x2A00;
	s14 =	simm.s32 $0x2880;
	s15 =	simm.s32 $0x6A00  }
0x5: {  	s16 =	simm.s32 $0x1;
	s17 =	simm.s32 $0x2900;
	s18 =	simm.s32 $0x2  }
0x6: {  	s19 =	simm.s32 $0x2980;
	s7 =	sand.u32 $0x1, s0;
	s0 =	stileid.u32  }
0x7: {  	[smem:$0x7FF] =	sst s4;
	s1 =	sshll.u32 s7, $0x4;
	s9 =	smul.u32 $0x28000, s7  }
0x8: {  	s10 =	smul.u32 $0x50000, s0;
	s7 =	ssub.s32 $0x2, s7;
	s31 =	sshll.u32 s0, $0x6  }
0x9: {  	s21 =	smul.u32 $0x2800, s0;
	s5 =	sor.u32 s0, s1;
	s1 =	rddreg [dreg:$0x3]  }
0xa: {  	_ =	strace $0x8000004A;
	s30 =	sshrl.u32 s7, $0x1;
	s8 =	smul.u32 $0x500, s5  }
0xb: {  	s5 =	sadd.s32 $0xE000, s6;
	s9 =	sadd.s32 s9, s6;
	s10 =	sshrl.u32 s10, $0x2  }
0xc: {  	s11 =	ssub.s32 s7, s30;
	s10 =	sadd.s32 s10, s3;
	s20 =	sadd.s32 $0x5C400, s9  }
0xd: {  	s8 =	sadd.s32 s8, s6;
	s6 =	sor.u32 $0x1C03, s31;
	s9 =	sshrl.u32 s10, $0x3  }
0xe: {  	s10 =	simm.s32 $0x3;
	s20 =	sadd.s32 s21, s20;
	s21 =	simm.s32 $0x0  }
0xf: {  	s7 =	sadd.s32 $0x4000, s8;
	s8 =	smax.u32 s11, $0x1;
	s11 =	simm.s32 $0x80  }
.LBB2_1:
0x10: {  	[spmem:s9], [sflag:s6] =	dma.local [hbm:s2], $0x2800  }
0x11: {  	_ =	swait.ge [sflag:s10], $0x2800  }
0x12: {  	[sflag:s10] =	ssyncset.done $0x0  }
0x13: {  	[sflag:s10] =	ssyncadd.s32 $0xFFFFD800  }
0x14: {  	[bflag:$0x0] =	sbarrier.arrive $0xFFFF  }
0x15: {  	[tilespmem:s4], [sflag:$0x3] =	stream.linear.gather [hbm4b:s7+s4], $0x2800, $0x38;
	[tilespmem:$0x1EA00] =	vst v63  }
0x16: {  	_ =	swait.ge [sflag:s10], $0x2800  }
0x17: {  	[sflag:s10] =	ssyncset.done $0x0  }
0x18: {  	[sflag:s10] =	ssyncadd.s32 $0xFFFFD800  }
0x19: {  	v0 =	vld [tilespmem:$0x0];
	_ =	sdelay $0x1  }
0x1a: {  	v1 =	vld [tilespmem:$0x10];
	_ =	sdelay $0x1  }
0x1b: {  	v2 =	vld [tilespmem:$0x20]  }
0x1c: {  	v3 =	vand.u32 $0xFFFF, v0  }
0x1d: {  	v0 =	vshrl.u32 v0, $0x10;
	[tilespmem:$0x2800] =	vst v3;
	v3 =	vld [tilespmem:$0x30]  }
0x1e: {  	[tilespmem:$0x2900] =	vst v0;
	v0 =	vand.u32 $0xFFFF, v1  }
0x1f: {  	[tilespmem:$0x2810] =	vst v0;
	v0 =	vshrl.u32 v1, $0x10;
	v1 =	vld [tilespmem:$0x40]  }
0x20: {  	[tilespmem:$0x2910] =	vst v0;
	v0 =	vand.u32 $0xFFFF, v2  }
0x21: {  	[tilespmem:$0x2820] =	vst v0;
	v0 =	vshrl.u32 v2, $0x10;
	v2 =	vld [tilespmem:$0x50]  }
0x22: {  	[tilespmem:$0x2920] =	vst v0;
	v0 =	vand.u32 $0xFFFF, v3  }
0x23: {  	[tilespmem:$0x2830] =	vst v0;
	v0 =	vshrl.u32 v3, $0x10;
	v3 =	vld [tilespmem:$0x60]  }
0x24: {  	[tilespmem:$0x2930] =	vst v0;
	v0 =	vand.u32 $0xFFFF, v1  }
0x25: {  	[tilespmem:$0x2840] =	vst v0;
	v0 =	vshrl.u32 v1, $0x10;
	v1 =	vld [tilespmem:$0x70]  }
0x26: {  	[tilespmem:$0x2940] =	vst v0;
	v0 =	vand.u32 $0xFFFF, v2  }
0x27: {  	[tilespmem:$0x2850] =	vst v0;
	v0 =	vshrl.u32 v2, $0x10  }
0x28: {  	[tilespmem:$0x2950] =	vst v0;
	v0 =	vand.u32 $0xFFFF, v3  }
0x29: {  	[tilespmem:$0x2860] =	vst v0;
	v0 =	vshrl.u32 v3, $0x10  }
0x2a: {  	[tilespmem:$0x2960] =	vst v0;
	v0 =	vand.u32 $0xFFFF, v1  }
0x2b: {  	[tilespmem:$0x2870] =	vst v0;
	v0 =	vshrl.u32 v1, $0x10  }
0x2c: {  	[tilespmem:$0x2970] =	vst v0  }
0x2d: {  	[tilespmem:s13], [sflag:$0x1] =	stream.indirect.gather [hbm4b:s5+s11], $0x80, s12, s11, $0xb8;
	[tilespmem:$0x1EA00] =	vst v63  }
0x2e: {  	v0 =	vld [tilespmem:$0x80];
	_ =	sdelay $0x1  }
0x2f: {  	v1 =	vld [tilespmem:$0x90];
	_ =	sdelay $0x1  }
0x30: {  	v2 =	vld [tilespmem:$0xA0]  }
0x31: {  	v3 =	vand.u32 $0xFFFF, v0  }
0x32: {  	v0 =	vshrl.u32 v0, $0x10;
	[tilespmem:$0x2880] =	vst v3;
	v3 =	vld [tilespmem:$0xB0]  }
0x33: {  	[tilespmem:$0x2980] =	vst v0;
	v0 =	vand.u32 $0xFFFF, v1  }
0x34: {  	[tilespmem:$0x2890] =	vst v0;
	v0 =	vshrl.u32 v1, $0x10;
	v1 =	vld [tilespmem:$0xC0]  }
0x35: {  	[tilespmem:$0x2990] =	vst v0;
	v0 =	vand.u32 $0xFFFF, v2  }
0x36: {  	[tilespmem:$0x28A0] =	vst v0;
	v0 =	vshrl.u32 v2, $0x10;
	v2 =	vld [tilespmem:$0xD0]  }
0x37: {  	[tilespmem:$0x29A0] =	vst v0;
	v0 =	vand.u32 $0xFFFF, v3  }
0x38: {  	[tilespmem:$0x28B0] =	vst v0;
	v0 =	vshrl.u32 v3, $0x10;
	v3 =	vld [tilespmem:$0xE0]  }
0x39: {  	[tilespmem:$0x29B0] =	vst v0;
	v0 =	vand.u32 $0xFFFF, v1  }
0x3a: {  	[tilespmem:$0x28C0] =	vst v0;
	v0 =	vshrl.u32 v1, $0x10;
	v1 =	vld [tilespmem:$0xF0]  }
0x3b: {  	[tilespmem:$0x29C0] =	vst v0;
	v0 =	vand.u32 $0xFFFF, v2  }
0x3c: {  	[tilespmem:$0x28D0] =	vst v0;
	v0 =	vshrl.u32 v2, $0x10  }
0x3d: {  	[tilespmem:$0x29D0] =	vst v0;
	v0 =	vand.u32 $0xFFFF, v3  }
0x3e: {  	[tilespmem:$0x28E0] =	vst v0;
	v0 =	vshrl.u32 v3, $0x10  }
0x3f: {  	[tilespmem:$0x29E0] =	vst v0;
	v0 =	vand.u32 $0xFFFF, v1  }
0x40: {  	[tilespmem:$0x28F0] =	vst v0;
	v0 =	vshrl.u32 v1, $0x10  }
0x41: {  	[tilespmem:$0x29F0] =	vst v0  }
0x42: {  	[tilespmem:s15], [sflag:$0x2] =	stream.indirect.gather [hbm4b:s5+s11], $0x80, s14, s11, $0xb8;
	[tilespmem:$0x1EA00] =	vst v63  }
0x43: {  	_ =	swait.ge [sflag:s16], $0x4000  }
0x44: {  	[sflag:s16] =	ssyncset.done $0x0  }
0x45: {  	[sflag:s16] =	ssyncadd.s32 $0xFFFFC000  }
0x46: {  	[spmem:s3] =	stream.indirect.scatter.add.f32 [tilespmem:s13], [sflag:$0x3], $0x80, s17, s11, $0xb8;
	[tilespmem:$0x1EA00] =	vst v63  }
0x47: {  	_ =	swait.ge [sflag:s10], $0x4000  }
0x48: {  	[sflag:s10] =	ssyncset.done $0x0  }
0x49: {  	s22 =	simm.s32 $0x1F0;
	[sflag:s10] =	ssyncadd.s32 $0xFFFFC000  }
0x4a: {  	v0 =	vld [tilespmem:s22+$0xFFFFFF10];
	_ =	sdelay $0x4  }
0x4b: {  	v1 =	vand.u32 $0xFFFF, v0  }
0x4c: {  	v0 =	vshrl.u32 v0, $0x10;
	[tilespmem:$0x2800] =	vst v1  }
0x4d: {  	[tilespmem:$0x2900] =	vst v0  }
0x4e: {  	v0 =	vld [tilespmem:s22+$0xFFFFFF20];
	_ =	sdelay $0x4  }
0x4f: {  	v1 =	vand.u32 $0xFFFF, v0  }
0x50: {  	v0 =	vshrl.u32 v0, $0x10;
	[tilespmem:$0x2810] =	vst v1  }
0x51: {  	[tilespmem:$0x2910] =	vst v0  }
0x52: {  	v0 =	vld [tilespmem:s22+$0xFFFFFF30];
	_ =	sdelay $0x4  }
0x53: {  	v1 =	vand.u32 $0xFFFF, v0  }
0x54: {  	v0 =	vshrl.u32 v0, $0x10;
	[tilespmem:$0x2820] =	vst v1  }
0x55: {  	[tilespmem:$0x2920] =	vst v0  }
0x56: {  	v0 =	vld [tilespmem:s22+$0xFFFFFF40];
	_ =	sdelay $0x4  }
0x57: {  	v1 =	vand.u32 $0xFFFF, v0  }
0x58: {  	v0 =	vshrl.u32 v0, $0x10;
	[tilespmem:$0x2830] =	vst v1  }
0x59: {  	[tilespmem:$0x2930] =	vst v0  }
0x5a: {  	v0 =	vld [tilespmem:s22+$0xFFFFFF50];
	_ =	sdelay $0x4  }
0x5b: {  	v1 =	vand.u32 $0xFFFF, v0  }
0x5c: {  	v0 =	vshrl.u32 v0, $0x10;
	[tilespmem:$0x2840] =	vst v1  }
0x5d: {  	[tilespmem:$0x2940] =	vst v0  }
0x5e: {  	v0 =	vld [tilespmem:s22+$0xFFFFFF60];
	_ =	sdelay $0x4  }
0x5f: {  	v1 =	vand.u32 $0xFFFF, v0  }
0x60: {  	v0 =	vshrl.u32 v0, $0x10;
	[tilespmem:$0x2850] =	vst v1  }
0x61: {  	[tilespmem:$0x2950] =	vst v0  }
0x62: {  	v0 =	vld [tilespmem:s22+$0xFFFFFF70];
	_ =	sdelay $0x4  }
0x63: {  	v1 =	vand.u32 $0xFFFF, v0  }
0x64: {  	v0 =	vshrl.u32 v0, $0x10;
	[tilespmem:$0x2860] =	vst v1  }
0x65: {  	[tilespmem:$0x2960] =	vst v0  }
0x66: {  	v0 =	vld [tilespmem:s22+$0xFFFFFF80];
	_ =	sdelay $0x4  }
0x67: {  	v1 =	vand.u32 $0xFFFF, v0  }
0x68: {  	v0 =	vshrl.u32 v0, $0x10;
	[tilespmem:$0x2870] =	vst v1  }
0x69: {  	[tilespmem:$0x2970] =	vst v0  }
0x6a: {  	[tilespmem:s13], [sflag:$0x1] =	stream.indirect.gather [hbm4b:s5+s11], $0x80, s12, s11, $0xb8;
	[tilespmem:$0x1EA00] =	vst v63  }
0x6b: {  	_ =	swait.ge [sflag:s18], $0x4000  }
0x6c: {  	[sflag:s18] =	ssyncset.done $0x0  }
0x6d: {  	[sflag:s18] =	ssyncadd.s32 $0xFFFFC000  }
0x6e: {  	[spmem:s3] =	stream.indirect.scatter.add.f32 [tilespmem:s15], [sflag:$0x3], $0x80, s19, s11, $0xb8;
	[tilespmem:$0x1EA00] =	vst v63  }
0x6f: {  	_ =	swait.ge [sflag:s10], $0x4000  }
0x70: {  	[sflag:s10] =	ssyncset.done $0x0  }
0x71: {  	[sflag:s10] =	ssyncadd.s32 $0xFFFFC000  }
0x72: {  	v0 =	vld [tilespmem:s22+$0xFFFFFF90];
	_ =	sdelay $0x4  }
0x73: {  	v1 =	vand.u32 $0xFFFF, v0  }
0x74: {  	v0 =	vshrl.u32 v0, $0x10;
	[tilespmem:$0x2880] =	vst v1  }
0x75: {  	[tilespmem:$0x2980] =	vst v0  }
0x76: {  	v0 =	vld [tilespmem:s22+$0xFFFFFFA0];
	_ =	sdelay $0x4  }
0x77: {  	v1 =	vand.u32 $0xFFFF, v0  }
0x78: {  	v0 =	vshrl.u32 v0, $0x10;
	[tilespmem:$0x2890] =	vst v1  }
0x79: {  	[tilespmem:$0x2990] =	vst v0  }
0x7a: {  	v0 =	vld [tilespmem:s22+$0xFFFFFFB0];
	_ =	sdelay $0x4  }
0x7b: {  	v1 =	vand.u32 $0xFFFF, v0  }
0x7c: {  	v0 =	vshrl.u32 v0, $0x10;
	[tilespmem:$0x28A0] =	vst v1  }
0x7d: {  	[tilespmem:$0x29A0] =	vst v0  }
0x7e: {  	v0 =	vld [tilespmem:s22+$0xFFFFFFC0];
	_ =	sdelay $0x4  }
0x7f: {  	v1 =	vand.u32 $0xFFFF, v0  }
0x80: {  	v0 =	vshrl.u32 v0, $0x10;
	[tilespmem:$0x28B0] =	vst v1  }
0x81: {  	[tilespmem:$0x29B0] =	vst v0  }
0x82: {  	v0 =	vld [tilespmem:s22+$0xFFFFFFD0];
	_ =	sdelay $0x4  }
0x83: {  	v1 =	vand.u32 $0xFFFF, v0  }
0x84: {  	v0 =	vshrl.u32 v0, $0x10;
	[tilespmem:$0x28C0] =	vst v1  }
0x85: {  	[tilespmem:$0x29C0] =	vst v0  }
0x86: {  	v0 =	vld [tilespmem:s22+$0xFFFFFFE0];
	_ =	sdelay $0x4  }
0x87: {  	v1 =	vand.u32 $0xFFFF, v0  }
0x88: {  	v0 =	vshrl.u32 v0, $0x10;
	[tilespmem:$0x28D0] =	vst v1  }
0x89: {  	[tilespmem:$0x29D0] =	vst v0  }
0x8a: {  	v0 =	vld [tilespmem:s22+$0xFFFFFFF0];
	_ =	sdelay $0x4  }
0x8b: {  	v1 =	vand.u32 $0xFFFF, v0  }
0x8c: {  	s23 =	simm.s32 $0xBC0;
	v0 =	vshrl.u32 v0, $0x10;
	[tilespmem:$0x28E0] =	vst v1  }
.LBB2_2:
0x8d: {  	p0 =	sne.s32 s23, $0x9FC0;
	[tilespmem:$0x29E0] =	vst v0;
	s24 =	smov.u32 s23;
	s23 =	sadd.s32 $0x400, s23  }
0x8e: {  	v0 =	vld [tilespmem:s22+$0x0];
	_ =	sdelay $0x4  }
0x8f: {  	v1 =	vand.u32 $0xFFFF, v0;
	v0 =	vshrl.u32 v0, $0x10  }
0x90: {  	[tilespmem:$0x28F0] =	vst v1  }
0x91: {  	[tilespmem:$0x29F0] =	vst v0  }
0x92: {  	[tilespmem:s15], [sflag:$0x2] =	stream.indirect.gather [hbm4b:s5+s11], $0x80, s14, s11, $0xb8;
	[tilespmem:$0x1EA00] =	vst v63  }
0x93: {  	_ =	swait.ge [sflag:s16], $0x4000  }
0x94: {  	[sflag:s16] =	ssyncset.done $0x0  }
0x95: {  	[sflag:s16] =	ssyncadd.s32 $0xFFFFC000  }
0x96: {  	[spmem:s3] =	stream.indirect.scatter.add.f32 [tilespmem:s13], [sflag:$0x3], $0x80, s17, s11, $0xb8;
	[tilespmem:$0x1EA00] =	vst v63  }
0x97: {  	_ =	swait.ge [sflag:s10], $0x4000  }
0x98: {  	[sflag:s10] =	ssyncset.done $0x0  }
0x99: {  	s22 =	sshra.s32 s24, $0x2;
	[sflag:s10] =	ssyncadd.s32 $0xFFFFC000  }
0x9a: {  	v0 =	vld [tilespmem:s22+$0xFFFFFF10];
	_ =	sdelay $0x4  }
0x9b: {  	v1 =	vand.u32 $0xFFFF, v0;
	v0 =	vshrl.u32 v0, $0x10  }
0x9c: {  	[tilespmem:$0x2800] =	vst v1  }
0x9d: {  	[tilespmem:$0x2900] =	vst v0  }
0x9e: {  	v0 =	vld [tilespmem:s22+$0xFFFFFF20];
	_ =	sdelay $0x4  }
0x9f: {  	v1 =	vand.u32 $0xFFFF, v0;
	v0 =	vshrl.u32 v0, $0x10  }
0xa0: {  	[tilespmem:$0x2810] =	vst v1  }
0xa1: {  	[tilespmem:$0x2910] =	vst v0  }
0xa2: {  	v0 =	vld [tilespmem:s22+$0xFFFFFF30];
	_ =	sdelay $0x4  }
0xa3: {  	v1 =	vand.u32 $0xFFFF, v0;
	v0 =	vshrl.u32 v0, $0x10  }
0xa4: {  	[tilespmem:$0x2820] =	vst v1  }
0xa5: {  	[tilespmem:$0x2920] =	vst v0  }
0xa6: {  	v0 =	vld [tilespmem:s22+$0xFFFFFF40];
	_ =	sdelay $0x4  }
0xa7: {  	v1 =	vand.u32 $0xFFFF, v0;
	v0 =	vshrl.u32 v0, $0x10  }
0xa8: {  	[tilespmem:$0x2830] =	vst v1  }
0xa9: {  	[tilespmem:$0x2930] =	vst v0  }
0xaa: {  	v0 =	vld [tilespmem:s22+$0xFFFFFF50];
	_ =	sdelay $0x4  }
0xab: {  	v1 =	vand.u32 $0xFFFF, v0;
	v0 =	vshrl.u32 v0, $0x10  }
0xac: {  	[tilespmem:$0x2840] =	vst v1  }
0xad: {  	[tilespmem:$0x2940] =	vst v0  }
0xae: {  	v0 =	vld [tilespmem:s22+$0xFFFFFF60];
	_ =	sdelay $0x4  }
0xaf: {  	v1 =	vand.u32 $0xFFFF, v0;
	v0 =	vshrl.u32 v0, $0x10  }
0xb0: {  	[tilespmem:$0x2850] =	vst v1  }
0xb1: {  	[tilespmem:$0x2950] =	vst v0  }
0xb2: {  	v0 =	vld [tilespmem:s22+$0xFFFFFF70];
	_ =	sdelay $0x4  }
0xb3: {  	v1 =	vand.u32 $0xFFFF, v0;
	v0 =	vshrl.u32 v0, $0x10  }
0xb4: {  	[tilespmem:$0x2860] =	vst v1  }
0xb5: {  	[tilespmem:$0x2960] =	vst v0  }
0xb6: {  	v0 =	vld [tilespmem:s22+$0xFFFFFF80];
	_ =	sdelay $0x4  }
0xb7: {  	v1 =	vand.u32 $0xFFFF, v0;
	v0 =	vshrl.u32 v0, $0x10  }
0xb8: {  	[tilespmem:$0x2870] =	vst v1  }
0xb9: {  	[tilespmem:$0x2970] =	vst v0  }
0xba: {  	[tilespmem:s13], [sflag:$0x1] =	stream.indirect.gather [hbm4b:s5+s11], $0x80, s12, s11, $0xb8;
	[tilespmem:$0x1EA00] =	vst v63  }
0xbb: {  	_ =	swait.ge [sflag:s18], $0x4000  }
0xbc: {  	[sflag:s18] =	ssyncset.done $0x0  }
0xbd: {  	[sflag:s18] =	ssyncadd.s32 $0xFFFFC000  }
0xbe: {  	[spmem:s3] =	stream.indirect.scatter.add.f32 [tilespmem:s15], [sflag:$0x3], $0x80, s19, s11, $0xb8;
	[tilespmem:$0x1EA00] =	vst v63  }
0xbf: {  	_ =	swait.ge [sflag:s10], $0x4000  }
0xc0: {  	[sflag:s10] =	ssyncset.done $0x0  }
0xc1: {  	[sflag:s10] =	ssyncadd.s32 $0xFFFFC000  }
0xc2: {  	v0 =	vld [tilespmem:s22+$0xFFFFFF90];
	_ =	sdelay $0x4  }
0xc3: {  	v1 =	vand.u32 $0xFFFF, v0;
	v0 =	vshrl.u32 v0, $0x10  }
0xc4: {  	[tilespmem:$0x2880] =	vst v1  }
0xc5: {  	[tilespmem:$0x2980] =	vst v0  }
0xc6: {  	v0 =	vld [tilespmem:s22+$0xFFFFFFA0];
	_ =	sdelay $0x4  }
0xc7: {  	v1 =	vand.u32 $0xFFFF, v0;
	v0 =	vshrl.u32 v0, $0x10  }
0xc8: {  	[tilespmem:$0x2890] =	vst v1  }
0xc9: {  	[tilespmem:$0x2990] =	vst v0  }
0xca: {  	v0 =	vld [tilespmem:s22+$0xFFFFFFB0];
	_ =	sdelay $0x4  }
0xcb: {  	v1 =	vand.u32 $0xFFFF, v0;
	v0 =	vshrl.u32 v0, $0x10  }
0xcc: {  	[tilespmem:$0x28A0] =	vst v1  }
0xcd: {  	[tilespmem:$0x29A0] =	vst v0  }
0xce: {  	v0 =	vld [tilespmem:s22+$0xFFFFFFC0];
	_ =	sdelay $0x4  }
0xcf: {  	v1 =	vand.u32 $0xFFFF, v0;
	v0 =	vshrl.u32 v0, $0x10  }
0xd0: {  	[tilespmem:$0x28B0] =	vst v1  }
0xd1: {  	[tilespmem:$0x29B0] =	vst v0  }
0xd2: {  	v0 =	vld [tilespmem:s22+$0xFFFFFFD0];
	_ =	sdelay $0x4  }
0xd3: {  	v1 =	vand.u32 $0xFFFF, v0;
	v0 =	vshrl.u32 v0, $0x10  }
0xd4: {  	[tilespmem:$0x28C0] =	vst v1  }
0xd5: {  	[tilespmem:$0x29C0] =	vst v0  }
0xd6: {  	v0 =	vld [tilespmem:s22+$0xFFFFFFE0];
	_ =	sdelay $0x4  }
0xd7: {  	v1 =	vand.u32 $0xFFFF, v0;
	v0 =	vshrl.u32 v0, $0x10  }
0xd8: {  	[tilespmem:$0x28D0] =	vst v1  }
0xd9: {  	[tilespmem:$0x29D0] =	vst v0  }
0xda: {  	v0 =	vld [tilespmem:s22+$0xFFFFFFF0];
	_ =	sdelay $0x1  }
.Ltmp0:
0xdb: {  	(pc) =	sbr.rel @p0 .LBB2_2-.Ltmp0, $3  }
0xdc: {  	_ =	sdelay $0x1  }
0xdd: {  	v1 =	vand.u32 $0xFFFF, v0;
	v0 =	vshrl.u32 v0, $0x10  }
0xde: {  	[tilespmem:$0x28E0] =	vst v1  }
0xdf: {  	[tilespmem:$0x29E0] =	vst v0  }
0xe0: {  	v0 =	vld [tilespmem:s22+$0x0];
	_ =	sdelay $0x4  }
0xe1: {  	v1 =	vand.u32 $0xFFFF, v0  }
0xe2: {  	v0 =	vshrl.u32 v0, $0x10;
	[tilespmem:$0x28F0] =	vst v1  }
0xe3: {  	[tilespmem:$0x29F0] =	vst v0  }
0xe4: {  	[tilespmem:s15], [sflag:$0x2] =	stream.indirect.gather [hbm4b:s5+s11], $0x80, s14, s11, $0xb8;
	[tilespmem:$0x1EA00] =	vst v63  }
0xe5: {  	_ =	swait.ge [sflag:s16], $0x4000  }
0xe6: {  	[sflag:s16] =	ssyncset.done $0x0  }
0xe7: {  	[sflag:s16] =	ssyncadd.s32 $0xFFFFC000  }
0xe8: {  	[spmem:s3] =	stream.indirect.scatter.add.f32 [tilespmem:s13], [sflag:$0x3], $0x80, s17, s11, $0xb8;
	[tilespmem:$0x1EA00] =	vst v63  }
0xe9: {  	_ =	swait.ge [sflag:s10], $0x4000  }
0xea: {  	[sflag:s10] =	ssyncset.done $0x0  }
0xeb: {  	[sflag:s10] =	ssyncadd.s32 $0xFFFFC000  }
0xec: {  	_ =	swait.ge [sflag:s18], $0x4000  }
0xed: {  	[sflag:s18] =	ssyncset.done $0x0  }
0xee: {  	[sflag:s18] =	ssyncadd.s32 $0xFFFFC000  }
0xef: {  	[spmem:s3] =	stream.indirect.scatter.add.f32 [tilespmem:s15], [sflag:$0x3], $0x80, s19, s11, $0xb8;
	[tilespmem:$0x1EA00] =	vst v63  }
0xf0: {  	_ =	swait.ge [sflag:s10], $0x4000  }
0xf1: {  	s21 =	sadd.s32 $0x1, s21;
	[sflag:s10] =	ssyncset.done $0x0  }
0xf2: {  	p0 =	sne.s32 s21, s8;
	[sflag:s10] =	ssyncadd.s32 $0xFFFFC000  }
.Ltmp1:
0xf3: {  	[bflag:$0x0] =	sbarrier.arrive $0xFFFF;
	(pc) =	sbr.rel @p0 .LBB2_1-.Ltmp1, $4  }
0xf4: {  	[hbm:s20], [sflag:s6] =	dma.local [spmem:s9], $0x2800  }
0xf5: {  	_ =	swait.ge [sflag:s10], $0x2800  }
0xf6: {  	[sflag:s10] =	ssyncset.done $0x0  }
0xf7: {  	[sflag:s10] =	ssyncadd.s32 $0xFFFFD800  }
0xf8: {  	_ =	sfence.sel $0x180000  }
0xf9: {  	[bflag:$0x0] =	sbarrier.arrive $0xFFFF  }
0xfa: {  	p0 =	sne.s32 s0, $0x0;
	_ =	strace $0x9000004A  }
0xfb: {  	s0 =	sadd.s32 @!p0 $0x100000, s1;
	[bflag:$0x2] =	sbarrier.arrive $0xFFFF  }
0xfc: {  	[sflag:s0] =	ssyncadd.tile.s32 @!p0 $0x1;
	_ =	shalt  }
.Lfunc_end2:
_tile_overlayer_lowered:
.L_overlay_start_2:
0xfd: {  	(tag) =	ssettag $0x2  }
0xfe: {  	s0 =	rddreg [dreg:$0x0];
	s2 =	stileid.u32  }
0xff: {  	s1 =	rddreg [dreg:$0x1];
	p0 =	sne.s32 s2, $0x0  }
0x100: {  	s3 =	rddreg [dreg:$0x2];
	[bflag:$0x3] =	sbarrier.arrive $0xFFFF;
	s2 =	simm.s32 @!p0 $0x1C03  }
0x101: {  	[timem:s3], [sflag:s2] =	dma.local @!p0 [hbm:s0], s1  }
0x102: {  	s0 =	simm.s32 @!p0 $0x3  }
0x103: {  	_ =	swait.ge @!p0 [sflag:s0], s1  }
0x104: {  	s1 =	ssub.s32 @!p0 $0x0, s1;
	[sflag:s0] =	ssyncset.done @!p0 $0x0  }
0x105: {  	[sflag:s0] =	ssyncadd.s32 @!p0 s1  }
0x106: {  	[bflag:$0x3] =	sbarrier.arrive $0xFFFF  }
0x107: {  	_ =	shalt  }

// kernel: kernel.14.cloned.1.call-start
scs
__scs_entry_jumppad:
0x0: {  	(pc) =	sbr.rel $0x88, $3  }
0x1: {  	(tag) =	ssettag $0x0;
	lr =	simm.s32 $0x1  }
0x2: {  	[smem:$0x3F99] =	sst lr;
	_ =	strace $0xD0000000  }
0x3: {  	_ = 	snop  }
0x4: {  	_ = 	snop  }
0x5: {  	_ = 	snop  }
0x6: {  	_ = 	snop  }
0x7: {  	_ = 	snop  }
__scs_overlays_trampoline_lowered:
0x8: {  	[smem:$0x3FA8] =	sst s0  }
0x9: {  	[smem:$0x3FA9] =	sst s1  }
0xa: {  	[smem:$0x3FAA] =	sst s2  }
0xb: {  	[smem:$0x3FAB] =	sst s3  }
0xc: {  	[smem:$0x3FAC] =	sst s4  }
0xd: {  	[smem:$0x3FAD] =	sst s5  }
0xe: {  	[smem:$0x3FAE] =	sst s6  }
0xf: {  	[smem:$0x3FAF] =	sst s7  }
0x10: {  	[smem:$0x3FB0] =	sst s8  }
0x11: {  	[smem:$0x3FB1] =	sst s9;
	s0 =	simm.s32 @!p0 $0x0  }
0x12: {  	s1 =	sld [smem:$0x3F97];
	s0 =	simm.s32 @p0 $0x1  }
0x13: {  	[smem:$0x3FB2] =	sst s0;
	s0 =	simm.s32 @!p1 $0x0  }
0x14: {  	s2 =	sld [smem:$0x3F96];
	s0 =	simm.s32 @p1 $0x1  }
0x15: {  	[smem:$0x3FB3] =	sst s0;
	s0 =	simm.s32 @!p2 $0x0  }
0x16: {  	s3 =	sld [smem:$0x3FDB];
	s0 =	simm.s32 @p2 $0x1  }
0x17: {  	s4 =	simm.s32 $0x1BF5;
	[smem:$0x3FB5] =	sst s0  }
0x18: {  	s0 =	sld [smem:$0x3F98];
	_ =	swait.ge [sflag:s4], $0x0  }
0x19: {  	s7 =	sld [smem:$0x3F99]  }
0x1a: {  	s8 =	sadd.s32 $0xFFFFE003, lr  }
0x1b: {  	s9 =	sadd.s32 $0xFFFFFEF7, lr;
	s5 =	simm.s32 $0xFFFFFFFF;
	p2 =	slt.u32 s8, $0xFFFFF086  }
0x1c: {  	p1 =	slt.u32 s9, $0xF7A;
	s5 =	simm.s32 @!p2 $0x0  }
0x1d: {  	s5 =	simm.s32 @p1 $0x1;
	p0 =	seq.s32 s7, s2  }
0x1e: {  	s7 =	smul.u32 @!p0 $0xF7A, s2;
	p2 =	seq.s32 @!p0 s5, $0x0  }
0x1f: {  	s9 =	smul.u32 $0xF7A, s1;
	s8 =	simm.s32 @!p0 $0x1BF5;
	p2 =	por !p2, p0  }
0x20: {  	[sflag:s8] =	ssyncset.s32 @!p0 $0xFFFFF086;
	s6 =	sadd.s32 @!p0 s3, s7;
	s7 =	simm.s32 @!p0 $0x108  }
0x21: {  	s3 =	sadd.s32 s3, s9;
	s6 =	sadd.s32 @!p0 $0x88, s6;
	s7 =	simm.s32 @p2 $0x1082  }
0x22: {  	[simem:s7], [sflag:s8] =	dma.local @!p0 [hbm:s6], $0xF7A  }
0x23: {  	s9 =	sor.u32 $0xD0000000, s2;
	s6 =	simm.s32 $0x108;
	_ =	swait.ge @!p0 [sflag:s8], $0x0  }
0x24: {  	s3 =	sadd.s32 $0x88, s3;
	s6 =	simm.s32 @!p1 $0x1082;
	[sflag:s4] =	ssyncset.s32 $0xFFFFF086  }
0x25: {  	[simem:s6], [sflag:s4] =	dma.local [hbm:s3], $0xF7A  }
0x26: {  	[smem:$0x3F99] =	sst s1;
	(tag) =	ssettag s2;
	_ =	strace s9  }
0x27: {  	s1 =	sld [smem:$0x3FA9]  }
0x28: {  	s2 =	sld [smem:$0x3FAA]  }
0x29: {  	s4 =	sld [smem:$0x3FAC]  }
0x2a: {  	p0 =	seq.s32 s5, $0x0;
	s5 =	sld [smem:$0x3FAD]  }
0x2b: {  	s6 =	sld [smem:$0x3FAE]  }
0x2c: {  	s7 =	sld [smem:$0x3FAF]  }
0x2d: {  	s3 =	simm.s32 $0x108;
	s8 =	sld [smem:$0x3FB0]  }
0x2e: {  	s3 =	simm.s32 @!p0 $0x1082;
	s9 =	sld [smem:$0x3FB1]  }
0x2f: {  	lr =	sadd.s32 s0, s3;
	s0 =	sld [smem:$0x3FA8]  }
0x30: {  	s3 =	sld [smem:$0x3FAB]  }
0x31: {  	[smem:$0x3FB4] =	sst s10  }
0x32: {  	s10 =	sld [smem:$0x3FB2];
	_ =	sdelay $0x3  }
0x33: {  	p0 =	seq.s32 s10, $0x1;
	s10 =	sld [smem:$0x3FB4];
	_ =	sdelay $0x3  }
0x34: {  	[smem:$0x3FB4] =	sst s10  }
0x35: {  	s10 =	sld [smem:$0x3FB3];
	_ =	sdelay $0x3  }
0x36: {  	p1 =	seq.s32 s10, $0x1;
	s10 =	sld [smem:$0x3FB4];
	_ =	sdelay $0x3  }
0x37: {  	[smem:$0x3FB4] =	sst s10  }
0x38: {  	s10 =	sld [smem:$0x3FB5]  }
0x39: {  	_ = 	snop;
	(pc) =	sbr.ind lr, $3  }
0x3a: {  	_ = 	snop  }
0x3b: {  	_ = 	snop  }
0x3c: {  	p2 =	seq.s32 s10, $0x1;
	s10 =	sld [smem:$0x3FB4]  }
0x3d: {  	_ =	shalt  }
0x3e: {  	_ =	shalt  }
0x3f: {  	_ =	shalt  }
0x40: {  	_ =	shalt  }
0x41: {  	_ =	shalt  }
0x42: {  	_ =	shalt  }
0x43: {  	_ =	shalt  }
0x44: {  	_ =	shalt  }
0x45: {  	_ =	shalt  }
0x46: {  	_ =	shalt  }
0x47: {  	_ =	shalt  }
0x48: {  	_ =	shalt  }
0x49: {  	_ =	shalt  }
0x4a: {  	_ =	shalt  }
0x4b: {  	_ =	shalt  }
0x4c: {  	_ =	shalt  }
0x4d: {  	_ =	shalt  }
0x4e: {  	_ =	shalt  }
0x4f: {  	_ =	shalt  }
0x50: {  	_ =	shalt  }
0x51: {  	_ =	shalt  }
0x52: {  	_ =	shalt  }
0x53: {  	_ =	shalt  }
0x54: {  	_ =	shalt  }
0x55: {  	_ =	shalt  }
0x56: {  	_ =	shalt  }
0x57: {  	_ =	shalt  }
0x58: {  	_ =	shalt  }
0x59: {  	_ =	shalt  }
0x5a: {  	_ =	shalt  }
0x5b: {  	_ =	shalt  }
0x5c: {  	_ =	shalt  }
0x5d: {  	_ =	shalt  }
0x5e: {  	_ =	shalt  }
0x5f: {  	_ =	shalt  }
0x60: {  	_ =	shalt  }
0x61: {  	_ =	shalt  }
0x62: {  	_ =	shalt  }
0x63: {  	_ =	shalt  }
0x64: {  	_ =	shalt  }
0x65: {  	_ =	shalt  }
0x66: {  	_ =	shalt  }
0x67: {  	_ =	shalt  }
0x68: {  	_ =	shalt  }
0x69: {  	_ =	shalt  }
0x6a: {  	_ =	shalt  }
0x6b: {  	_ =	shalt  }
0x6c: {  	_ =	shalt  }
0x6d: {  	_ =	shalt  }
0x6e: {  	_ =	shalt  }
0x6f: {  	_ =	shalt  }
0x70: {  	_ =	shalt  }
0x71: {  	_ =	shalt  }
0x72: {  	_ =	shalt  }
0x73: {  	_ =	shalt  }
0x74: {  	_ =	shalt  }
0x75: {  	_ =	shalt  }
0x76: {  	_ =	shalt  }
0x77: {  	_ =	shalt  }
0x78: {  	_ =	shalt  }
0x79: {  	_ =	shalt  }
0x7a: {  	_ =	shalt  }
0x7b: {  	_ =	shalt  }
0x7c: {  	_ =	shalt  }
0x7d: {  	_ =	shalt  }
0x7e: {  	_ =	shalt  }
0x7f: {  	_ =	shalt  }
0x80: {  	_ =	shalt  }
0x81: {  	_ =	shalt  }
0x82: {  	_ =	shalt  }
0x83: {  	_ =	shalt  }
0x84: {  	_ =	shalt  }
0x85: {  	_ =	shalt  }
0x86: {  	_ =	shalt  }
0x87: {  	_ =	shalt  }
.Lfunc_end0:
.L_simem_size_0:
called_computation.2_lowered:
.L_overlay_start_0:
0x88: {  	s2 =	sld [smem:$0x3FD9]  }
0x89: {  	s3 =	sld [smem:$0x3FFE];
	_ =	sdelay $0x1  }
0x8a: {  	s1 =	srdreg.scid  }
0x8b: {  	s0 =	sand.u32 $0x1, s1  }
0x8c: {  	s17 =	sshll.u32 s0, $0xA;
	s2 =	sadd.s32 s3, s2  }
0x8d: {  	s2 =	sadd.s32 s2, s17  }
0x8e: {  	[smem:$0x3FC0] =	sst s2  }
0x8f: {  	_ = 	snop  }
0x90: {  	s2 =	sld [smem:$0x3FD0];
	(tm) =	ssettm $0x1  }
0x91: {  	s18 =	sld [smem:$0x3FFB];
	_ =	sdelay $0x3  }
0x92: {  	_ =	strace s18  }
0x93: {  	s3 =	sld [smem:$0x3FFC];
	_ =	sdelay $0x3  }
0x94: {  	_ =	strace s3  }
0x95: {  	s3 =	sld [smem:$0x3FFD];
	_ =	sdelay $0x3  }
0x96: {  	_ =	strace s3  }
0x97: {  	_ =	strace $0x8FFFFFFF  }
0x98: {  	s19 =	sld [smem:$0x3FDB];
	_ =	sdelay $0x1  }
0x99: {  	s4 =	simm.s32 $_scs_section_size  }
0x9a: {  	s5 =	simm.s32 $_size__tile_overlayer_lowered;
	s6 =	simm.s32 $_tile_overlayer_lowered  }
0x9b: {  	s22 =	simm.s32 $0x1BFF;
	s21 =	sshll.u32 s6, $0x1;
	s3 =	sadd.s32 s4, s19  }
0x9c: {  	s7 =	simm.s32 $0x0;
	s20 =	sshll.u32 s5, $0x1;
	s5 =	sadd.s32 s21, s3  }
0x9d: {  	[timem:s7], [sflag:s22] =	dma.local [hbm:s5], s20  }
0x9e: {  	_ =	swait.ge [sflag:s22], s20  }
0x9f: {  	s4 =	ssub.s32 $0x0, s20;
	[sflag:s22] =	ssyncset.done $0x0  }
0xa0: {  	[sflag:s22] =	ssyncadd.s32 s4;
	_ =	sdelay $0x1  }
0xa1: {  	s23 =	simm.s32 $0x1B8B  }
0xa2: {  	_ =	swait.ge [sflag:s23], $0x1  }
0xa3: {  	[sflag:s23] =	ssyncset.done $0x0  }
0xa4: {  	s25 =	simm.s32 $0x1B8E;
	s24 =	sld [smem:$0x3FFE];
	[sflag:s23] =	ssyncadd.s32 $0xFFFFFFFF  }
0xa5: {  	s26 =	simm.s32 $execute0_lowered;
	[smem:$0x3FD2] =	sst s25  }
0xa6: {  	s5 =	sshll.u32 s26, $0x1;
	_ =	strace $0x8000004C;
	[dreg:$0x1] =	wrdreg $0xFFFFFFFF  }
0xa7: {  	s28 =	simm.s32 $_size_execute0_lowered;
	s3 =	sadd.s32 s3, s5;
	[dreg:$0x0] =	wrdreg $0x0  }
0xa8: {  	s5 =	sshll.u32 s28, $0x1;
	[dreg:$0x2] =	wrdreg s3  }
0xa9: {  	[dreg:$0x3] =	wrdreg s5  }
0xaa: {  	[dreg:$0x4] =	wrdreg $0xC0  }
0xab: {  	_ =	task [dreg:s7], $0x5FFFF  }
0xac: {  	[dreg:$0x1] =	wrdreg $0xFFFFFFFF  }
0xad: {  	[dreg:$0x0] =	wrdreg $0x60  }
0xae: {  	[dreg:$0x2] =	wrdreg s24  }
0xaf: {  	[dreg:$0x3] =	wrdreg s2  }
0xb0: {  	[dreg:$0x4] =	wrdreg $0xAA000  }
0xb1: {  	[dreg:$0x5] =	wrdreg $0x9  }
0xb2: {  	_ =	task.clear_ibuf [dreg:s7], $0x6FFFF;
	_ =	strace $0x9000004C  }
0xb3: {  	s29 =	simm.s32 $0x9;
	_ =	strace $0x8000004E  }
0xb4: {  	_ =	swait.ge [sflag:s29], $0x1  }
0xb5: {  	[sflag:s29] =	ssyncadd.s32 $0xFFFFFFFF  }
0xb6: {  	_ =	strace $0x9000004E  }
0xb7: {  	_ =	sfence  }
0xb8: {  	s30 =	sld [smem:$0x0];
	_ =	sdelay $0x2  }
0xb9: {  	s31 =	sshll.u32 s1, $0xD;
	s1 =	sshrl.u32 s1, $0x2  }
0xba: {  	s3 =	sand.u32 $0x4000, s31;
	s1 =	sadd.s32 s1, s30  }
0xbb: {  	s0 =	sor.u32 s3, s0;
	s1 =	sshll.u32 s1, $0x11  }
0xbc: {  	s0 =	sor.u32 s1, s0  }
0xbd: {  	s0 =	sadd.s32 $0x8F2B, s0  }
0xbe: {  	[sflag:s0] =	ssyncadd.remote.s32 $0x1  }
0xbf: {  	_ =	sfence.sel $0xFFFF  }
0xc0: {  	[dreg:$0x0] =	wrdreg $0xFFFFFFFF;
	(pc) =	sbr.abs _section_cstart, $3  }
0xc1: {  	[dreg:$0x1] =	wrdreg $0xFFFFFFFF  }
0xc2: {  	_ =	task.clear_ibuf [dreg:s7], $0x2FFFF;
	_ =	strace $0x9FFFFFFF  }
0xc3: {  	(tm) =	ssettm $0x7FFFFFFF  }
tec
execute0_lowered:
.L_overlay_start_1:
0x0: {  	(tag) =	ssettag $0x1  }
0x1: {  	s6 =	rddreg [dreg:$0x0]  }
0x2: {  	s0 =	srdreg.scid;
	s2 =	rddreg [dreg:$0x1]  }
0x3: {  	s3 =	rddreg [dreg:$0x2];
	s4 =	simm.s32 $0x0;
	s12 =	simm.s32 $0x2800  }
0x4: {  	s13 =	simm.s32 $0x2A00;
	s14 =	simm.s32 $0x2880;
	s15 =	simm.s32 $0x6A00  }
0x5: {  	s16 =	simm.s32 $0x1;
	s17 =	simm.s32 $0x2900;
	s18 =	simm.s32 $0x2  }
0x6: {  	s19 =	simm.s32 $0x2980;
	s7 =	sand.u32 $0x1, s0;
	s0 =	stileid.u32  }
0x7: {  	[smem:$0x7FF] =	sst s4;
	s1 =	sshll.u32 s7, $0x4;
	s9 =	smul.u32 $0x28000, s7  }
0x8: {  	s10 =	smul.u32 $0x50000, s0;
	s7 =	ssub.s32 $0x2, s7;
	s31 =	sshll.u32 s0, $0x6  }
0x9: {  	s21 =	smul.u32 $0x2800, s0;
	s5 =	sor.u32 s0, s1;
	s1 =	rddreg [dreg:$0x3]  }
0xa: {  	_ =	strace $0x8000004D;
	s30 =	sshrl.u32 s7, $0x1;
	s8 =	smul.u32 $0x500, s5  }
0xb: {  	s5 =	sadd.s32 $0xE000, s6;
	s9 =	sadd.s32 s9, s6;
	s10 =	sshrl.u32 s10, $0x2  }
0xc: {  	s11 =	ssub.s32 s7, s30;
	s10 =	sadd.s32 s10, s3;
	s20 =	sadd.s32 $0x5C400, s9  }
0xd: {  	s8 =	sadd.s32 s8, s6;
	s6 =	sor.u32 $0x1C03, s31;
	s9 =	sshrl.u32 s10, $0x3  }
0xe: {  	s10 =	simm.s32 $0x3;
	s20 =	sadd.s32 s21, s20;
	s21 =	simm.s32 $0x0  }
0xf: {  	s7 =	sadd.s32 $0x4000, s8;
	s8 =	smax.u32 s11, $0x1;
	s11 =	simm.s32 $0x80  }
.LBB2_1:
0x10: {  	[spmem:s9], [sflag:s6] =	dma.local [hbm:s2], $0x2800  }
0x11: {  	_ =	swait.ge [sflag:s10], $0x2800  }
0x12: {  	[sflag:s10] =	ssyncset.done $0x0  }
0x13: {  	[sflag:s10] =	ssyncadd.s32 $0xFFFFD800  }
0x14: {  	[bflag:$0x0] =	sbarrier.arrive $0xFFFF  }
0x15: {  	[tilespmem:s4], [sflag:$0x3] =	stream.linear.gather [hbm4b:s7+s4], $0x2800, $0x38;
	[tilespmem:$0x1EA00] =	vst v63  }
0x16: {  	_ =	swait.ge [sflag:s10], $0x2800  }
0x17: {  	[sflag:s10] =	ssyncset.done $0x0  }
0x18: {  	[sflag:s10] =	ssyncadd.s32 $0xFFFFD800  }
0x19: {  	v0 =	vld [tilespmem:$0x0];
	_ =	sdelay $0x1  }
0x1a: {  	v1 =	vld [tilespmem:$0x10];
	_ =	sdelay $0x1  }
0x1b: {  	v2 =	vld [tilespmem:$0x20]  }
0x1c: {  	v3 =	vand.u32 $0xFFFF, v0  }
0x1d: {  	v0 =	vshrl.u32 v0, $0x10;
	[tilespmem:$0x2800] =	vst v3;
	v3 =	vld [tilespmem:$0x30]  }
0x1e: {  	[tilespmem:$0x2900] =	vst v0;
	v0 =	vand.u32 $0xFFFF, v1  }
0x1f: {  	[tilespmem:$0x2810] =	vst v0;
	v0 =	vshrl.u32 v1, $0x10;
	v1 =	vld [tilespmem:$0x40]  }
0x20: {  	[tilespmem:$0x2910] =	vst v0;
	v0 =	vand.u32 $0xFFFF, v2  }
0x21: {  	[tilespmem:$0x2820] =	vst v0;
	v0 =	vshrl.u32 v2, $0x10;
	v2 =	vld [tilespmem:$0x50]  }
0x22: {  	[tilespmem:$0x2920] =	vst v0;
	v0 =	vand.u32 $0xFFFF, v3  }
0x23: {  	[tilespmem:$0x2830] =	vst v0;
	v0 =	vshrl.u32 v3, $0x10;
	v3 =	vld [tilespmem:$0x60]  }
0x24: {  	[tilespmem:$0x2930] =	vst v0;
	v0 =	vand.u32 $0xFFFF, v1  }
0x25: {  	[tilespmem:$0x2840] =	vst v0;
	v0 =	vshrl.u32 v1, $0x10;
	v1 =	vld [tilespmem:$0x70]  }
0x26: {  	[tilespmem:$0x2940] =	vst v0;
	v0 =	vand.u32 $0xFFFF, v2  }
0x27: {  	[tilespmem:$0x2850] =	vst v0;
	v0 =	vshrl.u32 v2, $0x10  }
0x28: {  	[tilespmem:$0x2950] =	vst v0;
	v0 =	vand.u32 $0xFFFF, v3  }
0x29: {  	[tilespmem:$0x2860] =	vst v0;
	v0 =	vshrl.u32 v3, $0x10  }
0x2a: {  	[tilespmem:$0x2960] =	vst v0;
	v0 =	vand.u32 $0xFFFF, v1  }
0x2b: {  	[tilespmem:$0x2870] =	vst v0;
	v0 =	vshrl.u32 v1, $0x10  }
0x2c: {  	[tilespmem:$0x2970] =	vst v0  }
0x2d: {  	[tilespmem:s13], [sflag:$0x1] =	stream.indirect.gather [hbm4b:s5+s11], $0x80, s12, s11, $0xb8;
	[tilespmem:$0x1EA00] =	vst v63  }
0x2e: {  	v0 =	vld [tilespmem:$0x80];
	_ =	sdelay $0x1  }
0x2f: {  	v1 =	vld [tilespmem:$0x90];
	_ =	sdelay $0x1  }
0x30: {  	v2 =	vld [tilespmem:$0xA0]  }
0x31: {  	v3 =	vand.u32 $0xFFFF, v0  }
0x32: {  	v0 =	vshrl.u32 v0, $0x10;
	[tilespmem:$0x2880] =	vst v3;
	v3 =	vld [tilespmem:$0xB0]  }
0x33: {  	[tilespmem:$0x2980] =	vst v0;
	v0 =	vand.u32 $0xFFFF, v1  }
0x34: {  	[tilespmem:$0x2890] =	vst v0;
	v0 =	vshrl.u32 v1, $0x10;
	v1 =	vld [tilespmem:$0xC0]  }
0x35: {  	[tilespmem:$0x2990] =	vst v0;
	v0 =	vand.u32 $0xFFFF, v2  }
0x36: {  	[tilespmem:$0x28A0] =	vst v0;
	v0 =	vshrl.u32 v2, $0x10;
	v2 =	vld [tilespmem:$0xD0]  }
0x37: {  	[tilespmem:$0x29A0] =	vst v0;
	v0 =	vand.u32 $0xFFFF, v3  }
0x38: {  	[tilespmem:$0x28B0] =	vst v0;
	v0 =	vshrl.u32 v3, $0x10;
	v3 =	vld [tilespmem:$0xE0]  }
0x39: {  	[tilespmem:$0x29B0] =	vst v0;
	v0 =	vand.u32 $0xFFFF, v1  }
0x3a: {  	[tilespmem:$0x28C0] =	vst v0;
	v0 =	vshrl.u32 v1, $0x10;
	v1 =	vld [tilespmem:$0xF0]  }
0x3b: {  	[tilespmem:$0x29C0] =	vst v0;
	v0 =	vand.u32 $0xFFFF, v2  }
0x3c: {  	[tilespmem:$0x28D0] =	vst v0;
	v0 =	vshrl.u32 v2, $0x10  }
0x3d: {  	[tilespmem:$0x29D0] =	vst v0;
	v0 =	vand.u32 $0xFFFF, v3  }
0x3e: {  	[tilespmem:$0x28E0] =	vst v0;
	v0 =	vshrl.u32 v3, $0x10  }
0x3f: {  	[tilespmem:$0x29E0] =	vst v0;
	v0 =	vand.u32 $0xFFFF, v1  }
0x40: {  	[tilespmem:$0x28F0] =	vst v0;
	v0 =	vshrl.u32 v1, $0x10  }
0x41: {  	[tilespmem:$0x29F0] =	vst v0  }
0x42: {  	[tilespmem:s15], [sflag:$0x2] =	stream.indirect.gather [hbm4b:s5+s11], $0x80, s14, s11, $0xb8;
	[tilespmem:$0x1EA00] =	vst v63  }
0x43: {  	_ =	swait.ge [sflag:s16], $0x4000  }
0x44: {  	[sflag:s16] =	ssyncset.done $0x0  }
0x45: {  	[sflag:s16] =	ssyncadd.s32 $0xFFFFC000  }
0x46: {  	[spmem:s3] =	stream.indirect.scatter.add.f32 [tilespmem:s13], [sflag:$0x3], $0x80, s17, s11, $0xb8;
	[tilespmem:$0x1EA00] =	vst v63  }
0x47: {  	_ =	swait.ge [sflag:s10], $0x4000  }
0x48: {  	[sflag:s10] =	ssyncset.done $0x0  }
0x49: {  	s22 =	simm.s32 $0x1F0;
	[sflag:s10] =	ssyncadd.s32 $0xFFFFC000  }
0x4a: {  	v0 =	vld [tilespmem:s22+$0xFFFFFF10];
	_ =	sdelay $0x4  }
0x4b: {  	v1 =	vand.u32 $0xFFFF, v0  }
0x4c: {  	v0 =	vshrl.u32 v0, $0x10;
	[tilespmem:$0x2800] =	vst v1  }
0x4d: {  	[tilespmem:$0x2900] =	vst v0  }
0x4e: {  	v0 =	vld [tilespmem:s22+$0xFFFFFF20];
	_ =	sdelay $0x4  }
0x4f: {  	v1 =	vand.u32 $0xFFFF, v0  }
0x50: {  	v0 =	vshrl.u32 v0, $0x10;
	[tilespmem:$0x2810] =	vst v1  }
0x51: {  	[tilespmem:$0x2910] =	vst v0  }
0x52: {  	v0 =	vld [tilespmem:s22+$0xFFFFFF30];
	_ =	sdelay $0x4  }
0x53: {  	v1 =	vand.u32 $0xFFFF, v0  }
0x54: {  	v0 =	vshrl.u32 v0, $0x10;
	[tilespmem:$0x2820] =	vst v1  }
0x55: {  	[tilespmem:$0x2920] =	vst v0  }
0x56: {  	v0 =	vld [tilespmem:s22+$0xFFFFFF40];
	_ =	sdelay $0x4  }
0x57: {  	v1 =	vand.u32 $0xFFFF, v0  }
0x58: {  	v0 =	vshrl.u32 v0, $0x10;
	[tilespmem:$0x2830] =	vst v1  }
0x59: {  	[tilespmem:$0x2930] =	vst v0  }
0x5a: {  	v0 =	vld [tilespmem:s22+$0xFFFFFF50];
	_ =	sdelay $0x4  }
0x5b: {  	v1 =	vand.u32 $0xFFFF, v0  }
0x5c: {  	v0 =	vshrl.u32 v0, $0x10;
	[tilespmem:$0x2840] =	vst v1  }
0x5d: {  	[tilespmem:$0x2940] =	vst v0  }
0x5e: {  	v0 =	vld [tilespmem:s22+$0xFFFFFF60];
	_ =	sdelay $0x4  }
0x5f: {  	v1 =	vand.u32 $0xFFFF, v0  }
0x60: {  	v0 =	vshrl.u32 v0, $0x10;
	[tilespmem:$0x2850] =	vst v1  }
0x61: {  	[tilespmem:$0x2950] =	vst v0  }
0x62: {  	v0 =	vld [tilespmem:s22+$0xFFFFFF70];
	_ =	sdelay $0x4  }
0x63: {  	v1 =	vand.u32 $0xFFFF, v0  }
0x64: {  	v0 =	vshrl.u32 v0, $0x10;
	[tilespmem:$0x2860] =	vst v1  }
0x65: {  	[tilespmem:$0x2960] =	vst v0  }
0x66: {  	v0 =	vld [tilespmem:s22+$0xFFFFFF80];
	_ =	sdelay $0x4  }
0x67: {  	v1 =	vand.u32 $0xFFFF, v0  }
0x68: {  	v0 =	vshrl.u32 v0, $0x10;
	[tilespmem:$0x2870] =	vst v1  }
0x69: {  	[tilespmem:$0x2970] =	vst v0  }
0x6a: {  	[tilespmem:s13], [sflag:$0x1] =	stream.indirect.gather [hbm4b:s5+s11], $0x80, s12, s11, $0xb8;
	[tilespmem:$0x1EA00] =	vst v63  }
0x6b: {  	_ =	swait.ge [sflag:s18], $0x4000  }
0x6c: {  	[sflag:s18] =	ssyncset.done $0x0  }
0x6d: {  	[sflag:s18] =	ssyncadd.s32 $0xFFFFC000  }
0x6e: {  	[spmem:s3] =	stream.indirect.scatter.add.f32 [tilespmem:s15], [sflag:$0x3], $0x80, s19, s11, $0xb8;
	[tilespmem:$0x1EA00] =	vst v63  }
0x6f: {  	_ =	swait.ge [sflag:s10], $0x4000  }
0x70: {  	[sflag:s10] =	ssyncset.done $0x0  }
0x71: {  	[sflag:s10] =	ssyncadd.s32 $0xFFFFC000  }
0x72: {  	v0 =	vld [tilespmem:s22+$0xFFFFFF90];
	_ =	sdelay $0x4  }
0x73: {  	v1 =	vand.u32 $0xFFFF, v0  }
0x74: {  	v0 =	vshrl.u32 v0, $0x10;
	[tilespmem:$0x2880] =	vst v1  }
0x75: {  	[tilespmem:$0x2980] =	vst v0  }
0x76: {  	v0 =	vld [tilespmem:s22+$0xFFFFFFA0];
	_ =	sdelay $0x4  }
0x77: {  	v1 =	vand.u32 $0xFFFF, v0  }
0x78: {  	v0 =	vshrl.u32 v0, $0x10;
	[tilespmem:$0x2890] =	vst v1  }
0x79: {  	[tilespmem:$0x2990] =	vst v0  }
0x7a: {  	v0 =	vld [tilespmem:s22+$0xFFFFFFB0];
	_ =	sdelay $0x4  }
0x7b: {  	v1 =	vand.u32 $0xFFFF, v0  }
0x7c: {  	v0 =	vshrl.u32 v0, $0x10;
	[tilespmem:$0x28A0] =	vst v1  }
0x7d: {  	[tilespmem:$0x29A0] =	vst v0  }
0x7e: {  	v0 =	vld [tilespmem:s22+$0xFFFFFFC0];
	_ =	sdelay $0x4  }
0x7f: {  	v1 =	vand.u32 $0xFFFF, v0  }
0x80: {  	v0 =	vshrl.u32 v0, $0x10;
	[tilespmem:$0x28B0] =	vst v1  }
0x81: {  	[tilespmem:$0x29B0] =	vst v0  }
0x82: {  	v0 =	vld [tilespmem:s22+$0xFFFFFFD0];
	_ =	sdelay $0x4  }
0x83: {  	v1 =	vand.u32 $0xFFFF, v0  }
0x84: {  	v0 =	vshrl.u32 v0, $0x10;
	[tilespmem:$0x28C0] =	vst v1  }
0x85: {  	[tilespmem:$0x29C0] =	vst v0  }
0x86: {  	v0 =	vld [tilespmem:s22+$0xFFFFFFE0];
	_ =	sdelay $0x4  }
0x87: {  	v1 =	vand.u32 $0xFFFF, v0  }
0x88: {  	v0 =	vshrl.u32 v0, $0x10;
	[tilespmem:$0x28D0] =	vst v1  }
0x89: {  	[tilespmem:$0x29D0] =	vst v0  }
0x8a: {  	v0 =	vld [tilespmem:s22+$0xFFFFFFF0];
	_ =	sdelay $0x4  }
0x8b: {  	v1 =	vand.u32 $0xFFFF, v0  }
0x8c: {  	s23 =	simm.s32 $0xBC0;
	v0 =	vshrl.u32 v0, $0x10;
	[tilespmem:$0x28E0] =	vst v1  }
.LBB2_2:
0x8d: {  	p0 =	sne.s32 s23, $0x9FC0;
	[tilespmem:$0x29E0] =	vst v0;
	s24 =	smov.u32 s23;
	s23 =	sadd.s32 $0x400, s23  }
0x8e: {  	v0 =	vld [tilespmem:s22+$0x0];
	_ =	sdelay $0x4  }
0x8f: {  	v1 =	vand.u32 $0xFFFF, v0;
	v0 =	vshrl.u32 v0, $0x10  }
0x90: {  	[tilespmem:$0x28F0] =	vst v1  }
0x91: {  	[tilespmem:$0x29F0] =	vst v0  }
0x92: {  	[tilespmem:s15], [sflag:$0x2] =	stream.indirect.gather [hbm4b:s5+s11], $0x80, s14, s11, $0xb8;
	[tilespmem:$0x1EA00] =	vst v63  }
0x93: {  	_ =	swait.ge [sflag:s16], $0x4000  }
0x94: {  	[sflag:s16] =	ssyncset.done $0x0  }
0x95: {  	[sflag:s16] =	ssyncadd.s32 $0xFFFFC000  }
0x96: {  	[spmem:s3] =	stream.indirect.scatter.add.f32 [tilespmem:s13], [sflag:$0x3], $0x80, s17, s11, $0xb8;
	[tilespmem:$0x1EA00] =	vst v63  }
0x97: {  	_ =	swait.ge [sflag:s10], $0x4000  }
0x98: {  	[sflag:s10] =	ssyncset.done $0x0  }
0x99: {  	s22 =	sshra.s32 s24, $0x2;
	[sflag:s10] =	ssyncadd.s32 $0xFFFFC000  }
0x9a: {  	v0 =	vld [tilespmem:s22+$0xFFFFFF10];
	_ =	sdelay $0x4  }
0x9b: {  	v1 =	vand.u32 $0xFFFF, v0;
	v0 =	vshrl.u32 v0, $0x10  }
0x9c: {  	[tilespmem:$0x2800] =	vst v1  }
0x9d: {  	[tilespmem:$0x2900] =	vst v0  }
0x9e: {  	v0 =	vld [tilespmem:s22+$0xFFFFFF20];
	_ =	sdelay $0x4  }
0x9f: {  	v1 =	vand.u32 $0xFFFF, v0;
	v0 =	vshrl.u32 v0, $0x10  }
0xa0: {  	[tilespmem:$0x2810] =	vst v1  }
0xa1: {  	[tilespmem:$0x2910] =	vst v0  }
0xa2: {  	v0 =	vld [tilespmem:s22+$0xFFFFFF30];
	_ =	sdelay $0x4  }
0xa3: {  	v1 =	vand.u32 $0xFFFF, v0;
	v0 =	vshrl.u32 v0, $0x10  }
0xa4: {  	[tilespmem:$0x2820] =	vst v1  }
0xa5: {  	[tilespmem:$0x2920] =	vst v0  }
0xa6: {  	v0 =	vld [tilespmem:s22+$0xFFFFFF40];
	_ =	sdelay $0x4  }
0xa7: {  	v1 =	vand.u32 $0xFFFF, v0;
	v0 =	vshrl.u32 v0, $0x10  }
0xa8: {  	[tilespmem:$0x2830] =	vst v1  }
0xa9: {  	[tilespmem:$0x2930] =	vst v0  }
0xaa: {  	v0 =	vld [tilespmem:s22+$0xFFFFFF50];
	_ =	sdelay $0x4  }
0xab: {  	v1 =	vand.u32 $0xFFFF, v0;
	v0 =	vshrl.u32 v0, $0x10  }
0xac: {  	[tilespmem:$0x2840] =	vst v1  }
0xad: {  	[tilespmem:$0x2940] =	vst v0  }
0xae: {  	v0 =	vld [tilespmem:s22+$0xFFFFFF60];
	_ =	sdelay $0x4  }
0xaf: {  	v1 =	vand.u32 $0xFFFF, v0;
	v0 =	vshrl.u32 v0, $0x10  }
0xb0: {  	[tilespmem:$0x2850] =	vst v1  }
0xb1: {  	[tilespmem:$0x2950] =	vst v0  }
0xb2: {  	v0 =	vld [tilespmem:s22+$0xFFFFFF70];
	_ =	sdelay $0x4  }
0xb3: {  	v1 =	vand.u32 $0xFFFF, v0;
	v0 =	vshrl.u32 v0, $0x10  }
0xb4: {  	[tilespmem:$0x2860] =	vst v1  }
0xb5: {  	[tilespmem:$0x2960] =	vst v0  }
0xb6: {  	v0 =	vld [tilespmem:s22+$0xFFFFFF80];
	_ =	sdelay $0x4  }
0xb7: {  	v1 =	vand.u32 $0xFFFF, v0;
	v0 =	vshrl.u32 v0, $0x10  }
0xb8: {  	[tilespmem:$0x2870] =	vst v1  }
0xb9: {  	[tilespmem:$0x2970] =	vst v0  }
0xba: {  	[tilespmem:s13], [sflag:$0x1] =	stream.indirect.gather [hbm4b:s5+s11], $0x80, s12, s11, $0xb8;
	[tilespmem:$0x1EA00] =	vst v63  }
0xbb: {  	_ =	swait.ge [sflag:s18], $0x4000  }
0xbc: {  	[sflag:s18] =	ssyncset.done $0x0  }
0xbd: {  	[sflag:s18] =	ssyncadd.s32 $0xFFFFC000  }
0xbe: {  	[spmem:s3] =	stream.indirect.scatter.add.f32 [tilespmem:s15], [sflag:$0x3], $0x80, s19, s11, $0xb8;
	[tilespmem:$0x1EA00] =	vst v63  }
0xbf: {  	_ =	swait.ge [sflag:s10], $0x4000  }
0xc0: {  	[sflag:s10] =	ssyncset.done $0x0  }
0xc1: {  	[sflag:s10] =	ssyncadd.s32 $0xFFFFC000  }
0xc2: {  	v0 =	vld [tilespmem:s22+$0xFFFFFF90];
	_ =	sdelay $0x4  }
0xc3: {  	v1 =	vand.u32 $0xFFFF, v0;
	v0 =	vshrl.u32 v0, $0x10  }
0xc4: {  	[tilespmem:$0x2880] =	vst v1  }
0xc5: {  	[tilespmem:$0x2980] =	vst v0  }
0xc6: {  	v0 =	vld [tilespmem:s22+$0xFFFFFFA0];
	_ =	sdelay $0x4  }
0xc7: {  	v1 =	vand.u32 $0xFFFF, v0;
	v0 =	vshrl.u32 v0, $0x10  }
0xc8: {  	[tilespmem:$0x2890] =	vst v1  }
0xc9: {  	[tilespmem:$0x2990] =	vst v0  }
0xca: {  	v0 =	vld [tilespmem:s22+$0xFFFFFFB0];
	_ =	sdelay $0x4  }
0xcb: {  	v1 =	vand.u32 $0xFFFF, v0;
	v0 =	vshrl.u32 v0, $0x10  }
0xcc: {  	[tilespmem:$0x28A0] =	vst v1  }
0xcd: {  	[tilespmem:$0x29A0] =	vst v0  }
0xce: {  	v0 =	vld [tilespmem:s22+$0xFFFFFFC0];
	_ =	sdelay $0x4  }
0xcf: {  	v1 =	vand.u32 $0xFFFF, v0;
	v0 =	vshrl.u32 v0, $0x10  }
0xd0: {  	[tilespmem:$0x28B0] =	vst v1  }
0xd1: {  	[tilespmem:$0x29B0] =	vst v0  }
0xd2: {  	v0 =	vld [tilespmem:s22+$0xFFFFFFD0];
	_ =	sdelay $0x4  }
0xd3: {  	v1 =	vand.u32 $0xFFFF, v0;
	v0 =	vshrl.u32 v0, $0x10  }
0xd4: {  	[tilespmem:$0x28C0] =	vst v1  }
0xd5: {  	[tilespmem:$0x29C0] =	vst v0  }
0xd6: {  	v0 =	vld [tilespmem:s22+$0xFFFFFFE0];
	_ =	sdelay $0x4  }
0xd7: {  	v1 =	vand.u32 $0xFFFF, v0;
	v0 =	vshrl.u32 v0, $0x10  }
0xd8: {  	[tilespmem:$0x28D0] =	vst v1  }
0xd9: {  	[tilespmem:$0x29D0] =	vst v0  }
0xda: {  	v0 =	vld [tilespmem:s22+$0xFFFFFFF0];
	_ =	sdelay $0x1  }
.Ltmp0:
0xdb: {  	(pc) =	sbr.rel @p0 .LBB2_2-.Ltmp0, $3  }
0xdc: {  	_ =	sdelay $0x1  }
0xdd: {  	v1 =	vand.u32 $0xFFFF, v0;
	v0 =	vshrl.u32 v0, $0x10  }
0xde: {  	[tilespmem:$0x28E0] =	vst v1  }
0xdf: {  	[tilespmem:$0x29E0] =	vst v0  }
0xe0: {  	v0 =	vld [tilespmem:s22+$0x0];
	_ =	sdelay $0x4  }
0xe1: {  	v1 =	vand.u32 $0xFFFF, v0  }
0xe2: {  	v0 =	vshrl.u32 v0, $0x10;
	[tilespmem:$0x28F0] =	vst v1  }
0xe3: {  	[tilespmem:$0x29F0] =	vst v0  }
0xe4: {  	[tilespmem:s15], [sflag:$0x2] =	stream.indirect.gather [hbm4b:s5+s11], $0x80, s14, s11, $0xb8;
	[tilespmem:$0x1EA00] =	vst v63  }
0xe5: {  	_ =	swait.ge [sflag:s16], $0x4000  }
0xe6: {  	[sflag:s16] =	ssyncset.done $0x0  }
0xe7: {  	[sflag:s16] =	ssyncadd.s32 $0xFFFFC000  }
0xe8: {  	[spmem:s3] =	stream.indirect.scatter.add.f32 [tilespmem:s13], [sflag:$0x3], $0x80, s17, s11, $0xb8;
	[tilespmem:$0x1EA00] =	vst v63  }
0xe9: {  	_ =	swait.ge [sflag:s10], $0x4000  }
0xea: {  	[sflag:s10] =	ssyncset.done $0x0  }
0xeb: {  	[sflag:s10] =	ssyncadd.s32 $0xFFFFC000  }
0xec: {  	_ =	swait.ge [sflag:s18], $0x4000  }
0xed: {  	[sflag:s18] =	ssyncset.done $0x0  }
0xee: {  	[sflag:s18] =	ssyncadd.s32 $0xFFFFC000  }
0xef: {  	[spmem:s3] =	stream.indirect.scatter.add.f32 [tilespmem:s15], [sflag:$0x3], $0x80, s19, s11, $0xb8;
	[tilespmem:$0x1EA00] =	vst v63  }
0xf0: {  	_ =	swait.ge [sflag:s10], $0x4000  }
0xf1: {  	s21 =	sadd.s32 $0x1, s21;
	[sflag:s10] =	ssyncset.done $0x0  }
0xf2: {  	p0 =	sne.s32 s21, s8;
	[sflag:s10] =	ssyncadd.s32 $0xFFFFC000  }
.Ltmp1:
0xf3: {  	[bflag:$0x0] =	sbarrier.arrive $0xFFFF;
	(pc) =	sbr.rel @p0 .LBB2_1-.Ltmp1, $4  }
0xf4: {  	[hbm:s20], [sflag:s6] =	dma.local [spmem:s9], $0x2800  }
0xf5: {  	_ =	swait.ge [sflag:s10], $0x2800  }
0xf6: {  	[sflag:s10] =	ssyncset.done $0x0  }
0xf7: {  	[sflag:s10] =	ssyncadd.s32 $0xFFFFD800  }
0xf8: {  	_ =	sfence.sel $0x180000  }
0xf9: {  	[bflag:$0x0] =	sbarrier.arrive $0xFFFF  }
0xfa: {  	p0 =	sne.s32 s0, $0x0;
	_ =	strace $0x9000004D  }
0xfb: {  	s0 =	sadd.s32 @!p0 $0x100000, s1;
	[bflag:$0x2] =	sbarrier.arrive $0xFFFF  }
0xfc: {  	[sflag:s0] =	ssyncadd.tile.s32 @!p0 $0x1;
	_ =	shalt  }
.Lfunc_end2:
_tile_overlayer_lowered:
.L_overlay_start_2:
0xfd: {  	(tag) =	ssettag $0x2  }
0xfe: {  	s0 =	rddreg [dreg:$0x0];
	s2 =	stileid.u32  }
0xff: {  	s1 =	rddreg [dreg:$0x1];
	p0 =	sne.s32 s2, $0x0  }
0x100: {  	s3 =	rddreg [dreg:$0x2];
	[bflag:$0x3] =	sbarrier.arrive $0xFFFF;
	s2 =	simm.s32 @!p0 $0x1C03  }
0x101: {  	[timem:s3], [sflag:s2] =	dma.local @!p0 [hbm:s0], s1  }
0x102: {  	s0 =	simm.s32 @!p0 $0x3  }
0x103: {  	_ =	swait.ge @!p0 [sflag:s0], s1  }
0x104: {  	s1 =	ssub.s32 @!p0 $0x0, s1;
	[sflag:s0] =	ssyncset.done @!p0 $0x0  }
0x105: {  	[sflag:s0] =	ssyncadd.s32 @!p0 s1  }
0x106: {  	[bflag:$0x3] =	sbarrier.arrive $0xFFFF  }
0x107: {  	_ =	shalt  }

// kernel: kernel.8.cloned.1.call-start
scs
__scs_entry_jumppad:
0x0: {  	(pc) =	sbr.rel $0x88, $3  }
0x1: {  	(tag) =	ssettag $0x0;
	lr =	simm.s32 $0x1  }
0x2: {  	[smem:$0x3F99] =	sst lr;
	_ =	strace $0xD0000000  }
0x3: {  	_ = 	snop  }
0x4: {  	_ = 	snop  }
0x5: {  	_ = 	snop  }
0x6: {  	_ = 	snop  }
0x7: {  	_ = 	snop  }
__scs_overlays_trampoline_lowered:
0x8: {  	[smem:$0x3FA8] =	sst s0  }
0x9: {  	[smem:$0x3FA9] =	sst s1  }
0xa: {  	[smem:$0x3FAA] =	sst s2  }
0xb: {  	[smem:$0x3FAB] =	sst s3  }
0xc: {  	[smem:$0x3FAC] =	sst s4  }
0xd: {  	[smem:$0x3FAD] =	sst s5  }
0xe: {  	[smem:$0x3FAE] =	sst s6  }
0xf: {  	[smem:$0x3FAF] =	sst s7  }
0x10: {  	[smem:$0x3FB0] =	sst s8  }
0x11: {  	[smem:$0x3FB1] =	sst s9;
	s0 =	simm.s32 @!p0 $0x0  }
0x12: {  	s1 =	sld [smem:$0x3F97];
	s0 =	simm.s32 @p0 $0x1  }
0x13: {  	[smem:$0x3FB2] =	sst s0;
	s0 =	simm.s32 @!p1 $0x0  }
0x14: {  	s2 =	sld [smem:$0x3F96];
	s0 =	simm.s32 @p1 $0x1  }
0x15: {  	[smem:$0x3FB3] =	sst s0;
	s0 =	simm.s32 @!p2 $0x0  }
0x16: {  	s3 =	sld [smem:$0x3FDB];
	s0 =	simm.s32 @p2 $0x1  }
0x17: {  	s4 =	simm.s32 $0x1BF5;
	[smem:$0x3FB5] =	sst s0  }
0x18: {  	s0 =	sld [smem:$0x3F98];
	_ =	swait.ge [sflag:s4], $0x0  }
0x19: {  	s7 =	sld [smem:$0x3F99]  }
0x1a: {  	s8 =	sadd.s32 $0xFFFFE003, lr  }
0x1b: {  	s9 =	sadd.s32 $0xFFFFFEF7, lr;
	s5 =	simm.s32 $0xFFFFFFFF;
	p2 =	slt.u32 s8, $0xFFFFF086  }
0x1c: {  	p1 =	slt.u32 s9, $0xF7A;
	s5 =	simm.s32 @!p2 $0x0  }
0x1d: {  	s5 =	simm.s32 @p1 $0x1;
	p0 =	seq.s32 s7, s2  }
0x1e: {  	s7 =	smul.u32 @!p0 $0xF7A, s2;
	p2 =	seq.s32 @!p0 s5, $0x0  }
0x1f: {  	s9 =	smul.u32 $0xF7A, s1;
	s8 =	simm.s32 @!p0 $0x1BF5;
	p2 =	por !p2, p0  }
0x20: {  	[sflag:s8] =	ssyncset.s32 @!p0 $0xFFFFF086;
	s6 =	sadd.s32 @!p0 s3, s7;
	s7 =	simm.s32 @!p0 $0x108  }
0x21: {  	s3 =	sadd.s32 s3, s9;
	s6 =	sadd.s32 @!p0 $0x88, s6;
	s7 =	simm.s32 @p2 $0x1082  }
0x22: {  	[simem:s7], [sflag:s8] =	dma.local @!p0 [hbm:s6], $0xF7A  }
0x23: {  	s9 =	sor.u32 $0xD0000000, s2;
	s6 =	simm.s32 $0x108;
	_ =	swait.ge @!p0 [sflag:s8], $0x0  }
0x24: {  	s3 =	sadd.s32 $0x88, s3;
	s6 =	simm.s32 @!p1 $0x1082;
	[sflag:s4] =	ssyncset.s32 $0xFFFFF086  }
0x25: {  	[simem:s6], [sflag:s4] =	dma.local [hbm:s3], $0xF7A  }
0x26: {  	[smem:$0x3F99] =	sst s1;
	(tag) =	ssettag s2;
	_ =	strace s9  }
0x27: {  	s1 =	sld [smem:$0x3FA9]  }
0x28: {  	s2 =	sld [smem:$0x3FAA]  }
0x29: {  	s4 =	sld [smem:$0x3FAC]  }
0x2a: {  	p0 =	seq.s32 s5, $0x0;
	s5 =	sld [smem:$0x3FAD]  }
0x2b: {  	s6 =	sld [smem:$0x3FAE]  }
0x2c: {  	s7 =	sld [smem:$0x3FAF]  }
0x2d: {  	s3 =	simm.s32 $0x108;
	s8 =	sld [smem:$0x3FB0]  }
0x2e: {  	s3 =	simm.s32 @!p0 $0x1082;
	s9 =	sld [smem:$0x3FB1]  }
0x2f: {  	lr =	sadd.s32 s0, s3;
	s0 =	sld [smem:$0x3FA8]  }
0x30: {  	s3 =	sld [smem:$0x3FAB]  }
0x31: {  	[smem:$0x3FB4] =	sst s10  }
0x32: {  	s10 =	sld [smem:$0x3FB2];
	_ =	sdelay $0x3  }
0x33: {  	p0 =	seq.s32 s10, $0x1;
	s10 =	sld [smem:$0x3FB4];
	_ =	sdelay $0x3  }
0x34: {  	[smem:$0x3FB4] =	sst s10  }
0x35: {  	s10 =	sld [smem:$0x3FB3];
	_ =	sdelay $0x3  }
0x36: {  	p1 =	seq.s32 s10, $0x1;
	s10 =	sld [smem:$0x3FB4];
	_ =	sdelay $0x3  }
0x37: {  	[smem:$0x3FB4] =	sst s10  }
0x38: {  	s10 =	sld [smem:$0x3FB5]  }
0x39: {  	_ = 	snop;
	(pc) =	sbr.ind lr, $3  }
0x3a: {  	_ = 	snop  }
0x3b: {  	_ = 	snop  }
0x3c: {  	p2 =	seq.s32 s10, $0x1;
	s10 =	sld [smem:$0x3FB4]  }
0x3d: {  	_ =	shalt  }
0x3e: {  	_ =	shalt  }
0x3f: {  	_ =	shalt  }
0x40: {  	_ =	shalt  }
0x41: {  	_ =	shalt  }
0x42: {  	_ =	shalt  }
0x43: {  	_ =	shalt  }
0x44: {  	_ =	shalt  }
0x45: {  	_ =	shalt  }
0x46: {  	_ =	shalt  }
0x47: {  	_ =	shalt  }
0x48: {  	_ =	shalt  }
0x49: {  	_ =	shalt  }
0x4a: {  	_ =	shalt  }
0x4b: {  	_ =	shalt  }
0x4c: {  	_ =	shalt  }
0x4d: {  	_ =	shalt  }
0x4e: {  	_ =	shalt  }
0x4f: {  	_ =	shalt  }
0x50: {  	_ =	shalt  }
0x51: {  	_ =	shalt  }
0x52: {  	_ =	shalt  }
0x53: {  	_ =	shalt  }
0x54: {  	_ =	shalt  }
0x55: {  	_ =	shalt  }
0x56: {  	_ =	shalt  }
0x57: {  	_ =	shalt  }
0x58: {  	_ =	shalt  }
0x59: {  	_ =	shalt  }
0x5a: {  	_ =	shalt  }
0x5b: {  	_ =	shalt  }
0x5c: {  	_ =	shalt  }
0x5d: {  	_ =	shalt  }
0x5e: {  	_ =	shalt  }
0x5f: {  	_ =	shalt  }
0x60: {  	_ =	shalt  }
0x61: {  	_ =	shalt  }
0x62: {  	_ =	shalt  }
0x63: {  	_ =	shalt  }
0x64: {  	_ =	shalt  }
0x65: {  	_ =	shalt  }
0x66: {  	_ =	shalt  }
0x67: {  	_ =	shalt  }
0x68: {  	_ =	shalt  }
0x69: {  	_ =	shalt  }
0x6a: {  	_ =	shalt  }
0x6b: {  	_ =	shalt  }
0x6c: {  	_ =	shalt  }
0x6d: {  	_ =	shalt  }
0x6e: {  	_ =	shalt  }
0x6f: {  	_ =	shalt  }
0x70: {  	_ =	shalt  }
0x71: {  	_ =	shalt  }
0x72: {  	_ =	shalt  }
0x73: {  	_ =	shalt  }
0x74: {  	_ =	shalt  }
0x75: {  	_ =	shalt  }
0x76: {  	_ =	shalt  }
0x77: {  	_ =	shalt  }
0x78: {  	_ =	shalt  }
0x79: {  	_ =	shalt  }
0x7a: {  	_ =	shalt  }
0x7b: {  	_ =	shalt  }
0x7c: {  	_ =	shalt  }
0x7d: {  	_ =	shalt  }
0x7e: {  	_ =	shalt  }
0x7f: {  	_ =	shalt  }
0x80: {  	_ =	shalt  }
0x81: {  	_ =	shalt  }
0x82: {  	_ =	shalt  }
0x83: {  	_ =	shalt  }
0x84: {  	_ =	shalt  }
0x85: {  	_ =	shalt  }
0x86: {  	_ =	shalt  }
0x87: {  	_ =	shalt  }
.Lfunc_end0:
.L_simem_size_0:
called_computation_lowered:
.L_overlay_start_0:
0x88: {  	s2 =	sld [smem:$0x3FD9]  }
0x89: {  	s3 =	sld [smem:$0x3FFE];
	_ =	sdelay $0x1  }
0x8a: {  	s1 =	srdreg.scid  }
0x8b: {  	s0 =	sand.u32 $0x1, s1  }
0x8c: {  	s17 =	sshll.u32 s0, $0xA;
	s2 =	sadd.s32 s3, s2  }
0x8d: {  	s2 =	sadd.s32 s2, s17  }
0x8e: {  	[smem:$0x3FC0] =	sst s2  }
0x8f: {  	_ = 	snop  }
0x90: {  	s2 =	sld [smem:$0x3FD0];
	(tm) =	ssettm $0x1  }
0x91: {  	s18 =	sld [smem:$0x3FFB];
	_ =	sdelay $0x3  }
0x92: {  	_ =	strace s18  }
0x93: {  	s3 =	sld [smem:$0x3FFC];
	_ =	sdelay $0x3  }
0x94: {  	_ =	strace s3  }
0x95: {  	s3 =	sld [smem:$0x3FFD];
	_ =	sdelay $0x3  }
0x96: {  	_ =	strace s3  }
0x97: {  	_ =	strace $0x8FFFFFFF  }
0x98: {  	s19 =	sld [smem:$0x3FDB];
	_ =	sdelay $0x1  }
0x99: {  	s4 =	simm.s32 $_scs_section_size  }
0x9a: {  	s5 =	simm.s32 $_size__tile_overlayer_lowered;
	s6 =	simm.s32 $_tile_overlayer_lowered  }
0x9b: {  	s22 =	simm.s32 $0x1BFF;
	s21 =	sshll.u32 s6, $0x1;
	s3 =	sadd.s32 s4, s19  }
0x9c: {  	s7 =	simm.s32 $0x0;
	s20 =	sshll.u32 s5, $0x1;
	s5 =	sadd.s32 s21, s3  }
0x9d: {  	[timem:s7], [sflag:s22] =	dma.local [hbm:s5], s20  }
0x9e: {  	_ =	swait.ge [sflag:s22], s20  }
0x9f: {  	s4 =	ssub.s32 $0x0, s20;
	[sflag:s22] =	ssyncset.done $0x0  }
0xa0: {  	[sflag:s22] =	ssyncadd.s32 s4;
	_ =	sdelay $0x1  }
0xa1: {  	s23 =	simm.s32 $0x1B8B  }
0xa2: {  	_ =	swait.ge [sflag:s23], $0x1  }
0xa3: {  	[sflag:s23] =	ssyncset.done $0x0  }
0xa4: {  	s25 =	simm.s32 $0x1B8E;
	s24 =	sld [smem:$0x3FFE];
	[sflag:s23] =	ssyncadd.s32 $0xFFFFFFFF  }
0xa5: {  	s26 =	simm.s32 $execute0_lowered;
	[smem:$0x3FD2] =	sst s25  }
0xa6: {  	s5 =	sshll.u32 s26, $0x1;
	_ =	strace $0x80000046;
	[dreg:$0x1] =	wrdreg $0xFFFFFFFF  }
0xa7: {  	s28 =	simm.s32 $_size_execute0_lowered;
	s3 =	sadd.s32 s3, s5;
	[dreg:$0x0] =	wrdreg $0x0  }
0xa8: {  	s5 =	sshll.u32 s28, $0x1;
	[dreg:$0x2] =	wrdreg s3  }
0xa9: {  	[dreg:$0x3] =	wrdreg s5  }
0xaa: {  	[dreg:$0x4] =	wrdreg $0xC0  }
0xab: {  	_ =	task [dreg:s7], $0x5FFFF  }
0xac: {  	[dreg:$0x1] =	wrdreg $0xFFFFFFFF  }
0xad: {  	[dreg:$0x0] =	wrdreg $0x60  }
0xae: {  	[dreg:$0x2] =	wrdreg s2  }
0xaf: {  	[dreg:$0x3] =	wrdreg s24  }
0xb0: {  	[dreg:$0x4] =	wrdreg $0x7A800  }
0xb1: {  	[dreg:$0x5] =	wrdreg $0x9  }
0xb2: {  	_ =	task.clear_ibuf [dreg:s7], $0x6FFFF;
	_ =	strace $0x90000046  }
0xb3: {  	s29 =	simm.s32 $0x9;
	_ =	strace $0x80000048  }
0xb4: {  	_ =	swait.ge [sflag:s29], $0x1  }
0xb5: {  	[sflag:s29] =	ssyncadd.s32 $0xFFFFFFFF  }
0xb6: {  	_ =	strace $0x90000048  }
0xb7: {  	_ =	sfence  }
0xb8: {  	s30 =	sld [smem:$0x0];
	_ =	sdelay $0x2  }
0xb9: {  	s31 =	sshll.u32 s1, $0xD;
	s1 =	sshrl.u32 s1, $0x2  }
0xba: {  	s3 =	sand.u32 $0x4000, s31;
	s1 =	sadd.s32 s1, s30  }
0xbb: {  	s0 =	sor.u32 s3, s0;
	s1 =	sshll.u32 s1, $0x11  }
0xbc: {  	s0 =	sor.u32 s1, s0  }
0xbd: {  	s0 =	sadd.s32 $0x8F2B, s0  }
0xbe: {  	[sflag:s0] =	ssyncadd.remote.s32 $0x1  }
0xbf: {  	_ =	sfence.sel $0xFFFF  }
0xc0: {  	[dreg:$0x0] =	wrdreg $0xFFFFFFFF;
	(pc) =	sbr.abs _section_cstart, $3  }
0xc1: {  	[dreg:$0x1] =	wrdreg $0xFFFFFFFF  }
0xc2: {  	_ =	task.clear_ibuf [dreg:s7], $0x2FFFF;
	_ =	strace $0x9FFFFFFF  }
0xc3: {  	(tm) =	ssettm $0x7FFFFFFF  }
tec
execute0_lowered:
.L_overlay_start_1:
0x0: {  	(tag) =	ssettag $0x1  }
0x1: {  	s3 =	rddreg [dreg:$0x0]  }
0x2: {  	s4 =	rddreg [dreg:$0x1]  }
0x3: {  	s5 =	rddreg [dreg:$0x2]  }
0x4: {  	s0 =	rddreg [dreg:$0x3];
	s2 =	simm.s32 $0x0;
	s1 =	srdreg.scid  }
0x5: {  	s12 =	simm.s32 $0x14000;
	s13 =	simm.s32 $0x5000;
	s16 =	simm.s32 $0x7800  }
0x6: {  	s17 =	simm.s32 $0x0;
	[smem:$0x7FF] =	sst s2;
	s6 =	sand.u32 $0x1, s1  }
0x7: {  	s1 =	stileid.u32;
	_ =	strace $0x80000047;
	s7 =	sshll.u32 s6, $0x4  }
0x8: {  	s8 =	sshrl.u32 s1, $0x3;
	s6 =	ssub.s32 $0x2, s6;
	s11 =	smul.u32 $0x5000, s1  }
0x9: {  	s10 =	sshll.u32 s1, $0x7;
	s15 =	smul.u32 $0xA0, s1;
	s9 =	sor.u32 s1, s7  }
0xa: {  	s8 =	smul.u32 $0x50000, s8;
	s7 =	sadd.s32 s7, s4;
	s29 =	sshrl.u32 s6, $0x1  }
0xb: {  	s30 =	sand.u32 $0x380, s10;
	s10 =	simm.s32 $0x400;
	s9 =	smul.u32 $0x500, s9  }
0xc: {  	s6 =	ssub.s32 s6, s29;
	s31 =	sshrl.u32 s11, $0x2;
	s14 =	sadd.s32 $0x3600, s7  }
0xd: {  	s7 =	simm.s32 $0x1;
	s11 =	simm.s32 $0x1400;
	s8 =	sshrl.u32 s8, $0x2  }
0xe: {  	s6 =	smax.u32 s6, $0x1;
	s14 =	sadd.s32 s15, s14;
	s15 =	simm.s32 $0x100  }
0xf: {  	s8 =	sadd.s32 s8, s5;
	s3 =	sadd.s32 s3, s9;
	s5 =	sadd.s32 s31, s5  }
0x10: {  	v0 =	vimm.f32 $0.0e+00;
	v1 =	vimm.f32 $1.000000000e+00;
	s9 =	simm.s32 $0x80;
	s4 =	sadd.s32 s30, s8;
	s8 =	simm.s32 $0x2800  }
.LBB2_1:
0x11: {  	[tilespmem:s2], [sflag:$0x1] =	stream.linear.gather [hbm4b:s3+s2], $0x2800, $0x38;
	[tilespmem:$0xA280] =	vst v63  }
0x12: {  	_ =	swait.ge [sflag:s7], $0x2800  }
0x13: {  	[sflag:s7] =	ssyncset.done $0x0  }
0x14: {  	s18 =	simm.s32 $0x0;
	[sflag:s7] =	ssyncadd.s32 $0xFFFFD800  }
.LBB2_2:
0x15: {  	p0 =	sne.s32 s18, $0x9FC0  }
.Ltmp0:
0x16: {  	_ = 	snop;
	(pc) =	sbr.rel @p0 .LBB2_2-.Ltmp0, $3  }
0x17: {  	_ =	sdelay $0x1  }
0x18: {  	s19 =	sshra.s32 s18, $0x2  }
0x19: {  	s18 =	sadd.s32 $0x40, s18;
	[tilespmem:s19+$0x2800] =	vst v0  }
0x1a: {  	s18 =	simm.s32 $0x0  }
0x1b: {  	s19 =	sand.u32 $0xFE00, s18  }
0x1c: {  	s18 =	sand.u32 $0x70, s18;
	s19 =	sshrl.u32 s19, $0x2  }
0x1d: {  	s18 =	sor.u32 s18, s19  }
0x1e: {  	v2 =	vld [tilespmem:s18+$0x0];
	_ =	sdelay $0x4  }
0x1f: {  	s20 =	simm.s32 $0x40  }
0x20: {  	s20 =	sand.u32 $0xFE00, s20;
	s19 =	simm.s32 $0x80;
	s18 =	simm.s32 $0x10  }
.LBB2_4:
0x21: {  	p0 =	sne.s32 s19, $0x9FC0;
	s21 =	sand.u32 $0x70, s18;
	s20 =	sshrl.u32 s20, $0x2  }
0x22: {  	s20 =	sor.u32 s21, s20;
	[tilespmem:v2+s8+$0x0] =	vst.idx.add.f32.msk $0xffff, v1  }
0x23: {  	v2 =	vld [tilespmem:s20+$0x0];
	_ =	sdelay $0x1  }
.Ltmp1:
0x24: {  	(pc) =	sbr.rel @p0 .LBB2_4-.Ltmp1, $2  }
0x25: {  	_ =	sdelay $0x2  }
0x26: {  	s18 =	sadd.s32 $0x10, s18;
	s20 =	sand.u32 $0xFE00, s19;
	s19 =	sadd.s32 $0x40, s19  }
0x27: {  	_ =	sdelay $0x2  }
0x28: {  	s18 =	sand.u32 $0x70, s18;
	s19 =	sshrl.u32 s20, $0x2  }
0x29: {  	[tilespmem:v2+s8+$0x0] =	vst.idx.add.f32.msk $0xffff, v1;
	s18 =	sor.u32 s18, s19  }
0x2a: {  	v2 =	vld [tilespmem:s18+$0x0];
	_ =	sdelay $0x7  }
0x2b: {  	[tilespmem:v2+s8+$0x0] =	vst.idx.add.f32.msk $0xffff, v1  }
0x2c: {  	[spmem:s4] =	stream.strided.scatter [tilespmem:s8], [sflag:$0x1], $0x2800, s10, s9, $0x38;
	[tilespmem:$0xA280] =	vst v63  }
0x2d: {  	_ =	swait.ge [sflag:s7], $0x2800  }
0x2e: {  	[sflag:s7] =	ssyncset.done $0x0  }
0x2f: {  	[sflag:s7] =	ssyncadd.s32 $0xFFFFD800  }
0x30: {  	[bflag:$0x0] =	sbarrier.arrive $0xFFFF  }
0x31: {  	[tilespmem:s13], [sflag:$0x1] =	stream.strided.gather [spmem:s5], $0x2800, s12, s11, $0x38;
	[tilespmem:$0xA280] =	vst v63  }
0x32: {  	s29 =	simm.s32 $0x0;
	_ =	swait.ge [sflag:s7], $0x2800  }
0x33: {  	s30 =	sand.u32 $0x70, s29;
	s18 =	sand.u32 $0x1C00, s29;
	[sflag:s7] =	ssyncset.done $0x0  }
0x34: {  	s18 =	sor.u32 s30, s18;
	[sflag:s7] =	ssyncadd.s32 $0xFFFFD800  }
0x35: {  	v2 =	vld [tilespmem:s18+$0x5000];
	_ =	sdelay $0x1  }
0x36: {  	v3 =	vld [tilespmem:s18+$0x5080];
	_ =	sdelay $0x1  }
0x37: {  	v4 =	vld [tilespmem:s18+$0x5100]  }
0x38: {  	v2 =	vadd.f32 $0.0e+00, v2  }
0x39: {  	v5 =	vld [tilespmem:s18+$0x5180]  }
0x3a: {  	v2 =	vadd.f32 v3, v2  }
0x3b: {  	v3 =	vld [tilespmem:s18+$0x5200]  }
0x3c: {  	v2 =	vadd.f32 v4, v2  }
0x3d: {  	v56 =	vld [tilespmem:s18+$0x5280]  }
0x3e: {  	v2 =	vadd.f32 v5, v2  }
0x3f: {  	v57 =	vld [tilespmem:s18+$0x5300]  }
0x40: {  	v2 =	vadd.f32 v3, v2  }
0x41: {  	v3 =	vld [tilespmem:s18+$0x5380]  }
0x42: {  	v2 =	vadd.f32 v56, v2  }
0x43: {  	v58 =	vld [tilespmem:s18+$0x6400]  }
0x44: {  	v2 =	vadd.f32 v57, v2  }
0x45: {  	v59 =	vld [tilespmem:s18+$0x6480]  }
0x46: {  	v2 =	vadd.f32 v3, v2  }
0x47: {  	v3 =	vld [tilespmem:s18+$0x6500]  }
0x48: {  	v2 =	vadd.f32 v58, v2  }
0x49: {  	v60 =	vld [tilespmem:s18+$0x6580]  }
0x4a: {  	v2 =	vadd.f32 v59, v2  }
0x4b: {  	v61 =	vld [tilespmem:s18+$0x6600]  }
0x4c: {  	v2 =	vadd.f32 v3, v2  }
0x4d: {  	v3 =	vld [tilespmem:s18+$0x6680]  }
0x4e: {  	v2 =	vadd.f32 v60, v2  }
0x4f: {  	v62 =	vld [tilespmem:s18+$0x6700]  }
0x50: {  	v2 =	vadd.f32 v61, v2  }
0x51: {  	v63 =	vld [tilespmem:s18+$0x6780]  }
0x52: {  	v2 =	vadd.f32 v3, v2;
	_ =	sdelay $0x1  }
0x53: {  	v2 =	vadd.f32 v62, v2;
	_ =	sdelay $0x1  }
0x54: {  	s31 =	simm.s32 $0x10;
	s20 =	simm.s32 $0x20;
	s19 =	simm.s32 $0x80;
	v2 =	vadd.f32 v63, v2  }
0x55: {  	s21 =	sand.u32 $0x70, s31;
	s22 =	sand.u32 $0x1C00, s19;
	s18 =	simm.s32 $0x7800  }
.LBB2_6:
0x56: {  	p0 =	sne.s32 s20, $0x270;
	s21 =	sor.u32 s21, s22;
	[tilespmem:s18+$0x0] =	vst v2  }
0x57: {  	v2 =	vld [tilespmem:s21+$0x5000];
	_ =	sdelay $0x1  }
0x58: {  	v3 =	vld [tilespmem:s21+$0x5080];
	_ =	sdelay $0x1  }
0x59: {  	v4 =	vld [tilespmem:s21+$0x5100]  }
0x5a: {  	v2 =	vadd.f32 $0.0e+00, v2  }
0x5b: {  	v5 =	vld [tilespmem:s21+$0x5180]  }
0x5c: {  	v2 =	vadd.f32 v3, v2  }
0x5d: {  	v3 =	vld [tilespmem:s21+$0x5200]  }
0x5e: {  	v2 =	vadd.f32 v4, v2  }
0x5f: {  	v4 =	vld [tilespmem:s21+$0x5280]  }
0x60: {  	v2 =	vadd.f32 v5, v2  }
0x61: {  	v5 =	vld [tilespmem:s21+$0x5300]  }
0x62: {  	v2 =	vadd.f32 v3, v2  }
0x63: {  	v3 =	vld [tilespmem:s21+$0x5380]  }
0x64: {  	v2 =	vadd.f32 v4, v2  }
0x65: {  	v4 =	vld [tilespmem:s21+$0x6400]  }
0x66: {  	v2 =	vadd.f32 v5, v2  }
0x67: {  	v5 =	vld [tilespmem:s21+$0x6480]  }
0x68: {  	v2 =	vadd.f32 v3, v2  }
0x69: {  	v3 =	vld [tilespmem:s21+$0x6500]  }
0x6a: {  	v2 =	vadd.f32 v4, v2  }
0x6b: {  	v4 =	vld [tilespmem:s21+$0x6580]  }
0x6c: {  	v2 =	vadd.f32 v5, v2  }
0x6d: {  	v5 =	vld [tilespmem:s21+$0x6600]  }
0x6e: {  	v2 =	vadd.f32 v3, v2  }
0x6f: {  	v3 =	vld [tilespmem:s21+$0x6680]  }
0x70: {  	v2 =	vadd.f32 v4, v2  }
0x71: {  	v4 =	vld [tilespmem:s21+$0x6700]  }
0x72: {  	v2 =	vadd.f32 v5, v2  }
0x73: {  	v5 =	vld [tilespmem:s21+$0x6780]  }
0x74: {  	v2 =	vadd.f32 v3, v2  }
.Ltmp2:
0x75: {  	(pc) =	sbr.rel @p0 .LBB2_6-.Ltmp2, $3  }
0x76: {  	v2 =	vadd.f32 v4, v2;
	_ =	sdelay $0x1  }
0x77: {  	s19 =	sadd.s32 $0x80, s19;
	s18 =	sadd.s32 $0x10, s18;
	v2 =	vadd.f32 v5, v2  }
0x78: {  	s22 =	sand.u32 $0x1C00, s19;
	s21 =	sand.u32 $0x70, s20;
	s20 =	sadd.s32 $0x10, s20  }
0x79: {  	s19 =	sor.u32 s21, s22;
	[tilespmem:s18+$0x0] =	vst v2  }
0x7a: {  	v2 =	vld [tilespmem:s19+$0x5000];
	_ =	sdelay $0x1  }
0x7b: {  	v3 =	vld [tilespmem:s19+$0x5080];
	_ =	sdelay $0x1  }
0x7c: {  	v4 =	vld [tilespmem:s19+$0x5100]  }
0x7d: {  	v2 =	vadd.f32 $0.0e+00, v2  }
0x7e: {  	v5 =	vld [tilespmem:s19+$0x5180]  }
0x7f: {  	v2 =	vadd.f32 v3, v2  }
0x80: {  	v3 =	vld [tilespmem:s19+$0x5200]  }
0x81: {  	v2 =	vadd.f32 v4, v2  }
0x82: {  	v56 =	vld [tilespmem:s19+$0x5280]  }
0x83: {  	v2 =	vadd.f32 v5, v2  }
0x84: {  	v57 =	vld [tilespmem:s19+$0x5300]  }
0x85: {  	v2 =	vadd.f32 v3, v2  }
0x86: {  	v3 =	vld [tilespmem:s19+$0x5380]  }
0x87: {  	v2 =	vadd.f32 v56, v2  }
0x88: {  	v58 =	vld [tilespmem:s19+$0x6400]  }
0x89: {  	v2 =	vadd.f32 v57, v2  }
0x8a: {  	v59 =	vld [tilespmem:s19+$0x6480]  }
0x8b: {  	v2 =	vadd.f32 v3, v2  }
0x8c: {  	v3 =	vld [tilespmem:s19+$0x6500]  }
0x8d: {  	v2 =	vadd.f32 v58, v2  }
0x8e: {  	v60 =	vld [tilespmem:s19+$0x6580]  }
0x8f: {  	v2 =	vadd.f32 v59, v2  }
0x90: {  	v61 =	vld [tilespmem:s19+$0x6600]  }
0x91: {  	v2 =	vadd.f32 v3, v2  }
0x92: {  	v3 =	vld [tilespmem:s19+$0x6680]  }
0x93: {  	v2 =	vadd.f32 v60, v2  }
0x94: {  	v62 =	vld [tilespmem:s19+$0x6700]  }
0x95: {  	v2 =	vadd.f32 v61, v2  }
0x96: {  	v63 =	vld [tilespmem:s19+$0x6780]  }
0x97: {  	v2 =	vadd.f32 v3, v2;
	_ =	sdelay $0x1  }
0x98: {  	v2 =	vadd.f32 v62, v2;
	_ =	sdelay $0x1  }
0x99: {  	s17 =	sadd.s32 $0x1, s17;
	v2 =	vadd.f32 v63, v2  }
0x9a: {  	s31 =	sadd.s32 $0x10, s18;
	p0 =	sne.s32 s17, s6  }
.Ltmp3:
0x9b: {  	[tilespmem:s31+$0x0] =	vst v2;
	(pc) =	sbr.rel @p0 .LBB2_1-.Ltmp3, $4  }
0x9c: {  	[hbm4b:s14+s9] =	stream.strided.scatter [tilespmem:s16], [sflag:$0x1], $0x280, s15, s9, $0x38;
	[tilespmem:$0xA280] =	vst v63  }
0x9d: {  	_ =	swait.ge [sflag:s7], $0x280  }
0x9e: {  	[sflag:s7] =	ssyncset.done $0x0  }
0x9f: {  	[sflag:s7] =	ssyncadd.s32 $0xFFFFFD80  }
0xa0: {  	_ =	sfence.sel $0x180000  }
0xa1: {  	[bflag:$0x0] =	sbarrier.arrive $0xFFFF  }
0xa2: {  	p0 =	sne.s32 s1, $0x0;
	_ =	strace $0x90000047  }
0xa3: {  	s0 =	sadd.s32 @!p0 $0x100000, s0;
	[bflag:$0x2] =	sbarrier.arrive $0xFFFF  }
0xa4: {  	[sflag:s0] =	ssyncadd.tile.s32 @!p0 $0x1;
	_ =	shalt  }
.Lfunc_end2:
_tile_overlayer_lowered:
.L_overlay_start_2:
0xa5: {  	(tag) =	ssettag $0x2  }
0xa6: {  	s0 =	rddreg [dreg:$0x0];
	s2 =	stileid.u32  }
0xa7: {  	s1 =	rddreg [dreg:$0x1];
	p0 =	sne.s32 s2, $0x0  }
0xa8: {  	s3 =	rddreg [dreg:$0x2];
	[bflag:$0x3] =	sbarrier.arrive $0xFFFF;
	s2 =	simm.s32 @!p0 $0x1C01  }
0xa9: {  	[timem:s3], [sflag:s2] =	dma.local @!p0 [hbm:s0], s1  }
0xaa: {  	s0 =	simm.s32 @!p0 $0x1  }
0xab: {  	_ =	swait.ge @!p0 [sflag:s0], s1  }
0xac: {  	s1 =	ssub.s32 @!p0 $0x0, s1;
	[sflag:s0] =	ssyncset.done @!p0 $0x0  }
0xad: {  	[sflag:s0] =	ssyncadd.s32 @!p0 s1  }
0xae: {  	[bflag:$0x3] =	sbarrier.arrive $0xFFFF  }
0xaf: {  	_ =	shalt  }

</sc_bundles>
